<compile_context>
chip_gen: v7x
topology: tpu7x:2x2x1
jax: 0.10.2.dev20260603
libtpu: 0.0.44.dev20260713+nightly
codegen_flags: <defaults>
</compile_context>

<pallas_src>
import functools

import jax
import jax.numpy as jnp
from jax import lax
from jax.experimental import pallas as pl
from jax.experimental.pallas import tpu as pltpu
from jax.experimental.pallas import tpu_sc as plsc

_NC, _NS = 2, 16
_NW = _NC * _NS
_H = 128
_IC = 4



def _make_sc_agg(n_pad, rpw, rows_w, mode):
    gather = mode == "acc"
    mesh = plsc.VectorSubcoreMesh(core_axis_name="c", subcore_axis_name="s")

    out_type = jax.ShapeDtypeStruct((_NC, _NS, rpw, _H), jnp.float32)
    scratch = [
        pltpu.VMEM((_IC, 128), jnp.int32),
        pltpu.VMEM((_IC, 128), jnp.int32),
        pltpu.VMEM((128, _H), jnp.float32),
        pltpu.VMEM_SHARED((n_pad, _H), jnp.float32),
        pltpu.SemaphoreType.DMA,
    ]

    assert rpw % 128 == 0
    n_chunks = rpw // 128

    def body(*refs):
        if gather:
            (src_hbm, dst_hbm, tab_hbm, acc_out,
             srcv, dstv, rowsv, acc_sh, sem) = refs
        else:
            (dst_hbm, acc_out, srcv, dstv, rowsv, acc_sh, sem) = refs
        cid = lax.axis_index("c")
        sid = lax.axis_index("s")
        wid = cid * _NS + sid

        iota16 = lax.iota(jnp.int32, 16)

        def set_idx_row(base):
            for j in range(_H // 16):
                srcv[0, pl.ds(j * 16, 16)] = base + j * 16 + iota16

        def fill(val):
            v16 = jnp.full((16,), val, jnp.float32)

            def frow(i, carry):
                for j in range(_H // 16):
                    rowsv[i, pl.ds(j * 16, 16)] = v16
                return carry

            lax.fori_loop(0, 128, frow, 0)

        fill(0.0)

        def zinit(k, carry):
            set_idx_row(sid * rpw + k * 128)
            pltpu.sync_copy(rowsv, acc_sh.at[srcv.at[0]])
            return carry

        lax.fori_loop(0, n_chunks, zinit, 0)
        if not gather:
            fill(1.0)

        plsc.subcore_barrier()

        def chunk(ci, carry):
            r0 = pl.multiple_of(ci * _IC, _IC)
            if gather:
                pltpu.sync_copy(src_hbm.at[wid, pl.ds(r0, _IC)], srcv)
            pltpu.sync_copy(dst_hbm.at[wid, pl.ds(r0, _IC)], dstv)

            def step(i, c2):
                if gather:
                    pltpu.async_copy(tab_hbm.at[srcv.at[i]], rowsv, sem).wait()
                pltpu.sync_copy(rowsv, acc_sh.at[dstv.at[i]], add=True)
                return c2

            return lax.fori_loop(0, _IC, step, carry)

        lax.fori_loop(0, rows_w // _IC, chunk, 0)

        plsc.subcore_barrier()

        def wb(k, carry):
            off = pl.multiple_of(k * 128, 128)
            set_idx_row(sid * rpw + off)
            pltpu.async_copy(acc_sh.at[srcv.at[0]], rowsv, sem).wait()
            pltpu.sync_copy(rowsv, acc_out.at[cid, sid, pl.ds(off, 128)])
            return carry

        lax.fori_loop(0, n_chunks, wb, 0)

    return pl.kernel(body, out_type, mesh=mesh, scratch_types=scratch)



def _proj_body(x_ref, w_ref, b_ref, o_ref):
    o_ref[...] = (jnp.dot(x_ref[...], w_ref[...],
                          preferred_element_type=jnp.float32) + b_ref[...])


def _tc_proj(x, w, b, bm):
    m, k = x.shape
    n = w.shape[1]
    return pl.pallas_call(
        _proj_body,
        grid=(m // bm,),
        in_specs=[
            pl.BlockSpec((bm, k), lambda i: (i, 0)),
            pl.BlockSpec((k, n), lambda i: (0, 0)),
            pl.BlockSpec((1, n), lambda i: (0, 0)),
        ],
        out_specs=pl.BlockSpec((bm, n), lambda i: (i, 0)),
        out_shape=jax.ShapeDtypeStruct((m, n), jnp.float32),
    )(x, w, b.reshape(1, n))


def _layer_body(p0_ref, p1_ref, c0_ref, c1_ref, x_ref, wl_ref, bl_ref, wr_ref,
                o_ref):
    cnt = jnp.maximum(c0_ref[:, 0:1] + c1_ref[:, 0:1], 1.0)
    mean = (p0_ref[...] + p1_ref[...]) / cnt
    h = (jnp.dot(mean, wl_ref[...], preferred_element_type=jnp.float32)
         + bl_ref[...]
         + jnp.dot(x_ref[...], wr_ref[...], preferred_element_type=jnp.float32))
    o_ref[...] = jnp.maximum(h, 0.0)


def _tc_layer(p0, p1, c0, c1, x, wl, bl, wr, bm):
    m = x.shape[0]
    h = wl.shape[1]
    return pl.pallas_call(
        _layer_body,
        grid=(m // bm,),
        in_specs=[
            pl.BlockSpec((bm, _H), lambda i: (i, 0)),
            pl.BlockSpec((bm, _H), lambda i: (i, 0)),
            pl.BlockSpec((bm, _H), lambda i: (i, 0)),
            pl.BlockSpec((bm, _H), lambda i: (i, 0)),
            pl.BlockSpec((bm, _H), lambda i: (i, 0)),
            pl.BlockSpec((_H, h), lambda i: (0, 0)),
            pl.BlockSpec((1, h), lambda i: (0, 0)),
            pl.BlockSpec((_H, h), lambda i: (0, 0)),
        ],
        out_specs=pl.BlockSpec((bm, h), lambda i: (i, 0)),
        out_shape=jax.ShapeDtypeStruct((m, h), jnp.float32),
    )(p0, p1, c0, c1, x, wl, bl.reshape(1, h), wr)


def _head_body(p0_ref, p1_ref, c0_ref, c1_ref, e1_ref, xe_ref,
               wl_ref, bl_ref, wr_ref, wc1_ref, bc1_ref, wc2_ref, bc2_ref,
               wctl_ref, bctl_ref, wtrt_ref, btrt_ref, wT_ref, bT_ref,
               woc_ref, boc_ref, wot_ref, bot_ref, woT_ref, boT_ref,
               ot1_ref, ot0_ref, oT_ref, ht1_ref, ht0_ref):
    dot = functools.partial(jnp.dot, preferred_element_type=jnp.float32)
    cnt = jnp.maximum(c0_ref[:, 0:1] + c1_ref[:, 0:1], 1.0)
    mean = (p0_ref[...] + p1_ref[...]) / cnt
    e1 = e1_ref[...]
    h2 = jnp.maximum(dot(mean, wl_ref[...]) + bl_ref[...]
                     + dot(e1, wr_ref[...]), 0.0)
    wc1 = wc1_ref[...]
    hidden = jnp.maximum(
        dot(xe_ref[...], wc1[0:_H]) + dot(e1, wc1[_H:2 * _H])
        + dot(h2, wc1[2 * _H:3 * _H]) + bc1_ref[...], 0.0)
    hidden = jnp.maximum(dot(hidden, wc2_ref[...]) + bc2_ref[...], 0.0)
    ht0 = jnp.maximum(dot(hidden, wctl_ref[...]) + bctl_ref[...], 0.0)
    ht1 = jnp.maximum(dot(hidden, wtrt_ref[...]) + btrt_ref[...], 0.0)
    hT = jnp.maximum(dot(hidden, wT_ref[...]) + bT_ref[...], 0.0)
    ot0_ref[...] = jnp.maximum(dot(ht0, woc_ref[...]) + boc_ref[...], 0.0)
    ot1_ref[...] = jnp.maximum(dot(ht1, wot_ref[...]) + bot_ref[...], 0.0)
    oT_ref[...] = jnp.maximum(dot(hT, woT_ref[...]) + boT_ref[...], 0.0)
    ht1_ref[...] = ht1
    ht0_ref[...] = ht0


def _tc_head(p0, p1, c0, c1, e1, xe, wl, bl, wr, wc1, bc1, wc2, bc2,
             wctl, bctl, wtrt, btrt, wT, bT, woc, boc, wot, bot, woT, boT,
             nu, bm):
    hh = wctl.shape[1]
    out = wot.shape[1]

    def rows(i):
        return (i, 0)

    def whole(i):
        return (0, 0)

    in_specs = [
        pl.BlockSpec((bm, _H), rows),
        pl.BlockSpec((bm, _H), rows),
        pl.BlockSpec((bm, _H), rows),
        pl.BlockSpec((bm, _H), rows),
        pl.BlockSpec((bm, _H), rows),
        pl.BlockSpec((bm, _H), rows),
        pl.BlockSpec((_H, _H), whole),
        pl.BlockSpec((1, _H), whole),
        pl.BlockSpec((_H, _H), whole),
        pl.BlockSpec((3 * _H, _H), whole),
        pl.BlockSpec((1, _H), whole),
        pl.BlockSpec((_H, _H), whole),
        pl.BlockSpec((1, _H), whole),
        pl.BlockSpec((_H, hh), whole),
        pl.BlockSpec((1, hh), whole),
        pl.BlockSpec((_H, hh), whole),
        pl.BlockSpec((1, hh), whole),
        pl.BlockSpec((_H, hh), whole),
        pl.BlockSpec((1, hh), whole),
        pl.BlockSpec((hh, out), whole),
        pl.BlockSpec((1, out), whole),
        pl.BlockSpec((hh, out), whole),
        pl.BlockSpec((1, out), whole),
        pl.BlockSpec((hh, out), whole),
        pl.BlockSpec((1, out), whole),
    ]
    out_specs = [
        pl.BlockSpec((bm, out), rows),
        pl.BlockSpec((bm, out), rows),
        pl.BlockSpec((bm, out), rows),
        pl.BlockSpec((bm, hh), rows),
        pl.BlockSpec((bm, hh), rows),
    ]
    out_shape = [
        jax.ShapeDtypeStruct((nu, out), jnp.float32),
        jax.ShapeDtypeStruct((nu, out), jnp.float32),
        jax.ShapeDtypeStruct((nu, out), jnp.float32),
        jax.ShapeDtypeStruct((nu, hh), jnp.float32),
        jax.ShapeDtypeStruct((nu, hh), jnp.float32),
    ]
    return pl.pallas_call(
        _head_body,
        grid=(nu // bm,),
        in_specs=in_specs,
        out_specs=out_specs,
        out_shape=out_shape,
    )(p0, p1, c0, c1, e1, xe, wl, bl.reshape(1, _H), wr, wc1,
      bc1.reshape(1, _H), wc2, bc2.reshape(1, _H), wctl, bctl.reshape(1, hh),
      wtrt, btrt.reshape(1, hh), wT, bT.reshape(1, hh), woc,
      boc.reshape(1, out), wot, bot.reshape(1, out), woT, boT.reshape(1, out))



def kernel(xu, xp, edge_index, Wu, bu, Wp, bp, Wl0, bl0, Wr0, Wl1, bl1, Wr1,
           Wc1, bc1, Wc2, bc2, Wctl, bctl, Wtrt, btrt, WT, bT, Woc, boc,
           Wot, bot, WoT, boT):
    nu = xu.shape[0]
    npd = xp.shape[0]
    n = nu + npd
    e = edge_index.shape[1]

    rpw = -(-n // (_NS * 128)) * 128
    n_pad = _NS * rpw
    n_rows = -(-e // (128 * _NW * _IC)) * _NW * _IC
    rows_w = n_rows // _NW
    e_pad = n_rows * 128 - e

    pad_idx = n + jnp.arange(e_pad, dtype=jnp.int32) % (n_pad - n)
    src3d = jnp.concatenate(
        [edge_index[0], pad_idx]).reshape(_NW, rows_w, 128)
    dst3d = jnp.concatenate(
        [edge_index[1], pad_idx]).reshape(_NW, rows_w, 128)

    tab_pad = jnp.zeros((n_pad - n, _H), jnp.float32)

    xu_e = _tc_proj(xu, Wu, bu, bm=1000)
    xp_e = _tc_proj(xp, Wp, bp, bm=1000)
    table0 = jnp.concatenate([xu_e, xp_e, tab_pad], axis=0)

    cnt0 = _make_sc_agg(n_pad, rpw, rows_w, "cnt")(dst3d)
    agg0 = _make_sc_agg(n_pad, rpw, rows_w, "acc")(src3d, dst3d, table0)
    p = agg0.reshape(_NC, n_pad, _H)
    c = cnt0.reshape(_NC, n_pad, _H)

    table1 = _tc_layer(p[0], p[1], c[0], c[1], table0, Wl0, bl0, Wr0, bm=640)

    agg1 = _make_sc_agg(n_pad, rpw, rows_w, "acc")(src3d, dst3d, table1)
    q = agg1.reshape(_NC, n_pad, _H)

    ot1, ot0, oT, ht1, ht0 = _tc_head(
        q[0], q[1], c[0], c[1], table1, xu_e, Wl1, bl1, Wr1, Wc1, bc1,
        Wc2, bc2, Wctl, bctl, Wtrt, btrt, WT, bT, Woc, boc, Wot, bot,
        WoT, boT, nu, bm=1000)
    return (ot1, ot0, oT, ht1, ht0)

# --- scband reference (transcript-rebuilt; emitter-appended) ---
"""Pipeline reference for scband-bipartite-dra-gnn-16999480558339 (READ-ONLY COPY).

The authoritative reference and input builder live on the scoring server;
editing this copy changes nothing except your own understanding.
"""

import jax, jax.numpy as jnp
import numpy as np

NU = 8000
NP_ = 2000
E = 320000
NFEAT = 256
NPROD = 128
H = 128
HH = 64
OUT = 1

def setup_inputs(seed: int = 0):
    key = jax.random.key(seed)
    ks = jax.random.split(key, 32)
    def nrm(k, shape, scale=1.0):
        return jax.random.normal(k, shape, dtype=jnp.float32) * scale
    def glorot(k, shape):
        return jax.random.normal(k, shape, dtype=jnp.float32) * (1.0 / np.sqrt(shape[0]))
    inp = {}
    inp['xu'] = nrm(ks[0], (NU, NFEAT))
    inp['xp'] = nrm(ks[1], (NP_, NPROD))
    inp['edge_index'] = jax.random.randint(ks[2], (2, E), 0, NU + NP_, dtype=jnp.int32)
    inp['Wu'] = glorot(ks[3], (NFEAT, H)); inp['bu'] = jnp.zeros((H,), jnp.float32)
    inp['Wp'] = glorot(ks[4], (NPROD, H)); inp['bp'] = jnp.zeros((H,), jnp.float32)
    inp['Wl0'] = glorot(ks[5], (H, H)); inp['bl0'] = jnp.zeros((H,), jnp.float32)
    inp['Wr0'] = glorot(ks[6], (H, H))
    inp['Wl1'] = glorot(ks[7], (H, H)); inp['bl1'] = jnp.zeros((H,), jnp.float32)
    inp['Wr1'] = glorot(ks[8], (H, H))
    inp['Wc1'] = glorot(ks[9], (H + 2 * H, H)); inp['bc1'] = jnp.zeros((H,), jnp.float32)
    inp['Wc2'] = glorot(ks[10], (H, H)); inp['bc2'] = jnp.zeros((H,), jnp.float32)
    inp['Wctl'] = glorot(ks[11], (H, HH)); inp['bctl'] = jnp.zeros((HH,), jnp.float32)
    inp['Wtrt'] = glorot(ks[12], (H, HH)); inp['btrt'] = jnp.zeros((HH,), jnp.float32)
    inp['WT'] = glorot(ks[13], (H, HH)); inp['bT'] = jnp.zeros((HH,), jnp.float32)
    inp['Woc'] = glorot(ks[14], (HH, OUT)); inp['boc'] = jnp.zeros((OUT,), jnp.float32)
    inp['Wot'] = glorot(ks[15], (HH, OUT)); inp['bot'] = jnp.zeros((OUT,), jnp.float32)
    inp['WoT'] = glorot(ks[16], (HH, OUT)); inp['boT'] = jnp.zeros((OUT,), jnp.float32)
    return inp

def _sage_conv(x, edge_index, Wl, bl, Wr):
    # PyG SAGEConv (mean aggr): out = lin_l(mean_{j in N(i)} x_j) + lin_r(x_i); lin_r has no bias
    src = edge_index[0]
    dst = edge_index[1]
    n = x.shape[0]
    msg = jnp.take(x, src, axis=0)
    agg = jax.ops.segment_sum(msg, dst, num_segments=n)
    cnt = jax.ops.segment_sum(jnp.ones((src.shape[0], 1), jnp.float32), dst, num_segments=n)
    mean = agg / jnp.clip(cnt, 1.0)
    return mean @ Wl + bl + x @ Wr

def reference(xu, xp, edge_index, Wu, bu, Wp, bp, Wl0, bl0, Wr0, Wl1, bl1, Wr1, Wc1, bc1, Wc2, bc2, Wctl, bctl, Wtrt, btrt, WT, bT, Woc, boc, Wot, bot, WoT, boT):
    xu_e = xu @ Wu + bu
    xp_e = xp @ Wp + bp
    outs = [xu_e]
    emb = jnp.concatenate([xu_e, xp_e], axis=0)
    emb = jax.nn.relu(_sage_conv(emb, edge_index, Wl0, bl0, Wr0))
    outs.append(emb[:xu.shape[0]])
    emb = jax.nn.relu(_sage_conv(emb, edge_index, Wl1, bl1, Wr1))
    outs.append(emb[:xu.shape[0]])
    out = jnp.concatenate(outs, axis=1)
    hidden = jax.nn.relu(out @ Wc1 + bc1)
    hidden = jax.nn.relu(hidden @ Wc2 + bc2)
    h_t0 = jax.nn.relu(hidden @ Wctl + bctl)
    h_t1 = jax.nn.relu(hidden @ Wtrt + btrt)
    h_T = jax.nn.relu(hidden @ WT + bT)
    o_t0 = jax.nn.relu(h_t0 @ Woc + boc)
    o_t1 = jax.nn.relu(h_t1 @ Wot + bot)
    o_T = jax.nn.relu(h_T @ WoT + boT)
    return (o_t1, o_t0, o_T, h_t1, h_t0)

if __name__ == "__main__":
    import jax
    _d = setup_inputs()
    print(jax.jit(kernel)(*tuple(_d.values())))

</pallas_src>

<mosaic_0001>
#map = affine_map<(d0, d1) -> (0, 0, 0)>
#map1 = affine_map<(d0, d1) -> (0, 0, 0, 0)>
module attributes {stable_mosaic.version = 14 : i64} {
  func.func @body(%arg0: i32, %arg1: i32, %arg2: memref<32x80x128xi32, #tpu.memory_space<hbm>>, %arg3: memref<2x16x640x128xf32, #tpu.memory_space<hbm>>, %arg4: memref<4x128xi32, #tpu.memory_space<vmem>>, %arg5: memref<4x128xi32, #tpu.memory_space<vmem>>, %arg6: memref<128x128xf32, #tpu.memory_space<vmem>>, %arg7: memref<10240x128xf32, #tpu.memory_space<vmem_shared>>, %arg8: memref<!tpu.dma_semaphore, #tpu.memory_space<semaphore_mem>>) attributes {dimension_semantics = [#tpu.dimension_semantics<core_parallel>, #tpu.dimension_semantics<subcore_parallel>], iteration_bounds = array<i64: 2, 16>, scalar_prefetch = 0 : i64, scratch_operands = 5 : i64, tpu.core_type = #tpu.core_type<sc_vector_subcore>, window_params = [{transform_indices = #map}, {transform_indices = #map1}]} {
    %mul3A = arith.constant 16 : i32
    %mul3A_0 = arith.muli %arg0, %mul3A : i32
    %add3A = arith.addi %mul3A_0, %arg1 : i32
    %iota3A = tpu.iota {dimensions = array<i32: 0>} : vector<16xi32>
    %broadcast_in_dim3A = arith.constant 0.000000e+00 : f32
    %broadcast_in_dim3A_1 = vector.broadcast %broadcast_in_dim3A : f32 to vector<16xf32>
    %scan3A = arith.constant 0 : i32
    %scan3A_2 = arith.constant 0 : i32
    %scan3A_3 = arith.constant 128 : i32
    %scan3A_4 = arith.addi %scan3A_2, %scan3A_3 : i32
    %scan3A_5 = arith.constant 1 : i32
    scf.for %scan3A_34 = %scan3A_2 to %scan3A_4 step %scan3A_5  : i32 {
      %swap3A = arith.index_cast %scan3A_34 : i32 to index
      %swap3A_35 = arith.constant 0 : index
      %swap3A_36 = tpu.vector_load %arg6[%swap3A, %swap3A_35] {strides = array<i32>} : memref<128x128xf32, #tpu.memory_space<vmem>>, vector<1x16xf32>,
      %swap3A_37 = vector.shape_cast %swap3A_36 : vector<1x16xf32> to vector<16xf32>
      %swap3A_38 = vector.shape_cast %broadcast_in_dim3A_1 : vector<16xf32> to vector<1x16xf32>
      tpu.vector_store %arg6[%swap3A, %swap3A_35], %swap3A_38 {strides = array<i32>} : memref<128x128xf32, #tpu.memory_space<vmem>>, vector<1x16xf32>,
      %swap3A_39 = arith.index_cast %scan3A_34 : i32 to index
      %swap3A_40 = arith.constant 16 : index
      %swap3A_41 = tpu.vector_load %arg6[%swap3A_39, %swap3A_40] {strides = array<i32>} : memref<128x128xf32, #tpu.memory_space<vmem>>, vector<1x16xf32>,
      %swap3A_42 = vector.shape_cast %swap3A_41 : vector<1x16xf32> to vector<16xf32>
      %swap3A_43 = vector.shape_cast %broadcast_in_dim3A_1 : vector<16xf32> to vector<1x16xf32>
      tpu.vector_store %arg6[%swap3A_39, %swap3A_40], %swap3A_43 {strides = array<i32>} : memref<128x128xf32, #tpu.memory_space<vmem>>, vector<1x16xf32>,
      %swap3A_44 = arith.index_cast %scan3A_34 : i32 to index
      %swap3A_45 = arith.constant 32 : index
      %swap3A_46 = tpu.vector_load %arg6[%swap3A_44, %swap3A_45] {strides = array<i32>} : memref<128x128xf32, #tpu.memory_space<vmem>>, vector<1x16xf32>,
      %swap3A_47 = vector.shape_cast %swap3A_46 : vector<1x16xf32> to vector<16xf32>
      %swap3A_48 = vector.shape_cast %broadcast_in_dim3A_1 : vector<16xf32> to vector<1x16xf32>
      tpu.vector_store %arg6[%swap3A_44, %swap3A_45], %swap3A_48 {strides = array<i32>} : memref<128x128xf32, #tpu.memory_space<vmem>>, vector<1x16xf32>,
      %swap3A_49 = arith.index_cast %scan3A_34 : i32 to index
      %swap3A_50 = arith.constant 48 : index
      %swap3A_51 = tpu.vector_load %arg6[%swap3A_49, %swap3A_50] {strides = array<i32>} : memref<128x128xf32, #tpu.memory_space<vmem>>, vector<1x16xf32>,
      %swap3A_52 = vector.shape_cast %swap3A_51 : vector<1x16xf32> to vector<16xf32>
      %swap3A_53 = vector.shape_cast %broadcast_in_dim3A_1 : vector<16xf32> to vector<1x16xf32>
      tpu.vector_store %arg6[%swap3A_49, %swap3A_50], %swap3A_53 {strides = array<i32>} : memref<128x128xf32, #tpu.memory_space<vmem>>, vector<1x16xf32>,
      %swap3A_54 = arith.index_cast %scan3A_34 : i32 to index
      %swap3A_55 = arith.constant 64 : index
      %swap3A_56 = tpu.vector_load %arg6[%swap3A_54, %swap3A_55] {strides = array<i32>} : memref<128x128xf32, #tpu.memory_space<vmem>>, vector<1x16xf32>,
      %swap3A_57 = vector.shape_cast %swap3A_56 : vector<1x16xf32> to vector<16xf32>
      %swap3A_58 = vector.shape_cast %broadcast_in_dim3A_1 : vector<16xf32> to vector<1x16xf32>
      tpu.vector_store %arg6[%swap3A_54, %swap3A_55], %swap3A_58 {strides = array<i32>} : memref<128x128xf32, #tpu.memory_space<vmem>>, vector<1x16xf32>,
      %swap3A_59 = arith.index_cast %scan3A_34 : i32 to index
      %swap3A_60 = arith.constant 80 : index
      %swap3A_61 = tpu.vector_load %arg6[%swap3A_59, %swap3A_60] {strides = array<i32>} : memref<128x128xf32, #tpu.memory_space<vmem>>, vector<1x16xf32>,
      %swap3A_62 = vector.shape_cast %swap3A_61 : vector<1x16xf32> to vector<16xf32>
      %swap3A_63 = vector.shape_cast %broadcast_in_dim3A_1 : vector<16xf32> to vector<1x16xf32>
      tpu.vector_store %arg6[%swap3A_59, %swap3A_60], %swap3A_63 {strides = array<i32>} : memref<128x128xf32, #tpu.memory_space<vmem>>, vector<1x16xf32>,
      %swap3A_64 = arith.index_cast %scan3A_34 : i32 to index
      %swap3A_65 = arith.constant 96 : index
      %swap3A_66 = tpu.vector_load %arg6[%swap3A_64, %swap3A_65] {strides = array<i32>} : memref<128x128xf32, #tpu.memory_space<vmem>>, vector<1x16xf32>,
      %swap3A_67 = vector.shape_cast %swap3A_66 : vector<1x16xf32> to vector<16xf32>
      %swap3A_68 = vector.shape_cast %broadcast_in_dim3A_1 : vector<16xf32> to vector<1x16xf32>
      tpu.vector_store %arg6[%swap3A_64, %swap3A_65], %swap3A_68 {strides = array<i32>} : memref<128x128xf32, #tpu.memory_space<vmem>>, vector<1x16xf32>,
      %swap3A_69 = arith.index_cast %scan3A_34 : i32 to index
      %swap3A_70 = arith.constant 112 : index
      %swap3A_71 = tpu.vector_load %arg6[%swap3A_69, %swap3A_70] {strides = array<i32>} : memref<128x128xf32, #tpu.memory_space<vmem>>, vector<1x16xf32>,
      %swap3A_72 = vector.shape_cast %swap3A_71 : vector<1x16xf32> to vector<16xf32>
      %swap3A_73 = vector.shape_cast %broadcast_in_dim3A_1 : vector<16xf32> to vector<1x16xf32>
      tpu.vector_store %arg6[%swap3A_69, %swap3A_70], %swap3A_73 {strides = array<i32>} : memref<128x128xf32, #tpu.memory_space<vmem>>, vector<1x16xf32>,
    }
    %scan3A_6 = arith.constant 128 : i32
    %scan3A_7 = arith.constant 0 : i32
    %scan3A_8 = arith.constant 0 : i32
    %scan3A_9 = arith.constant 5 : i32
    %scan3A_10 = arith.addi %scan3A_8, %scan3A_9 : i32
    %scan3A_11 = arith.constant 1 : i32
    scf.for %scan3A_34 = %scan3A_8 to %scan3A_10 step %scan3A_11  : i32 {
      %mul3A_35 = arith.constant 640 : i32
      %mul3A_36 = arith.muli %arg1, %mul3A_35 : i32
      %mul3A_37 = arith.constant 128 : i32
      %mul3A_38 = arith.muli %scan3A_34, %mul3A_37 : i32
      %add3A_39 = arith.addi %mul3A_36, %mul3A_38 : i32
      %add3A_40 = arith.constant 0 : i32
      %add3A_41 = arith.addi %add3A_39, %add3A_40 : i32
      %add3A_42 = vector.broadcast %add3A_41 : i32 to vector<16xi32>
      %add3A_43 = arith.addi %add3A_42, %iota3A : vector<16xi32>
      %swap3A = arith.constant 0 : i32
      %swap3A_44 = arith.index_cast %swap3A : i32 to index
      %swap3A_45 = arith.constant 0 : index
      %swap3A_46 = tpu.vector_load %arg4[%swap3A_44, %swap3A_45] {strides = array<i32>} : memref<4x128xi32, #tpu.memory_space<vmem>>, vector<1x16xi32>,
      %swap3A_47 = vector.shape_cast %swap3A_46 : vector<1x16xi32> to vector<16xi32>
      %swap3A_48 = vector.shape_cast %add3A_43 : vector<16xi32> to vector<1x16xi32>
      tpu.vector_store %arg4[%swap3A_44, %swap3A_45], %swap3A_48 {strides = array<i32>} : memref<4x128xi32, #tpu.memory_space<vmem>>, vector<1x16xi32>,
      %add3A_49 = arith.constant 16 : i32
      %add3A_50 = arith.addi %add3A_39, %add3A_49 : i32
      %add3A_51 = vector.broadcast %add3A_50 : i32 to vector<16xi32>
      %add3A_52 = arith.addi %add3A_51, %iota3A : vector<16xi32>
      %swap3A_53 = arith.constant 0 : i32
      %swap3A_54 = arith.index_cast %swap3A_53 : i32 to index
      %swap3A_55 = arith.constant 16 : index
      %swap3A_56 = tpu.vector_load %arg4[%swap3A_54, %swap3A_55] {strides = array<i32>} : memref<4x128xi32, #tpu.memory_space<vmem>>, vector<1x16xi32>,
      %swap3A_57 = vector.shape_cast %swap3A_56 : vector<1x16xi32> to vector<16xi32>
      %swap3A_58 = vector.shape_cast %add3A_52 : vector<16xi32> to vector<1x16xi32>
      tpu.vector_store %arg4[%swap3A_54, %swap3A_55], %swap3A_58 {strides = array<i32>} : memref<4x128xi32, #tpu.memory_space<vmem>>, vector<1x16xi32>,
      %add3A_59 = arith.constant 32 : i32
      %add3A_60 = arith.addi %add3A_39, %add3A_59 : i32
      %add3A_61 = vector.broadcast %add3A_60 : i32 to vector<16xi32>
      %add3A_62 = arith.addi %add3A_61, %iota3A : vector<16xi32>
      %swap3A_63 = arith.constant 0 : i32
      %swap3A_64 = arith.index_cast %swap3A_63 : i32 to index
      %swap3A_65 = arith.constant 32 : index
      %swap3A_66 = tpu.vector_load %arg4[%swap3A_64, %swap3A_65] {strides = array<i32>} : memref<4x128xi32, #tpu.memory_space<vmem>>, vector<1x16xi32>,
      %swap3A_67 = vector.shape_cast %swap3A_66 : vector<1x16xi32> to vector<16xi32>
      %swap3A_68 = vector.shape_cast %add3A_62 : vector<16xi32> to vector<1x16xi32>
      tpu.vector_store %arg4[%swap3A_64, %swap3A_65], %swap3A_68 {strides = array<i32>} : memref<4x128xi32, #tpu.memory_space<vmem>>, vector<1x16xi32>,
      %add3A_69 = arith.constant 48 : i32
      %add3A_70 = arith.addi %add3A_39, %add3A_69 : i32
      %add3A_71 = vector.broadcast %add3A_70 : i32 to vector<16xi32>
      %add3A_72 = arith.addi %add3A_71, %iota3A : vector<16xi32>
      %swap3A_73 = arith.constant 0 : i32
      %swap3A_74 = arith.index_cast %swap3A_73 : i32 to index
      %swap3A_75 = arith.constant 48 : index
      %swap3A_76 = tpu.vector_load %arg4[%swap3A_74, %swap3A_75] {strides = array<i32>} : memref<4x128xi32, #tpu.memory_space<vmem>>, vector<1x16xi32>,
      %swap3A_77 = vector.shape_cast %swap3A_76 : vector<1x16xi32> to vector<16xi32>
      %swap3A_78 = vector.shape_cast %add3A_72 : vector<16xi32> to vector<1x16xi32>
      tpu.vector_store %arg4[%swap3A_74, %swap3A_75], %swap3A_78 {strides = array<i32>} : memref<4x128xi32, #tpu.memory_space<vmem>>, vector<1x16xi32>,
      %add3A_79 = arith.constant 64 : i32
      %add3A_80 = arith.addi %add3A_39, %add3A_79 : i32
      %add3A_81 = vector.broadcast %add3A_80 : i32 to vector<16xi32>
      %add3A_82 = arith.addi %add3A_81, %iota3A : vector<16xi32>
      %swap3A_83 = arith.constant 0 : i32
      %swap3A_84 = arith.index_cast %swap3A_83 : i32 to index
      %swap3A_85 = arith.constant 64 : index
      %swap3A_86 = tpu.vector_load %arg4[%swap3A_84, %swap3A_85] {strides = array<i32>} : memref<4x128xi32, #tpu.memory_space<vmem>>, vector<1x16xi32>,
      %swap3A_87 = vector.shape_cast %swap3A_86 : vector<1x16xi32> to vector<16xi32>
      %swap3A_88 = vector.shape_cast %add3A_82 : vector<16xi32> to vector<1x16xi32>
      tpu.vector_store %arg4[%swap3A_84, %swap3A_85], %swap3A_88 {strides = array<i32>} : memref<4x128xi32, #tpu.memory_space<vmem>>, vector<1x16xi32>,
      %add3A_89 = arith.constant 80 : i32
      %add3A_90 = arith.addi %add3A_39, %add3A_89 : i32
      %add3A_91 = vector.broadcast %add3A_90 : i32 to vector<16xi32>
      %add3A_92 = arith.addi %add3A_91, %iota3A : vector<16xi32>
      %swap3A_93 = arith.constant 0 : i32
      %swap3A_94 = arith.index_cast %swap3A_93 : i32 to index
      %swap3A_95 = arith.constant 80 : index
      %swap3A_96 = tpu.vector_load %arg4[%swap3A_94, %swap3A_95] {strides = array<i32>} : memref<4x128xi32, #tpu.memory_space<vmem>>, vector<1x16xi32>,
      %swap3A_97 = vector.shape_cast %swap3A_96 : vector<1x16xi32> to vector<16xi32>
      %swap3A_98 = vector.shape_cast %add3A_92 : vector<16xi32> to vector<1x16xi32>
      tpu.vector_store %arg4[%swap3A_94, %swap3A_95], %swap3A_98 {strides = array<i32>} : memref<4x128xi32, #tpu.memory_space<vmem>>, vector<1x16xi32>,
      %add3A_99 = arith.constant 96 : i32
      %add3A_100 = arith.addi %add3A_39, %add3A_99 : i32
      %add3A_101 = vector.broadcast %add3A_100 : i32 to vector<16xi32>
      %add3A_102 = arith.addi %add3A_101, %iota3A : vector<16xi32>
      %swap3A_103 = arith.constant 0 : i32
      %swap3A_104 = arith.index_cast %swap3A_103 : i32 to index
      %swap3A_105 = arith.constant 96 : index
      %swap3A_106 = tpu.vector_load %arg4[%swap3A_104, %swap3A_105] {strides = array<i32>} : memref<4x128xi32, #tpu.memory_space<vmem>>, vector<1x16xi32>,
      %swap3A_107 = vector.shape_cast %swap3A_106 : vector<1x16xi32> to vector<16xi32>
      %swap3A_108 = vector.shape_cast %add3A_102 : vector<16xi32> to vector<1x16xi32>
      tpu.vector_store %arg4[%swap3A_104, %swap3A_105], %swap3A_108 {strides = array<i32>} : memref<4x128xi32, #tpu.memory_space<vmem>>, vector<1x16xi32>,
      %add3A_109 = arith.constant 112 : i32
      %add3A_110 = arith.addi %add3A_39, %add3A_109 : i32
      %add3A_111 = vector.broadcast %add3A_110 : i32 to vector<16xi32>
      %add3A_112 = arith.addi %add3A_111, %iota3A : vector<16xi32>
      %swap3A_113 = arith.constant 0 : i32
      %swap3A_114 = arith.index_cast %swap3A_113 : i32 to index
      %swap3A_115 = arith.constant 112 : index
      %swap3A_116 = tpu.vector_load %arg4[%swap3A_114, %swap3A_115] {strides = array<i32>} : memref<4x128xi32, #tpu.memory_space<vmem>>, vector<1x16xi32>,
      %swap3A_117 = vector.shape_cast %swap3A_116 : vector<1x16xi32> to vector<16xi32>
      %swap3A_118 = vector.shape_cast %add3A_112 : vector<16xi32> to vector<1x16xi32>
      tpu.vector_store %arg4[%swap3A_114, %swap3A_115], %swap3A_118 {strides = array<i32>} : memref<4x128xi32, #tpu.memory_space<vmem>>, vector<1x16xi32>,
      %run_scoped3A = arith.constant 0 : i32
      "tpu.region"() ({
        %run_scoped3A_119 = tpu.sem_alloc : memref<!tpu.dma_semaphore, #tpu.memory_space<semaphore_mem>>
        %dma_start3A = arith.constant 0 : i32
        %dma_start3A_120 = tpu.memref_slice %arg4[%run_scoped3A, %dma_start3A] : memref<4x128xi32, #tpu.memory_space<vmem>> -> memref<1x128xi32, #tpu.memory_space<vmem>>
        %dma_start3A_121 = tpu.memref_squeeze %dma_start3A_120 : memref<1x128xi32, #tpu.memory_space<vmem>> -> memref<128xi32, #tpu.memory_space<vmem>>
        %dma_start3A_122 = arith.constant 0 : i32
        %dma_start3A_123 = arith.constant 0 : i32
        %dma_start3A_124 = tpu.memref_slice %arg7[%dma_start3A_122, %dma_start3A_123] : memref<10240x128xf32, #tpu.memory_space<vmem_shared>> -> memref<10240x128xf32, #tpu.memory_space<vmem_shared>>
        tpu.enqueue_indirect_dma source(%arg6 : memref<128x128xf32, #tpu.memory_space<vmem>>) target(%dma_start3A_124 : memref<10240x128xf32, #tpu.memory_space<vmem_shared>>) offsets(%dma_start3A_121 : memref<128xi32, #tpu.memory_space<vmem>>) semaphore(%run_scoped3A_119 : memref<!tpu.dma_semaphore, #tpu.memory_space<semaphore_mem>>)
        %dma_wait3A = arith.constant 0 : i32
        %dma_wait3A_125 = tpu.memref_slice %arg4[%run_scoped3A, %dma_wait3A] : memref<4x128xi32, #tpu.memory_space<vmem>> -> memref<1x128xi32, #tpu.memory_space<vmem>>
        %dma_wait3A_126 = tpu.memref_squeeze %dma_wait3A_125 : memref<1x128xi32, #tpu.memory_space<vmem>> -> memref<128xi32, #tpu.memory_space<vmem>>
        %dma_wait3A_127 = arith.constant 0 : i32
        %dma_wait3A_128 = arith.constant 0 : i32
        %dma_wait3A_129 = tpu.memref_slice %arg7[%dma_wait3A_127, %dma_wait3A_128] : memref<10240x128xf32, #tpu.memory_space<vmem_shared>> -> memref<10240x128xf32, #tpu.memory_space<vmem_shared>>
        tpu.wait_indirect_dma semaphore(%run_scoped3A_119 : memref<!tpu.dma_semaphore, #tpu.memory_space<semaphore_mem>>) src(%arg6 : memref<128x128xf32, #tpu.memory_space<vmem>>) dst(%dma_wait3A_129 : memref<10240x128xf32, #tpu.memory_space<vmem_shared>>)
        tpu.yield
      }) : () -> ()
    }
    %scan3A_12 = arith.constant 5 : i32
    %broadcast_in_dim3A_13 = arith.constant 1.000000e+00 : f32
    %broadcast_in_dim3A_14 = vector.broadcast %broadcast_in_dim3A_13 : f32 to vector<16xf32>
    %scan3A_15 = arith.constant 0 : i32
    %scan3A_16 = arith.constant 0 : i32
    %scan3A_17 = arith.constant 128 : i32
    %scan3A_18 = arith.addi %scan3A_16, %scan3A_17 : i32
    %scan3A_19 = arith.constant 1 : i32
    scf.for %scan3A_34 = %scan3A_16 to %scan3A_18 step %scan3A_19  : i32 {
      %swap3A = arith.index_cast %scan3A_34 : i32 to index
      %swap3A_35 = arith.constant 0 : index
      %swap3A_36 = tpu.vector_load %arg6[%swap3A, %swap3A_35] {strides = array<i32>} : memref<128x128xf32, #tpu.memory_space<vmem>>, vector<1x16xf32>,
      %swap3A_37 = vector.shape_cast %swap3A_36 : vector<1x16xf32> to vector<16xf32>
      %swap3A_38 = vector.shape_cast %broadcast_in_dim3A_14 : vector<16xf32> to vector<1x16xf32>
      tpu.vector_store %arg6[%swap3A, %swap3A_35], %swap3A_38 {strides = array<i32>} : memref<128x128xf32, #tpu.memory_space<vmem>>, vector<1x16xf32>,
      %swap3A_39 = arith.index_cast %scan3A_34 : i32 to index
      %swap3A_40 = arith.constant 16 : index
      %swap3A_41 = tpu.vector_load %arg6[%swap3A_39, %swap3A_40] {strides = array<i32>} : memref<128x128xf32, #tpu.memory_space<vmem>>, vector<1x16xf32>,
      %swap3A_42 = vector.shape_cast %swap3A_41 : vector<1x16xf32> to vector<16xf32>
      %swap3A_43 = vector.shape_cast %broadcast_in_dim3A_14 : vector<16xf32> to vector<1x16xf32>
      tpu.vector_store %arg6[%swap3A_39, %swap3A_40], %swap3A_43 {strides = array<i32>} : memref<128x128xf32, #tpu.memory_space<vmem>>, vector<1x16xf32>,
      %swap3A_44 = arith.index_cast %scan3A_34 : i32 to index
      %swap3A_45 = arith.constant 32 : index
      %swap3A_46 = tpu.vector_load %arg6[%swap3A_44, %swap3A_45] {strides = array<i32>} : memref<128x128xf32, #tpu.memory_space<vmem>>, vector<1x16xf32>,
      %swap3A_47 = vector.shape_cast %swap3A_46 : vector<1x16xf32> to vector<16xf32>
      %swap3A_48 = vector.shape_cast %broadcast_in_dim3A_14 : vector<16xf32> to vector<1x16xf32>
      tpu.vector_store %arg6[%swap3A_44, %swap3A_45], %swap3A_48 {strides = array<i32>} : memref<128x128xf32, #tpu.memory_space<vmem>>, vector<1x16xf32>,
      %swap3A_49 = arith.index_cast %scan3A_34 : i32 to index
      %swap3A_50 = arith.constant 48 : index
      %swap3A_51 = tpu.vector_load %arg6[%swap3A_49, %swap3A_50] {strides = array<i32>} : memref<128x128xf32, #tpu.memory_space<vmem>>, vector<1x16xf32>,
      %swap3A_52 = vector.shape_cast %swap3A_51 : vector<1x16xf32> to vector<16xf32>
      %swap3A_53 = vector.shape_cast %broadcast_in_dim3A_14 : vector<16xf32> to vector<1x16xf32>
      tpu.vector_store %arg6[%swap3A_49, %swap3A_50], %swap3A_53 {strides = array<i32>} : memref<128x128xf32, #tpu.memory_space<vmem>>, vector<1x16xf32>,
      %swap3A_54 = arith.index_cast %scan3A_34 : i32 to index
      %swap3A_55 = arith.constant 64 : index
      %swap3A_56 = tpu.vector_load %arg6[%swap3A_54, %swap3A_55] {strides = array<i32>} : memref<128x128xf32, #tpu.memory_space<vmem>>, vector<1x16xf32>,
      %swap3A_57 = vector.shape_cast %swap3A_56 : vector<1x16xf32> to vector<16xf32>
      %swap3A_58 = vector.shape_cast %broadcast_in_dim3A_14 : vector<16xf32> to vector<1x16xf32>
      tpu.vector_store %arg6[%swap3A_54, %swap3A_55], %swap3A_58 {strides = array<i32>} : memref<128x128xf32, #tpu.memory_space<vmem>>, vector<1x16xf32>,
      %swap3A_59 = arith.index_cast %scan3A_34 : i32 to index
      %swap3A_60 = arith.constant 80 : index
      %swap3A_61 = tpu.vector_load %arg6[%swap3A_59, %swap3A_60] {strides = array<i32>} : memref<128x128xf32, #tpu.memory_space<vmem>>, vector<1x16xf32>,
      %swap3A_62 = vector.shape_cast %swap3A_61 : vector<1x16xf32> to vector<16xf32>
      %swap3A_63 = vector.shape_cast %broadcast_in_dim3A_14 : vector<16xf32> to vector<1x16xf32>
      tpu.vector_store %arg6[%swap3A_59, %swap3A_60], %swap3A_63 {strides = array<i32>} : memref<128x128xf32, #tpu.memory_space<vmem>>, vector<1x16xf32>,
      %swap3A_64 = arith.index_cast %scan3A_34 : i32 to index
      %swap3A_65 = arith.constant 96 : index
      %swap3A_66 = tpu.vector_load %arg6[%swap3A_64, %swap3A_65] {strides = array<i32>} : memref<128x128xf32, #tpu.memory_space<vmem>>, vector<1x16xf32>,
      %swap3A_67 = vector.shape_cast %swap3A_66 : vector<1x16xf32> to vector<16xf32>
      %swap3A_68 = vector.shape_cast %broadcast_in_dim3A_14 : vector<16xf32> to vector<1x16xf32>
      tpu.vector_store %arg6[%swap3A_64, %swap3A_65], %swap3A_68 {strides = array<i32>} : memref<128x128xf32, #tpu.memory_space<vmem>>, vector<1x16xf32>,
      %swap3A_69 = arith.index_cast %scan3A_34 : i32 to index
      %swap3A_70 = arith.constant 112 : index
      %swap3A_71 = tpu.vector_load %arg6[%swap3A_69, %swap3A_70] {strides = array<i32>} : memref<128x128xf32, #tpu.memory_space<vmem>>, vector<1x16xf32>,
      %swap3A_72 = vector.shape_cast %swap3A_71 : vector<1x16xf32> to vector<16xf32>
      %swap3A_73 = vector.shape_cast %broadcast_in_dim3A_14 : vector<16xf32> to vector<1x16xf32>
      tpu.vector_store %arg6[%swap3A_69, %swap3A_70], %swap3A_73 {strides = array<i32>} : memref<128x128xf32, #tpu.memory_space<vmem>>, vector<1x16xf32>,
    }
    %scan3A_20 = arith.constant 128 : i32
    %barrier3A = arith.constant 0 : index
    tpu.barrier barrier_id(%barrier3A)
    %scan3A_21 = arith.constant 0 : i32
    %scan3A_22 = arith.constant 0 : i32
    %scan3A_23 = arith.constant 20 : i32
    %scan3A_24 = arith.addi %scan3A_22, %scan3A_23 : i32
    %scan3A_25 = arith.constant 1 : i32
    scf.for %scan3A_34 = %scan3A_22 to %scan3A_24 step %scan3A_25  : i32 {
      %mul3A_35 = arith.constant 4 : i32
      %mul3A_36 = arith.muli %scan3A_34, %mul3A_35 : i32
      %multiple_of3A = tpu.assume_multiple %mul3A_36, 4 : i32
      "tpu.region"() ({
        %run_scoped3A = tpu.sem_alloc : memref<!tpu.dma_semaphore, #tpu.memory_space<semaphore_mem>>
        %dma_start3A = arith.constant 0 : i32
        %dma_start3A_42 = tpu.memref_slice %arg2[%add3A, %multiple_of3A, %dma_start3A] : memref<32x80x128xi32, #tpu.memory_space<hbm>> -> memref<1x4x128xi32, #tpu.memory_space<hbm>>
        %dma_start3A_43 = tpu.memref_squeeze %dma_start3A_42 : memref<1x4x128xi32, #tpu.memory_space<hbm>> -> memref<4x128xi32, #tpu.memory_space<hbm>>
        %dma_start3A_44 = arith.constant 0 : i32
        %dma_start3A_45 = tpu.memref_slice %arg2[%add3A, %multiple_of3A, %dma_start3A_44] : memref<32x80x128xi32, #tpu.memory_space<hbm>> -> memref<1x4x128xi32, #tpu.memory_space<hbm>>
        %dma_start3A_46 = tpu.memref_squeeze %dma_start3A_45 : memref<1x4x128xi32, #tpu.memory_space<hbm>> -> memref<4x128xi32, #tpu.memory_space<hbm>>
        tpu.enqueue_dma source(%dma_start3A_46 : memref<4x128xi32, #tpu.memory_space<hbm>>) target(%arg5 : memref<4x128xi32, #tpu.memory_space<vmem>>) target_semaphore(%run_scoped3A : memref<!tpu.dma_semaphore, #tpu.memory_space<semaphore_mem>>)
        %dma_wait3A = arith.constant 0 : i32
        %dma_wait3A_47 = tpu.memref_slice %arg2[%add3A, %multiple_of3A, %dma_wait3A] : memref<32x80x128xi32, #tpu.memory_space<hbm>> -> memref<1x4x128xi32, #tpu.memory_space<hbm>>
        %dma_wait3A_48 = tpu.memref_squeeze %dma_wait3A_47 : memref<1x4x128xi32, #tpu.memory_space<hbm>> -> memref<4x128xi32, #tpu.memory_space<hbm>>
        %dma_wait3A_49 = arith.constant 0 : i32
        %dma_wait3A_50 = tpu.memref_slice %arg2[%add3A, %multiple_of3A, %dma_wait3A_49] : memref<32x80x128xi32, #tpu.memory_space<hbm>> -> memref<1x4x128xi32, #tpu.memory_space<hbm>>
        %dma_wait3A_51 = tpu.memref_squeeze %dma_wait3A_50 : memref<1x4x128xi32, #tpu.memory_space<hbm>> -> memref<4x128xi32, #tpu.memory_space<hbm>>
        tpu.wait_dma2 semaphore(%run_scoped3A : memref<!tpu.dma_semaphore, #tpu.memory_space<semaphore_mem>>) src(%dma_wait3A_51 : memref<4x128xi32, #tpu.memory_space<hbm>>) dst(%arg5 : memref<4x128xi32, #tpu.memory_space<vmem>>)
        tpu.yield
      }) : () -> ()
      %scan3A_37 = arith.constant 0 : i32
      %scan3A_38 = arith.constant 4 : i32
      %scan3A_39 = arith.addi %scan3A_37, %scan3A_38 : i32
      %scan3A_40 = arith.constant 1 : i32
      scf.for %scan3A_42 = %scan3A_37 to %scan3A_39 step %scan3A_40  : i32 {
        "tpu.region"() ({
          %run_scoped3A = tpu.sem_alloc : memref<!tpu.dma_semaphore, #tpu.memory_space<semaphore_mem>>
          %dma_start3A = arith.constant 0 : i32
          %dma_start3A_43 = tpu.memref_slice %arg5[%scan3A_42, %dma_start3A] : memref<4x128xi32, #tpu.memory_space<vmem>> -> memref<1x128xi32, #tpu.memory_space<vmem>>
          %dma_start3A_44 = tpu.memref_squeeze %dma_start3A_43 : memref<1x128xi32, #tpu.memory_space<vmem>> -> memref<128xi32, #tpu.memory_space<vmem>>
          %dma_start3A_45 = arith.constant 0 : i32
          %dma_start3A_46 = arith.constant 0 : i32
          %dma_start3A_47 = tpu.memref_slice %arg7[%dma_start3A_45, %dma_start3A_46] : memref<10240x128xf32, #tpu.memory_space<vmem_shared>> -> memref<10240x128xf32, #tpu.memory_space<vmem_shared>>
          tpu.enqueue_indirect_dma source(%arg6 : memref<128x128xf32, #tpu.memory_space<vmem>>) target(%dma_start3A_47 : memref<10240x128xf32, #tpu.memory_space<vmem_shared>>) offsets(%dma_start3A_44 : memref<128xi32, #tpu.memory_space<vmem>>) semaphore(%run_scoped3A : memref<!tpu.dma_semaphore, #tpu.memory_space<semaphore_mem>>) {add = true}
          %dma_wait3A = arith.constant 0 : i32
          %dma_wait3A_48 = tpu.memref_slice %arg5[%scan3A_42, %dma_wait3A] : memref<4x128xi32, #tpu.memory_space<vmem>> -> memref<1x128xi32, #tpu.memory_space<vmem>>
          %dma_wait3A_49 = tpu.memref_squeeze %dma_wait3A_48 : memref<1x128xi32, #tpu.memory_space<vmem>> -> memref<128xi32, #tpu.memory_space<vmem>>
          %dma_wait3A_50 = arith.constant 0 : i32
          %dma_wait3A_51 = arith.constant 0 : i32
          %dma_wait3A_52 = tpu.memref_slice %arg7[%dma_wait3A_50, %dma_wait3A_51] : memref<10240x128xf32, #tpu.memory_space<vmem_shared>> -> memref<10240x128xf32, #tpu.memory_space<vmem_shared>>
          tpu.wait_indirect_dma semaphore(%run_scoped3A : memref<!tpu.dma_semaphore, #tpu.memory_space<semaphore_mem>>) src(%arg6 : memref<128x128xf32, #tpu.memory_space<vmem>>) dst(%dma_wait3A_52 : memref<10240x128xf32, #tpu.memory_space<vmem_shared>>)
          tpu.yield
        }) : () -> ()
      }
      %scan3A_41 = arith.constant 4 : i32
    }
    %scan3A_26 = arith.constant 20 : i32
    %barrier3A_27 = arith.constant 0 : index
    tpu.barrier barrier_id(%barrier3A_27)
    %scan3A_28 = arith.constant 0 : i32
    %scan3A_29 = arith.constant 0 : i32
    %scan3A_30 = arith.constant 5 : i32
    %scan3A_31 = arith.addi %scan3A_29, %scan3A_30 : i32
    %scan3A_32 = arith.constant 1 : i32
    scf.for %scan3A_34 = %scan3A_29 to %scan3A_31 step %scan3A_32  : i32 {
      %mul3A_35 = arith.constant 128 : i32
      %mul3A_36 = arith.muli %scan3A_34, %mul3A_35 : i32
      %multiple_of3A = tpu.assume_multiple %mul3A_36, 128 : i32
      %mul3A_37 = arith.constant 640 : i32
      %mul3A_38 = arith.muli %arg1, %mul3A_37 : i32
      %add3A_39 = arith.addi %mul3A_38, %multiple_of3A : i32
      %add3A_40 = arith.constant 0 : i32
      %add3A_41 = arith.addi %add3A_39, %add3A_40 : i32
      %add3A_42 = vector.broadcast %add3A_41 : i32 to vector<16xi32>
      %add3A_43 = arith.addi %add3A_42, %iota3A : vector<16xi32>
      %swap3A = arith.constant 0 : i32
      %swap3A_44 = arith.index_cast %swap3A : i32 to index
      %swap3A_45 = arith.constant 0 : index
      %swap3A_46 = tpu.vector_load %arg4[%swap3A_44, %swap3A_45] {strides = array<i32>} : memref<4x128xi32, #tpu.memory_space<vmem>>, vector<1x16xi32>,
      %swap3A_47 = vector.shape_cast %swap3A_46 : vector<1x16xi32> to vector<16xi32>
      %swap3A_48 = vector.shape_cast %add3A_43 : vector<16xi32> to vector<1x16xi32>
      tpu.vector_store %arg4[%swap3A_44, %swap3A_45], %swap3A_48 {strides = array<i32>} : memref<4x128xi32, #tpu.memory_space<vmem>>, vector<1x16xi32>,
      %add3A_49 = arith.constant 16 : i32
      %add3A_50 = arith.addi %add3A_39, %add3A_49 : i32
      %add3A_51 = vector.broadcast %add3A_50 : i32 to vector<16xi32>
      %add3A_52 = arith.addi %add3A_51, %iota3A : vector<16xi32>
      %swap3A_53 = arith.constant 0 : i32
      %swap3A_54 = arith.index_cast %swap3A_53 : i32 to index
      %swap3A_55 = arith.constant 16 : index
      %swap3A_56 = tpu.vector_load %arg4[%swap3A_54, %swap3A_55] {strides = array<i32>} : memref<4x128xi32, #tpu.memory_space<vmem>>, vector<1x16xi32>,
      %swap3A_57 = vector.shape_cast %swap3A_56 : vector<1x16xi32> to vector<16xi32>
      %swap3A_58 = vector.shape_cast %add3A_52 : vector<16xi32> to vector<1x16xi32>
      tpu.vector_store %arg4[%swap3A_54, %swap3A_55], %swap3A_58 {strides = array<i32>} : memref<4x128xi32, #tpu.memory_space<vmem>>, vector<1x16xi32>,
      %add3A_59 = arith.constant 32 : i32
      %add3A_60 = arith.addi %add3A_39, %add3A_59 : i32
      %add3A_61 = vector.broadcast %add3A_60 : i32 to vector<16xi32>
      %add3A_62 = arith.addi %add3A_61, %iota3A : vector<16xi32>
      %swap3A_63 = arith.constant 0 : i32
      %swap3A_64 = arith.index_cast %swap3A_63 : i32 to index
      %swap3A_65 = arith.constant 32 : index
      %swap3A_66 = tpu.vector_load %arg4[%swap3A_64, %swap3A_65] {strides = array<i32>} : memref<4x128xi32, #tpu.memory_space<vmem>>, vector<1x16xi32>,
      %swap3A_67 = vector.shape_cast %swap3A_66 : vector<1x16xi32> to vector<16xi32>
      %swap3A_68 = vector.shape_cast %add3A_62 : vector<16xi32> to vector<1x16xi32>
      tpu.vector_store %arg4[%swap3A_64, %swap3A_65], %swap3A_68 {strides = array<i32>} : memref<4x128xi32, #tpu.memory_space<vmem>>, vector<1x16xi32>,
      %add3A_69 = arith.constant 48 : i32
      %add3A_70 = arith.addi %add3A_39, %add3A_69 : i32
      %add3A_71 = vector.broadcast %add3A_70 : i32 to vector<16xi32>
      %add3A_72 = arith.addi %add3A_71, %iota3A : vector<16xi32>
      %swap3A_73 = arith.constant 0 : i32
      %swap3A_74 = arith.index_cast %swap3A_73 : i32 to index
      %swap3A_75 = arith.constant 48 : index
      %swap3A_76 = tpu.vector_load %arg4[%swap3A_74, %swap3A_75] {strides = array<i32>} : memref<4x128xi32, #tpu.memory_space<vmem>>, vector<1x16xi32>,
      %swap3A_77 = vector.shape_cast %swap3A_76 : vector<1x16xi32> to vector<16xi32>
      %swap3A_78 = vector.shape_cast %add3A_72 : vector<16xi32> to vector<1x16xi32>
      tpu.vector_store %arg4[%swap3A_74, %swap3A_75], %swap3A_78 {strides = array<i32>} : memref<4x128xi32, #tpu.memory_space<vmem>>, vector<1x16xi32>,
      %add3A_79 = arith.constant 64 : i32
      %add3A_80 = arith.addi %add3A_39, %add3A_79 : i32
      %add3A_81 = vector.broadcast %add3A_80 : i32 to vector<16xi32>
      %add3A_82 = arith.addi %add3A_81, %iota3A : vector<16xi32>
      %swap3A_83 = arith.constant 0 : i32
      %swap3A_84 = arith.index_cast %swap3A_83 : i32 to index
      %swap3A_85 = arith.constant 64 : index
      %swap3A_86 = tpu.vector_load %arg4[%swap3A_84, %swap3A_85] {strides = array<i32>} : memref<4x128xi32, #tpu.memory_space<vmem>>, vector<1x16xi32>,
      %swap3A_87 = vector.shape_cast %swap3A_86 : vector<1x16xi32> to vector<16xi32>
      %swap3A_88 = vector.shape_cast %add3A_82 : vector<16xi32> to vector<1x16xi32>
      tpu.vector_store %arg4[%swap3A_84, %swap3A_85], %swap3A_88 {strides = array<i32>} : memref<4x128xi32, #tpu.memory_space<vmem>>, vector<1x16xi32>,
      %add3A_89 = arith.constant 80 : i32
      %add3A_90 = arith.addi %add3A_39, %add3A_89 : i32
      %add3A_91 = vector.broadcast %add3A_90 : i32 to vector<16xi32>
      %add3A_92 = arith.addi %add3A_91, %iota3A : vector<16xi32>
      %swap3A_93 = arith.constant 0 : i32
      %swap3A_94 = arith.index_cast %swap3A_93 : i32 to index
      %swap3A_95 = arith.constant 80 : index
      %swap3A_96 = tpu.vector_load %arg4[%swap3A_94, %swap3A_95] {strides = array<i32>} : memref<4x128xi32, #tpu.memory_space<vmem>>, vector<1x16xi32>,
      %swap3A_97 = vector.shape_cast %swap3A_96 : vector<1x16xi32> to vector<16xi32>
      %swap3A_98 = vector.shape_cast %add3A_92 : vector<16xi32> to vector<1x16xi32>
      tpu.vector_store %arg4[%swap3A_94, %swap3A_95], %swap3A_98 {strides = array<i32>} : memref<4x128xi32, #tpu.memory_space<vmem>>, vector<1x16xi32>,
      %add3A_99 = arith.constant 96 : i32
      %add3A_100 = arith.addi %add3A_39, %add3A_99 : i32
      %add3A_101 = vector.broadcast %add3A_100 : i32 to vector<16xi32>
      %add3A_102 = arith.addi %add3A_101, %iota3A : vector<16xi32>
      %swap3A_103 = arith.constant 0 : i32
      %swap3A_104 = arith.index_cast %swap3A_103 : i32 to index
      %swap3A_105 = arith.constant 96 : index
      %swap3A_106 = tpu.vector_load %arg4[%swap3A_104, %swap3A_105] {strides = array<i32>} : memref<4x128xi32, #tpu.memory_space<vmem>>, vector<1x16xi32>,
      %swap3A_107 = vector.shape_cast %swap3A_106 : vector<1x16xi32> to vector<16xi32>
      %swap3A_108 = vector.shape_cast %add3A_102 : vector<16xi32> to vector<1x16xi32>
      tpu.vector_store %arg4[%swap3A_104, %swap3A_105], %swap3A_108 {strides = array<i32>} : memref<4x128xi32, #tpu.memory_space<vmem>>, vector<1x16xi32>,
      %add3A_109 = arith.constant 112 : i32
      %add3A_110 = arith.addi %add3A_39, %add3A_109 : i32
      %add3A_111 = vector.broadcast %add3A_110 : i32 to vector<16xi32>
      %add3A_112 = arith.addi %add3A_111, %iota3A : vector<16xi32>
      %swap3A_113 = arith.constant 0 : i32
      %swap3A_114 = arith.index_cast %swap3A_113 : i32 to index
      %swap3A_115 = arith.constant 112 : index
      %swap3A_116 = tpu.vector_load %arg4[%swap3A_114, %swap3A_115] {strides = array<i32>} : memref<4x128xi32, #tpu.memory_space<vmem>>, vector<1x16xi32>,
      %swap3A_117 = vector.shape_cast %swap3A_116 : vector<1x16xi32> to vector<16xi32>
      %swap3A_118 = vector.shape_cast %add3A_112 : vector<16xi32> to vector<1x16xi32>
      tpu.vector_store %arg4[%swap3A_114, %swap3A_115], %swap3A_118 {strides = array<i32>} : memref<4x128xi32, #tpu.memory_space<vmem>>, vector<1x16xi32>,
      %dma_start3A = arith.constant 0 : i32
      %dma_start3A_119 = arith.constant 0 : i32
      %dma_start3A_120 = tpu.memref_slice %arg4[%dma_start3A, %dma_start3A_119] : memref<4x128xi32, #tpu.memory_space<vmem>> -> memref<1x128xi32, #tpu.memory_space<vmem>>
      %dma_start3A_121 = tpu.memref_squeeze %dma_start3A_120 : memref<1x128xi32, #tpu.memory_space<vmem>> -> memref<128xi32, #tpu.memory_space<vmem>>
      %dma_start3A_122 = arith.constant 0 : i32
      %dma_start3A_123 = arith.constant 0 : i32
      %dma_start3A_124 = tpu.memref_slice %arg7[%dma_start3A_122, %dma_start3A_123] : memref<10240x128xf32, #tpu.memory_space<vmem_shared>> -> memref<10240x128xf32, #tpu.memory_space<vmem_shared>>
      tpu.enqueue_indirect_dma source(%dma_start3A_124 : memref<10240x128xf32, #tpu.memory_space<vmem_shared>>) target(%arg6 : memref<128x128xf32, #tpu.memory_space<vmem>>) offsets(%dma_start3A_121 : memref<128xi32, #tpu.memory_space<vmem>>) semaphore(%arg8 : memref<!tpu.dma_semaphore, #tpu.memory_space<semaphore_mem>>)
      %dma_wait3A = arith.constant 0 : i32
      %dma_wait3A_125 = arith.constant 0 : i32
      %dma_wait3A_126 = tpu.memref_slice %arg4[%dma_wait3A, %dma_wait3A_125] : memref<4x128xi32, #tpu.memory_space<vmem>> -> memref<1x128xi32, #tpu.memory_space<vmem>>
      %dma_wait3A_127 = tpu.memref_squeeze %dma_wait3A_126 : memref<1x128xi32, #tpu.memory_space<vmem>> -> memref<128xi32, #tpu.memory_space<vmem>>
      %dma_wait3A_128 = arith.constant 0 : i32
      %dma_wait3A_129 = arith.constant 0 : i32
      %dma_wait3A_130 = tpu.memref_slice %arg7[%dma_wait3A_128, %dma_wait3A_129] : memref<10240x128xf32, #tpu.memory_space<vmem_shared>> -> memref<10240x128xf32, #tpu.memory_space<vmem_shared>>
      tpu.wait_indirect_dma semaphore(%arg8 : memref<!tpu.dma_semaphore, #tpu.memory_space<semaphore_mem>>) src(%dma_wait3A_130 : memref<10240x128xf32, #tpu.memory_space<vmem_shared>>) dst(%arg6 : memref<128x128xf32, #tpu.memory_space<vmem>>)
      "tpu.region"() ({
        %run_scoped3A = tpu.sem_alloc : memref<!tpu.dma_semaphore, #tpu.memory_space<semaphore_mem>>
        %dma_start3A_131 = arith.constant 0 : i32
        %dma_start3A_132 = tpu.memref_slice %arg3[%arg0, %arg1, %multiple_of3A, %dma_start3A_131] : memref<2x16x640x128xf32, #tpu.memory_space<hbm>> -> memref<1x1x128x128xf32, #tpu.memory_space<hbm>>
        %dma_start3A_133 = tpu.memref_squeeze %dma_start3A_132 : memref<1x1x128x128xf32, #tpu.memory_space<hbm>> -> memref<128x128xf32, #tpu.memory_space<hbm>>
        %dma_start3A_134 = arith.constant 0 : i32
        %dma_start3A_135 = tpu.memref_slice %arg3[%arg0, %arg1, %multiple_of3A, %dma_start3A_134] : memref<2x16x640x128xf32, #tpu.memory_space<hbm>> -> memref<1x1x128x128xf32, #tpu.memory_space<hbm>>
        %dma_start3A_136 = tpu.memref_squeeze %dma_start3A_135 : memref<1x1x128x128xf32, #tpu.memory_space<hbm>> -> memref<128x128xf32, #tpu.memory_space<hbm>>
        tpu.enqueue_dma source(%arg6 : memref<128x128xf32, #tpu.memory_space<vmem>>) target(%dma_start3A_136 : memref<128x128xf32, #tpu.memory_space<hbm>>) target_semaphore(%run_scoped3A : memref<!tpu.dma_semaphore, #tpu.memory_space<semaphore_mem>>)
        %dma_wait3A_137 = arith.constant 0 : i32
        %dma_wait3A_138 = tpu.memref_slice %arg3[%arg0, %arg1, %multiple_of3A, %dma_wait3A_137] : memref<2x16x640x128xf32, #tpu.memory_space<hbm>> -> memref<1x1x128x128xf32, #tpu.memory_space<hbm>>
        %dma_wait3A_139 = tpu.memref_squeeze %dma_wait3A_138 : memref<1x1x128x128xf32, #tpu.memory_space<hbm>> -> memref<128x128xf32, #tpu.memory_space<hbm>>
        %dma_wait3A_140 = arith.constant 0 : i32
        %dma_wait3A_141 = tpu.memref_slice %arg3[%arg0, %arg1, %multiple_of3A, %dma_wait3A_140] : memref<2x16x640x128xf32, #tpu.memory_space<hbm>> -> memref<1x1x128x128xf32, #tpu.memory_space<hbm>>
        %dma_wait3A_142 = tpu.memref_squeeze %dma_wait3A_141 : memref<1x1x128x128xf32, #tpu.memory_space<hbm>> -> memref<128x128xf32, #tpu.memory_space<hbm>>
        tpu.wait_dma2 semaphore(%run_scoped3A : memref<!tpu.dma_semaphore, #tpu.memory_space<semaphore_mem>>) src(%arg6 : memref<128x128xf32, #tpu.memory_space<vmem>>) dst(%dma_wait3A_142 : memref<128x128xf32, #tpu.memory_space<hbm>>)
        tpu.yield
      }) : () -> ()
    }
    %scan3A_33 = arith.constant 5 : i32
    return
  }
}

#map = affine_map<(d0, d1) -> (0, 0, 0)>
#map1 = affine_map<(d0, d1) -> (0, 0)>
#map2 = affine_map<(d0, d1) -> (0, 0, 0, 0)>
module attributes {stable_mosaic.version = 14 : i64} {
  func.func @body(%arg0: i32, %arg1: i32, %arg2: memref<32x80x128xi32, #tpu.memory_space<hbm>>, %arg3: memref<32x80x128xi32, #tpu.memory_space<hbm>>, %arg4: memref<10240x128xf32, #tpu.memory_space<hbm>>, %arg5: memref<2x16x640x128xf32, #tpu.memory_space<hbm>>, %arg6: memref<4x128xi32, #tpu.memory_space<vmem>>, %arg7: memref<4x128xi32, #tpu.memory_space<vmem>>, %arg8: memref<128x128xf32, #tpu.memory_space<vmem>>, %arg9: memref<10240x128xf32, #tpu.memory_space<vmem_shared>>, %arg10: memref<!tpu.dma_semaphore, #tpu.memory_space<semaphore_mem>>) attributes {dimension_semantics = [#tpu.dimension_semantics<core_parallel>, #tpu.dimension_semantics<subcore_parallel>], iteration_bounds = array<i64: 2, 16>, scalar_prefetch = 0 : i64, scratch_operands = 5 : i64, tpu.core_type = #tpu.core_type<sc_vector_subcore>, window_params = [{transform_indices = #map}, {transform_indices = #map}, {transform_indices = #map1}, {transform_indices = #map2}]} {
    %mul3A = arith.constant 16 : i32
    %mul3A_0 = arith.muli %arg0, %mul3A : i32
    %add3A = arith.addi %mul3A_0, %arg1 : i32
    %iota3A = tpu.iota {dimensions = array<i32: 0>} : vector<16xi32>
    %broadcast_in_dim3A = arith.constant 0.000000e+00 : f32
    %broadcast_in_dim3A_1 = vector.broadcast %broadcast_in_dim3A : f32 to vector<16xf32>
    %scan3A = arith.constant 0 : i32
    %scan3A_2 = arith.constant 0 : i32
    %scan3A_3 = arith.constant 128 : i32
    %scan3A_4 = arith.addi %scan3A_2, %scan3A_3 : i32
    %scan3A_5 = arith.constant 1 : i32
    scf.for %scan3A_26 = %scan3A_2 to %scan3A_4 step %scan3A_5  : i32 {
      %swap3A = arith.index_cast %scan3A_26 : i32 to index
      %swap3A_27 = arith.constant 0 : index
      %swap3A_28 = tpu.vector_load %arg8[%swap3A, %swap3A_27] {strides = array<i32>} : memref<128x128xf32, #tpu.memory_space<vmem>>, vector<1x16xf32>,
      %swap3A_29 = vector.shape_cast %swap3A_28 : vector<1x16xf32> to vector<16xf32>
      %swap3A_30 = vector.shape_cast %broadcast_in_dim3A_1 : vector<16xf32> to vector<1x16xf32>
      tpu.vector_store %arg8[%swap3A, %swap3A_27], %swap3A_30 {strides = array<i32>} : memref<128x128xf32, #tpu.memory_space<vmem>>, vector<1x16xf32>,
      %swap3A_31 = arith.index_cast %scan3A_26 : i32 to index
      %swap3A_32 = arith.constant 16 : index
      %swap3A_33 = tpu.vector_load %arg8[%swap3A_31, %swap3A_32] {strides = array<i32>} : memref<128x128xf32, #tpu.memory_space<vmem>>, vector<1x16xf32>,
      %swap3A_34 = vector.shape_cast %swap3A_33 : vector<1x16xf32> to vector<16xf32>
      %swap3A_35 = vector.shape_cast %broadcast_in_dim3A_1 : vector<16xf32> to vector<1x16xf32>
      tpu.vector_store %arg8[%swap3A_31, %swap3A_32], %swap3A_35 {strides = array<i32>} : memref<128x128xf32, #tpu.memory_space<vmem>>, vector<1x16xf32>,
      %swap3A_36 = arith.index_cast %scan3A_26 : i32 to index
      %swap3A_37 = arith.constant 32 : index
      %swap3A_38 = tpu.vector_load %arg8[%swap3A_36, %swap3A_37] {strides = array<i32>} : memref<128x128xf32, #tpu.memory_space<vmem>>, vector<1x16xf32>,
      %swap3A_39 = vector.shape_cast %swap3A_38 : vector<1x16xf32> to vector<16xf32>
      %swap3A_40 = vector.shape_cast %broadcast_in_dim3A_1 : vector<16xf32> to vector<1x16xf32>
      tpu.vector_store %arg8[%swap3A_36, %swap3A_37], %swap3A_40 {strides = array<i32>} : memref<128x128xf32, #tpu.memory_space<vmem>>, vector<1x16xf32>,
      %swap3A_41 = arith.index_cast %scan3A_26 : i32 to index
      %swap3A_42 = arith.constant 48 : index
      %swap3A_43 = tpu.vector_load %arg8[%swap3A_41, %swap3A_42] {strides = array<i32>} : memref<128x128xf32, #tpu.memory_space<vmem>>, vector<1x16xf32>,
      %swap3A_44 = vector.shape_cast %swap3A_43 : vector<1x16xf32> to vector<16xf32>
      %swap3A_45 = vector.shape_cast %broadcast_in_dim3A_1 : vector<16xf32> to vector<1x16xf32>
      tpu.vector_store %arg8[%swap3A_41, %swap3A_42], %swap3A_45 {strides = array<i32>} : memref<128x128xf32, #tpu.memory_space<vmem>>, vector<1x16xf32>,
      %swap3A_46 = arith.index_cast %scan3A_26 : i32 to index
      %swap3A_47 = arith.constant 64 : index
      %swap3A_48 = tpu.vector_load %arg8[%swap3A_46, %swap3A_47] {strides = array<i32>} : memref<128x128xf32, #tpu.memory_space<vmem>>, vector<1x16xf32>,
      %swap3A_49 = vector.shape_cast %swap3A_48 : vector<1x16xf32> to vector<16xf32>
      %swap3A_50 = vector.shape_cast %broadcast_in_dim3A_1 : vector<16xf32> to vector<1x16xf32>
      tpu.vector_store %arg8[%swap3A_46, %swap3A_47], %swap3A_50 {strides = array<i32>} : memref<128x128xf32, #tpu.memory_space<vmem>>, vector<1x16xf32>,
      %swap3A_51 = arith.index_cast %scan3A_26 : i32 to index
      %swap3A_52 = arith.constant 80 : index
      %swap3A_53 = tpu.vector_load %arg8[%swap3A_51, %swap3A_52] {strides = array<i32>} : memref<128x128xf32, #tpu.memory_space<vmem>>, vector<1x16xf32>,
      %swap3A_54 = vector.shape_cast %swap3A_53 : vector<1x16xf32> to vector<16xf32>
      %swap3A_55 = vector.shape_cast %broadcast_in_dim3A_1 : vector<16xf32> to vector<1x16xf32>
      tpu.vector_store %arg8[%swap3A_51, %swap3A_52], %swap3A_55 {strides = array<i32>} : memref<128x128xf32, #tpu.memory_space<vmem>>, vector<1x16xf32>,
      %swap3A_56 = arith.index_cast %scan3A_26 : i32 to index
      %swap3A_57 = arith.constant 96 : index
      %swap3A_58 = tpu.vector_load %arg8[%swap3A_56, %swap3A_57] {strides = array<i32>} : memref<128x128xf32, #tpu.memory_space<vmem>>, vector<1x16xf32>,
      %swap3A_59 = vector.shape_cast %swap3A_58 : vector<1x16xf32> to vector<16xf32>
      %swap3A_60 = vector.shape_cast %broadcast_in_dim3A_1 : vector<16xf32> to vector<1x16xf32>
      tpu.vector_store %arg8[%swap3A_56, %swap3A_57], %swap3A_60 {strides = array<i32>} : memref<128x128xf32, #tpu.memory_space<vmem>>, vector<1x16xf32>,
      %swap3A_61 = arith.index_cast %scan3A_26 : i32 to index
      %swap3A_62 = arith.constant 112 : index
      %swap3A_63 = tpu.vector_load %arg8[%swap3A_61, %swap3A_62] {strides = array<i32>} : memref<128x128xf32, #tpu.memory_space<vmem>>, vector<1x16xf32>,
      %swap3A_64 = vector.shape_cast %swap3A_63 : vector<1x16xf32> to vector<16xf32>
      %swap3A_65 = vector.shape_cast %broadcast_in_dim3A_1 : vector<16xf32> to vector<1x16xf32>
      tpu.vector_store %arg8[%swap3A_61, %swap3A_62], %swap3A_65 {strides = array<i32>} : memref<128x128xf32, #tpu.memory_space<vmem>>, vector<1x16xf32>,
    }
    %scan3A_6 = arith.constant 128 : i32
    %scan3A_7 = arith.constant 0 : i32
    %scan3A_8 = arith.constant 0 : i32
    %scan3A_9 = arith.constant 5 : i32
    %scan3A_10 = arith.addi %scan3A_8, %scan3A_9 : i32
    %scan3A_11 = arith.constant 1 : i32
    scf.for %scan3A_26 = %scan3A_8 to %scan3A_10 step %scan3A_11  : i32 {
      %mul3A_27 = arith.constant 640 : i32
      %mul3A_28 = arith.muli %arg1, %mul3A_27 : i32
      %mul3A_29 = arith.constant 128 : i32
      %mul3A_30 = arith.muli %scan3A_26, %mul3A_29 : i32
      %add3A_31 = arith.addi %mul3A_28, %mul3A_30 : i32
      %add3A_32 = arith.constant 0 : i32
      %add3A_33 = arith.addi %add3A_31, %add3A_32 : i32
      %add3A_34 = vector.broadcast %add3A_33 : i32 to vector<16xi32>
      %add3A_35 = arith.addi %add3A_34, %iota3A : vector<16xi32>
      %swap3A = arith.constant 0 : i32
      %swap3A_36 = arith.index_cast %swap3A : i32 to index
      %swap3A_37 = arith.constant 0 : index
      %swap3A_38 = tpu.vector_load %arg6[%swap3A_36, %swap3A_37] {strides = array<i32>} : memref<4x128xi32, #tpu.memory_space<vmem>>, vector<1x16xi32>,
      %swap3A_39 = vector.shape_cast %swap3A_38 : vector<1x16xi32> to vector<16xi32>
      %swap3A_40 = vector.shape_cast %add3A_35 : vector<16xi32> to vector<1x16xi32>
      tpu.vector_store %arg6[%swap3A_36, %swap3A_37], %swap3A_40 {strides = array<i32>} : memref<4x128xi32, #tpu.memory_space<vmem>>, vector<1x16xi32>,
      %add3A_41 = arith.constant 16 : i32
      %add3A_42 = arith.addi %add3A_31, %add3A_41 : i32
      %add3A_43 = vector.broadcast %add3A_42 : i32 to vector<16xi32>
      %add3A_44 = arith.addi %add3A_43, %iota3A : vector<16xi32>
      %swap3A_45 = arith.constant 0 : i32
      %swap3A_46 = arith.index_cast %swap3A_45 : i32 to index
      %swap3A_47 = arith.constant 16 : index
      %swap3A_48 = tpu.vector_load %arg6[%swap3A_46, %swap3A_47] {strides = array<i32>} : memref<4x128xi32, #tpu.memory_space<vmem>>, vector<1x16xi32>,
      %swap3A_49 = vector.shape_cast %swap3A_48 : vector<1x16xi32> to vector<16xi32>
      %swap3A_50 = vector.shape_cast %add3A_44 : vector<16xi32> to vector<1x16xi32>
      tpu.vector_store %arg6[%swap3A_46, %swap3A_47], %swap3A_50 {strides = array<i32>} : memref<4x128xi32, #tpu.memory_space<vmem>>, vector<1x16xi32>,
      %add3A_51 = arith.constant 32 : i32
      %add3A_52 = arith.addi %add3A_31, %add3A_51 : i32
      %add3A_53 = vector.broadcast %add3A_52 : i32 to vector<16xi32>
      %add3A_54 = arith.addi %add3A_53, %iota3A : vector<16xi32>
      %swap3A_55 = arith.constant 0 : i32
      %swap3A_56 = arith.index_cast %swap3A_55 : i32 to index
      %swap3A_57 = arith.constant 32 : index
      %swap3A_58 = tpu.vector_load %arg6[%swap3A_56, %swap3A_57] {strides = array<i32>} : memref<4x128xi32, #tpu.memory_space<vmem>>, vector<1x16xi32>,
      %swap3A_59 = vector.shape_cast %swap3A_58 : vector<1x16xi32> to vector<16xi32>
      %swap3A_60 = vector.shape_cast %add3A_54 : vector<16xi32> to vector<1x16xi32>
      tpu.vector_store %arg6[%swap3A_56, %swap3A_57], %swap3A_60 {strides = array<i32>} : memref<4x128xi32, #tpu.memory_space<vmem>>, vector<1x16xi32>,
      %add3A_61 = arith.constant 48 : i32
      %add3A_62 = arith.addi %add3A_31, %add3A_61 : i32
      %add3A_63 = vector.broadcast %add3A_62 : i32 to vector<16xi32>
      %add3A_64 = arith.addi %add3A_63, %iota3A : vector<16xi32>
      %swap3A_65 = arith.constant 0 : i32
      %swap3A_66 = arith.index_cast %swap3A_65 : i32 to index
      %swap3A_67 = arith.constant 48 : index
      %swap3A_68 = tpu.vector_load %arg6[%swap3A_66, %swap3A_67] {strides = array<i32>} : memref<4x128xi32, #tpu.memory_space<vmem>>, vector<1x16xi32>,
      %swap3A_69 = vector.shape_cast %swap3A_68 : vector<1x16xi32> to vector<16xi32>
      %swap3A_70 = vector.shape_cast %add3A_64 : vector<16xi32> to vector<1x16xi32>
      tpu.vector_store %arg6[%swap3A_66, %swap3A_67], %swap3A_70 {strides = array<i32>} : memref<4x128xi32, #tpu.memory_space<vmem>>, vector<1x16xi32>,
      %add3A_71 = arith.constant 64 : i32
      %add3A_72 = arith.addi %add3A_31, %add3A_71 : i32
      %add3A_73 = vector.broadcast %add3A_72 : i32 to vector<16xi32>
      %add3A_74 = arith.addi %add3A_73, %iota3A : vector<16xi32>
      %swap3A_75 = arith.constant 0 : i32
      %swap3A_76 = arith.index_cast %swap3A_75 : i32 to index
      %swap3A_77 = arith.constant 64 : index
      %swap3A_78 = tpu.vector_load %arg6[%swap3A_76, %swap3A_77] {strides = array<i32>} : memref<4x128xi32, #tpu.memory_space<vmem>>, vector<1x16xi32>,
      %swap3A_79 = vector.shape_cast %swap3A_78 : vector<1x16xi32> to vector<16xi32>
      %swap3A_80 = vector.shape_cast %add3A_74 : vector<16xi32> to vector<1x16xi32>
      tpu.vector_store %arg6[%swap3A_76, %swap3A_77], %swap3A_80 {strides = array<i32>} : memref<4x128xi32, #tpu.memory_space<vmem>>, vector<1x16xi32>,
      %add3A_81 = arith.constant 80 : i32
      %add3A_82 = arith.addi %add3A_31, %add3A_81 : i32
      %add3A_83 = vector.broadcast %add3A_82 : i32 to vector<16xi32>
      %add3A_84 = arith.addi %add3A_83, %iota3A : vector<16xi32>
      %swap3A_85 = arith.constant 0 : i32
      %swap3A_86 = arith.index_cast %swap3A_85 : i32 to index
      %swap3A_87 = arith.constant 80 : index
      %swap3A_88 = tpu.vector_load %arg6[%swap3A_86, %swap3A_87] {strides = array<i32>} : memref<4x128xi32, #tpu.memory_space<vmem>>, vector<1x16xi32>,
      %swap3A_89 = vector.shape_cast %swap3A_88 : vector<1x16xi32> to vector<16xi32>
      %swap3A_90 = vector.shape_cast %add3A_84 : vector<16xi32> to vector<1x16xi32>
      tpu.vector_store %arg6[%swap3A_86, %swap3A_87], %swap3A_90 {strides = array<i32>} : memref<4x128xi32, #tpu.memory_space<vmem>>, vector<1x16xi32>,
      %add3A_91 = arith.constant 96 : i32
      %add3A_92 = arith.addi %add3A_31, %add3A_91 : i32
      %add3A_93 = vector.broadcast %add3A_92 : i32 to vector<16xi32>
      %add3A_94 = arith.addi %add3A_93, %iota3A : vector<16xi32>
      %swap3A_95 = arith.constant 0 : i32
      %swap3A_96 = arith.index_cast %swap3A_95 : i32 to index
      %swap3A_97 = arith.constant 96 : index
      %swap3A_98 = tpu.vector_load %arg6[%swap3A_96, %swap3A_97] {strides = array<i32>} : memref<4x128xi32, #tpu.memory_space<vmem>>, vector<1x16xi32>,
      %swap3A_99 = vector.shape_cast %swap3A_98 : vector<1x16xi32> to vector<16xi32>
      %swap3A_100 = vector.shape_cast %add3A_94 : vector<16xi32> to vector<1x16xi32>
      tpu.vector_store %arg6[%swap3A_96, %swap3A_97], %swap3A_100 {strides = array<i32>} : memref<4x128xi32, #tpu.memory_space<vmem>>, vector<1x16xi32>,
      %add3A_101 = arith.constant 112 : i32
      %add3A_102 = arith.addi %add3A_31, %add3A_101 : i32
      %add3A_103 = vector.broadcast %add3A_102 : i32 to vector<16xi32>
      %add3A_104 = arith.addi %add3A_103, %iota3A : vector<16xi32>
      %swap3A_105 = arith.constant 0 : i32
      %swap3A_106 = arith.index_cast %swap3A_105 : i32 to index
      %swap3A_107 = arith.constant 112 : index
      %swap3A_108 = tpu.vector_load %arg6[%swap3A_106, %swap3A_107] {strides = array<i32>} : memref<4x128xi32, #tpu.memory_space<vmem>>, vector<1x16xi32>,
      %swap3A_109 = vector.shape_cast %swap3A_108 : vector<1x16xi32> to vector<16xi32>
      %swap3A_110 = vector.shape_cast %add3A_104 : vector<16xi32> to vector<1x16xi32>
      tpu.vector_store %arg6[%swap3A_106, %swap3A_107], %swap3A_110 {strides = array<i32>} : memref<4x128xi32, #tpu.memory_space<vmem>>, vector<1x16xi32>,
      %run_scoped3A = arith.constant 0 : i32
      "tpu.region"() ({
        %run_scoped3A_111 = tpu.sem_alloc : memref<!tpu.dma_semaphore, #tpu.memory_space<semaphore_mem>>
        %dma_start3A = arith.constant 0 : i32
        %dma_start3A_112 = tpu.memref_slice %arg6[%run_scoped3A, %dma_start3A] : memref<4x128xi32, #tpu.memory_space<vmem>> -> memref<1x128xi32, #tpu.memory_space<vmem>>
        %dma_start3A_113 = tpu.memref_squeeze %dma_start3A_112 : memref<1x128xi32, #tpu.memory_space<vmem>> -> memref<128xi32, #tpu.memory_space<vmem>>
        %dma_start3A_114 = arith.constant 0 : i32
        %dma_start3A_115 = arith.constant 0 : i32
        %dma_start3A_116 = tpu.memref_slice %arg9[%dma_start3A_114, %dma_start3A_115] : memref<10240x128xf32, #tpu.memory_space<vmem_shared>> -> memref<10240x128xf32, #tpu.memory_space<vmem_shared>>
        tpu.enqueue_indirect_dma source(%arg8 : memref<128x128xf32, #tpu.memory_space<vmem>>) target(%dma_start3A_116 : memref<10240x128xf32, #tpu.memory_space<vmem_shared>>) offsets(%dma_start3A_113 : memref<128xi32, #tpu.memory_space<vmem>>) semaphore(%run_scoped3A_111 : memref<!tpu.dma_semaphore, #tpu.memory_space<semaphore_mem>>)
        %dma_wait3A = arith.constant 0 : i32
        %dma_wait3A_117 = tpu.memref_slice %arg6[%run_scoped3A, %dma_wait3A] : memref<4x128xi32, #tpu.memory_space<vmem>> -> memref<1x128xi32, #tpu.memory_space<vmem>>
        %dma_wait3A_118 = tpu.memref_squeeze %dma_wait3A_117 : memref<1x128xi32, #tpu.memory_space<vmem>> -> memref<128xi32, #tpu.memory_space<vmem>>
        %dma_wait3A_119 = arith.constant 0 : i32
        %dma_wait3A_120 = arith.constant 0 : i32
        %dma_wait3A_121 = tpu.memref_slice %arg9[%dma_wait3A_119, %dma_wait3A_120] : memref<10240x128xf32, #tpu.memory_space<vmem_shared>> -> memref<10240x128xf32, #tpu.memory_space<vmem_shared>>
        tpu.wait_indirect_dma semaphore(%run_scoped3A_111 : memref<!tpu.dma_semaphore, #tpu.memory_space<semaphore_mem>>) src(%arg8 : memref<128x128xf32, #tpu.memory_space<vmem>>) dst(%dma_wait3A_121 : memref<10240x128xf32, #tpu.memory_space<vmem_shared>>)
        tpu.yield
      }) : () -> ()
    }
    %scan3A_12 = arith.constant 5 : i32
    %barrier3A = arith.constant 0 : index
    tpu.barrier barrier_id(%barrier3A)
    %scan3A_13 = arith.constant 0 : i32
    %scan3A_14 = arith.constant 0 : i32
    %scan3A_15 = arith.constant 20 : i32
    %scan3A_16 = arith.addi %scan3A_14, %scan3A_15 : i32
    %scan3A_17 = arith.constant 1 : i32
    scf.for %scan3A_26 = %scan3A_14 to %scan3A_16 step %scan3A_17  : i32 {
      %mul3A_27 = arith.constant 4 : i32
      %mul3A_28 = arith.muli %scan3A_26, %mul3A_27 : i32
      %multiple_of3A = tpu.assume_multiple %mul3A_28, 4 : i32
      "tpu.region"() ({
        %run_scoped3A = tpu.sem_alloc : memref<!tpu.dma_semaphore, #tpu.memory_space<semaphore_mem>>
        %dma_start3A = arith.constant 0 : i32
        %dma_start3A_34 = tpu.memref_slice %arg2[%add3A, %multiple_of3A, %dma_start3A] : memref<32x80x128xi32, #tpu.memory_space<hbm>> -> memref<1x4x128xi32, #tpu.memory_space<hbm>>
        %dma_start3A_35 = tpu.memref_squeeze %dma_start3A_34 : memref<1x4x128xi32, #tpu.memory_space<hbm>> -> memref<4x128xi32, #tpu.memory_space<hbm>>
        %dma_start3A_36 = arith.constant 0 : i32
        %dma_start3A_37 = tpu.memref_slice %arg2[%add3A, %multiple_of3A, %dma_start3A_36] : memref<32x80x128xi32, #tpu.memory_space<hbm>> -> memref<1x4x128xi32, #tpu.memory_space<hbm>>
        %dma_start3A_38 = tpu.memref_squeeze %dma_start3A_37 : memref<1x4x128xi32, #tpu.memory_space<hbm>> -> memref<4x128xi32, #tpu.memory_space<hbm>>
        tpu.enqueue_dma source(%dma_start3A_38 : memref<4x128xi32, #tpu.memory_space<hbm>>) target(%arg6 : memref<4x128xi32, #tpu.memory_space<vmem>>) target_semaphore(%run_scoped3A : memref<!tpu.dma_semaphore, #tpu.memory_space<semaphore_mem>>)
        %dma_wait3A = arith.constant 0 : i32
        %dma_wait3A_39 = tpu.memref_slice %arg2[%add3A, %multiple_of3A, %dma_wait3A] : memref<32x80x128xi32, #tpu.memory_space<hbm>> -> memref<1x4x128xi32, #tpu.memory_space<hbm>>
        %dma_wait3A_40 = tpu.memref_squeeze %dma_wait3A_39 : memref<1x4x128xi32, #tpu.memory_space<hbm>> -> memref<4x128xi32, #tpu.memory_space<hbm>>
        %dma_wait3A_41 = arith.constant 0 : i32
        %dma_wait3A_42 = tpu.memref_slice %arg2[%add3A, %multiple_of3A, %dma_wait3A_41] : memref<32x80x128xi32, #tpu.memory_space<hbm>> -> memref<1x4x128xi32, #tpu.memory_space<hbm>>
        %dma_wait3A_43 = tpu.memref_squeeze %dma_wait3A_42 : memref<1x4x128xi32, #tpu.memory_space<hbm>> -> memref<4x128xi32, #tpu.memory_space<hbm>>
        tpu.wait_dma2 semaphore(%run_scoped3A : memref<!tpu.dma_semaphore, #tpu.memory_space<semaphore_mem>>) src(%dma_wait3A_43 : memref<4x128xi32, #tpu.memory_space<hbm>>) dst(%arg6 : memref<4x128xi32, #tpu.memory_space<vmem>>)
        tpu.yield
      }) : () -> ()
      "tpu.region"() ({
        %run_scoped3A = tpu.sem_alloc : memref<!tpu.dma_semaphore, #tpu.memory_space<semaphore_mem>>
        %dma_start3A = arith.constant 0 : i32
        %dma_start3A_34 = tpu.memref_slice %arg3[%add3A, %multiple_of3A, %dma_start3A] : memref<32x80x128xi32, #tpu.memory_space<hbm>> -> memref<1x4x128xi32, #tpu.memory_space<hbm>>
        %dma_start3A_35 = tpu.memref_squeeze %dma_start3A_34 : memref<1x4x128xi32, #tpu.memory_space<hbm>> -> memref<4x128xi32, #tpu.memory_space<hbm>>
        %dma_start3A_36 = arith.constant 0 : i32
        %dma_start3A_37 = tpu.memref_slice %arg3[%add3A, %multiple_of3A, %dma_start3A_36] : memref<32x80x128xi32, #tpu.memory_space<hbm>> -> memref<1x4x128xi32, #tpu.memory_space<hbm>>
        %dma_start3A_38 = tpu.memref_squeeze %dma_start3A_37 : memref<1x4x128xi32, #tpu.memory_space<hbm>> -> memref<4x128xi32, #tpu.memory_space<hbm>>
        tpu.enqueue_dma source(%dma_start3A_38 : memref<4x128xi32, #tpu.memory_space<hbm>>) target(%arg7 : memref<4x128xi32, #tpu.memory_space<vmem>>) target_semaphore(%run_scoped3A : memref<!tpu.dma_semaphore, #tpu.memory_space<semaphore_mem>>)
        %dma_wait3A = arith.constant 0 : i32
        %dma_wait3A_39 = tpu.memref_slice %arg3[%add3A, %multiple_of3A, %dma_wait3A] : memref<32x80x128xi32, #tpu.memory_space<hbm>> -> memref<1x4x128xi32, #tpu.memory_space<hbm>>
        %dma_wait3A_40 = tpu.memref_squeeze %dma_wait3A_39 : memref<1x4x128xi32, #tpu.memory_space<hbm>> -> memref<4x128xi32, #tpu.memory_space<hbm>>
        %dma_wait3A_41 = arith.constant 0 : i32
        %dma_wait3A_42 = tpu.memref_slice %arg3[%add3A, %multiple_of3A, %dma_wait3A_41] : memref<32x80x128xi32, #tpu.memory_space<hbm>> -> memref<1x4x128xi32, #tpu.memory_space<hbm>>
        %dma_wait3A_43 = tpu.memref_squeeze %dma_wait3A_42 : memref<1x4x128xi32, #tpu.memory_space<hbm>> -> memref<4x128xi32, #tpu.memory_space<hbm>>
        tpu.wait_dma2 semaphore(%run_scoped3A : memref<!tpu.dma_semaphore, #tpu.memory_space<semaphore_mem>>) src(%dma_wait3A_43 : memref<4x128xi32, #tpu.memory_space<hbm>>) dst(%arg7 : memref<4x128xi32, #tpu.memory_space<vmem>>)
        tpu.yield
      }) : () -> ()
      %scan3A_29 = arith.constant 0 : i32
      %scan3A_30 = arith.constant 4 : i32
      %scan3A_31 = arith.addi %scan3A_29, %scan3A_30 : i32
      %scan3A_32 = arith.constant 1 : i32
      scf.for %scan3A_34 = %scan3A_29 to %scan3A_31 step %scan3A_32  : i32 {
        %dma_start3A = arith.constant 0 : i32
        %dma_start3A_35 = tpu.memref_slice %arg6[%scan3A_34, %dma_start3A] : memref<4x128xi32, #tpu.memory_space<vmem>> -> memref<1x128xi32, #tpu.memory_space<vmem>>
        %dma_start3A_36 = tpu.memref_squeeze %dma_start3A_35 : memref<1x128xi32, #tpu.memory_space<vmem>> -> memref<128xi32, #tpu.memory_space<vmem>>
        %dma_start3A_37 = arith.constant 0 : i32
        %dma_start3A_38 = arith.constant 0 : i32
        %dma_start3A_39 = tpu.memref_slice %arg4[%dma_start3A_37, %dma_start3A_38] : memref<10240x128xf32, #tpu.memory_space<hbm>> -> memref<10240x128xf32, #tpu.memory_space<hbm>>
        tpu.enqueue_indirect_dma source(%dma_start3A_39 : memref<10240x128xf32, #tpu.memory_space<hbm>>) target(%arg8 : memref<128x128xf32, #tpu.memory_space<vmem>>) offsets(%dma_start3A_36 : memref<128xi32, #tpu.memory_space<vmem>>) semaphore(%arg10 : memref<!tpu.dma_semaphore, #tpu.memory_space<semaphore_mem>>)
        %dma_wait3A = arith.constant 0 : i32
        %dma_wait3A_40 = tpu.memref_slice %arg6[%scan3A_34, %dma_wait3A] : memref<4x128xi32, #tpu.memory_space<vmem>> -> memref<1x128xi32, #tpu.memory_space<vmem>>
        %dma_wait3A_41 = tpu.memref_squeeze %dma_wait3A_40 : memref<1x128xi32, #tpu.memory_space<vmem>> -> memref<128xi32, #tpu.memory_space<vmem>>
        %dma_wait3A_42 = arith.constant 0 : i32
        %dma_wait3A_43 = arith.constant 0 : i32
        %dma_wait3A_44 = tpu.memref_slice %arg4[%dma_wait3A_42, %dma_wait3A_43] : memref<10240x128xf32, #tpu.memory_space<hbm>> -> memref<10240x128xf32, #tpu.memory_space<hbm>>
        tpu.wait_indirect_dma semaphore(%arg10 : memref<!tpu.dma_semaphore, #tpu.memory_space<semaphore_mem>>) src(%dma_wait3A_44 : memref<10240x128xf32, #tpu.memory_space<hbm>>) dst(%arg8 : memref<128x128xf32, #tpu.memory_space<vmem>>)
        "tpu.region"() ({
          %run_scoped3A = tpu.sem_alloc : memref<!tpu.dma_semaphore, #tpu.memory_space<semaphore_mem>>
          %dma_start3A_45 = arith.constant 0 : i32
          %dma_start3A_46 = tpu.memref_slice %arg7[%scan3A_34, %dma_start3A_45] : memref<4x128xi32, #tpu.memory_space<vmem>> -> memref<1x128xi32, #tpu.memory_space<vmem>>
          %dma_start3A_47 = tpu.memref_squeeze %dma_start3A_46 : memref<1x128xi32, #tpu.memory_space<vmem>> -> memref<128xi32, #tpu.memory_space<vmem>>
          %dma_start3A_48 = arith.constant 0 : i32
          %dma_start3A_49 = arith.constant 0 : i32
          %dma_start3A_50 = tpu.memref_slice %arg9[%dma_start3A_48, %dma_start3A_49] : memref<10240x128xf32, #tpu.memory_space<vmem_shared>> -> memref<10240x128xf32, #tpu.memory_space<vmem_shared>>
          tpu.enqueue_indirect_dma source(%arg8 : memref<128x128xf32, #tpu.memory_space<vmem>>) target(%dma_start3A_50 : memref<10240x128xf32, #tpu.memory_space<vmem_shared>>) offsets(%dma_start3A_47 : memref<128xi32, #tpu.memory_space<vmem>>) semaphore(%run_scoped3A : memref<!tpu.dma_semaphore, #tpu.memory_space<semaphore_mem>>) {add = true}
          %dma_wait3A_51 = arith.constant 0 : i32
          %dma_wait3A_52 = tpu.memref_slice %arg7[%scan3A_34, %dma_wait3A_51] : memref<4x128xi32, #tpu.memory_space<vmem>> -> memref<1x128xi32, #tpu.memory_space<vmem>>
          %dma_wait3A_53 = tpu.memref_squeeze %dma_wait3A_52 : memref<1x128xi32, #tpu.memory_space<vmem>> -> memref<128xi32, #tpu.memory_space<vmem>>
          %dma_wait3A_54 = arith.constant 0 : i32
          %dma_wait3A_55 = arith.constant 0 : i32
          %dma_wait3A_56 = tpu.memref_slice %arg9[%dma_wait3A_54, %dma_wait3A_55] : memref<10240x128xf32, #tpu.memory_space<vmem_shared>> -> memref<10240x128xf32, #tpu.memory_space<vmem_shared>>
          tpu.wait_indirect_dma semaphore(%run_scoped3A : memref<!tpu.dma_semaphore, #tpu.memory_space<semaphore_mem>>) src(%arg8 : memref<128x128xf32, #tpu.memory_space<vmem>>) dst(%dma_wait3A_56 : memref<10240x128xf32, #tpu.memory_space<vmem_shared>>)
          tpu.yield
        }) : () -> ()
      }
      %scan3A_33 = arith.constant 4 : i32
    }
    %scan3A_18 = arith.constant 20 : i32
    %barrier3A_19 = arith.constant 0 : index
    tpu.barrier barrier_id(%barrier3A_19)
    %scan3A_20 = arith.constant 0 : i32
    %scan3A_21 = arith.constant 0 : i32
    %scan3A_22 = arith.constant 5 : i32
    %scan3A_23 = arith.addi %scan3A_21, %scan3A_22 : i32
    %scan3A_24 = arith.constant 1 : i32
    scf.for %scan3A_26 = %scan3A_21 to %scan3A_23 step %scan3A_24  : i32 {
      %mul3A_27 = arith.constant 128 : i32
      %mul3A_28 = arith.muli %scan3A_26, %mul3A_27 : i32
      %multiple_of3A = tpu.assume_multiple %mul3A_28, 128 : i32
      %mul3A_29 = arith.constant 640 : i32
      %mul3A_30 = arith.muli %arg1, %mul3A_29 : i32
      %add3A_31 = arith.addi %mul3A_30, %multiple_of3A : i32
      %add3A_32 = arith.constant 0 : i32
      %add3A_33 = arith.addi %add3A_31, %add3A_32 : i32
      %add3A_34 = vector.broadcast %add3A_33 : i32 to vector<16xi32>
      %add3A_35 = arith.addi %add3A_34, %iota3A : vector<16xi32>
      %swap3A = arith.constant 0 : i32
      %swap3A_36 = arith.index_cast %swap3A : i32 to index
      %swap3A_37 = arith.constant 0 : index
      %swap3A_38 = tpu.vector_load %arg6[%swap3A_36, %swap3A_37] {strides = array<i32>} : memref<4x128xi32, #tpu.memory_space<vmem>>, vector<1x16xi32>,
      %swap3A_39 = vector.shape_cast %swap3A_38 : vector<1x16xi32> to vector<16xi32>
      %swap3A_40 = vector.shape_cast %add3A_35 : vector<16xi32> to vector<1x16xi32>
      tpu.vector_store %arg6[%swap3A_36, %swap3A_37], %swap3A_40 {strides = array<i32>} : memref<4x128xi32, #tpu.memory_space<vmem>>, vector<1x16xi32>,
      %add3A_41 = arith.constant 16 : i32
      %add3A_42 = arith.addi %add3A_31, %add3A_41 : i32
      %add3A_43 = vector.broadcast %add3A_42 : i32 to vector<16xi32>
      %add3A_44 = arith.addi %add3A_43, %iota3A : vector<16xi32>
      %swap3A_45 = arith.constant 0 : i32
      %swap3A_46 = arith.index_cast %swap3A_45 : i32 to index
      %swap3A_47 = arith.constant 16 : index
      %swap3A_48 = tpu.vector_load %arg6[%swap3A_46, %swap3A_47] {strides = array<i32>} : memref<4x128xi32, #tpu.memory_space<vmem>>, vector<1x16xi32>,
      %swap3A_49 = vector.shape_cast %swap3A_48 : vector<1x16xi32> to vector<16xi32>
      %swap3A_50 = vector.shape_cast %add3A_44 : vector<16xi32> to vector<1x16xi32>
      tpu.vector_store %arg6[%swap3A_46, %swap3A_47], %swap3A_50 {strides = array<i32>} : memref<4x128xi32, #tpu.memory_space<vmem>>, vector<1x16xi32>,
      %add3A_51 = arith.constant 32 : i32
      %add3A_52 = arith.addi %add3A_31, %add3A_51 : i32
      %add3A_53 = vector.broadcast %add3A_52 : i32 to vector<16xi32>
      %add3A_54 = arith.addi %add3A_53, %iota3A : vector<16xi32>
      %swap3A_55 = arith.constant 0 : i32
      %swap3A_56 = arith.index_cast %swap3A_55 : i32 to index
      %swap3A_57 = arith.constant 32 : index
      %swap3A_58 = tpu.vector_load %arg6[%swap3A_56, %swap3A_57] {strides = array<i32>} : memref<4x128xi32, #tpu.memory_space<vmem>>, vector<1x16xi32>,
      %swap3A_59 = vector.shape_cast %swap3A_58 : vector<1x16xi32> to vector<16xi32>
      %swap3A_60 = vector.shape_cast %add3A_54 : vector<16xi32> to vector<1x16xi32>
      tpu.vector_store %arg6[%swap3A_56, %swap3A_57], %swap3A_60 {strides = array<i32>} : memref<4x128xi32, #tpu.memory_space<vmem>>, vector<1x16xi32>,
      %add3A_61 = arith.constant 48 : i32
      %add3A_62 = arith.addi %add3A_31, %add3A_61 : i32
      %add3A_63 = vector.broadcast %add3A_62 : i32 to vector<16xi32>
      %add3A_64 = arith.addi %add3A_63, %iota3A : vector<16xi32>
      %swap3A_65 = arith.constant 0 : i32
      %swap3A_66 = arith.index_cast %swap3A_65 : i32 to index
      %swap3A_67 = arith.constant 48 : index
      %swap3A_68 = tpu.vector_load %arg6[%swap3A_66, %swap3A_67] {strides = array<i32>} : memref<4x128xi32, #tpu.memory_space<vmem>>, vector<1x16xi32>,
      %swap3A_69 = vector.shape_cast %swap3A_68 : vector<1x16xi32> to vector<16xi32>
      %swap3A_70 = vector.shape_cast %add3A_64 : vector<16xi32> to vector<1x16xi32>
      tpu.vector_store %arg6[%swap3A_66, %swap3A_67], %swap3A_70 {strides = array<i32>} : memref<4x128xi32, #tpu.memory_space<vmem>>, vector<1x16xi32>,
      %add3A_71 = arith.constant 64 : i32
      %add3A_72 = arith.addi %add3A_31, %add3A_71 : i32
      %add3A_73 = vector.broadcast %add3A_72 : i32 to vector<16xi32>
      %add3A_74 = arith.addi %add3A_73, %iota3A : vector<16xi32>
      %swap3A_75 = arith.constant 0 : i32
      %swap3A_76 = arith.index_cast %swap3A_75 : i32 to index
      %swap3A_77 = arith.constant 64 : index
      %swap3A_78 = tpu.vector_load %arg6[%swap3A_76, %swap3A_77] {strides = array<i32>} : memref<4x128xi32, #tpu.memory_space<vmem>>, vector<1x16xi32>,
      %swap3A_79 = vector.shape_cast %swap3A_78 : vector<1x16xi32> to vector<16xi32>
      %swap3A_80 = vector.shape_cast %add3A_74 : vector<16xi32> to vector<1x16xi32>
      tpu.vector_store %arg6[%swap3A_76, %swap3A_77], %swap3A_80 {strides = array<i32>} : memref<4x128xi32, #tpu.memory_space<vmem>>, vector<1x16xi32>,
      %add3A_81 = arith.constant 80 : i32
      %add3A_82 = arith.addi %add3A_31, %add3A_81 : i32
      %add3A_83 = vector.broadcast %add3A_82 : i32 to vector<16xi32>
      %add3A_84 = arith.addi %add3A_83, %iota3A : vector<16xi32>
      %swap3A_85 = arith.constant 0 : i32
      %swap3A_86 = arith.index_cast %swap3A_85 : i32 to index
      %swap3A_87 = arith.constant 80 : index
      %swap3A_88 = tpu.vector_load %arg6[%swap3A_86, %swap3A_87] {strides = array<i32>} : memref<4x128xi32, #tpu.memory_space<vmem>>, vector<1x16xi32>,
      %swap3A_89 = vector.shape_cast %swap3A_88 : vector<1x16xi32> to vector<16xi32>
      %swap3A_90 = vector.shape_cast %add3A_84 : vector<16xi32> to vector<1x16xi32>
      tpu.vector_store %arg6[%swap3A_86, %swap3A_87], %swap3A_90 {strides = array<i32>} : memref<4x128xi32, #tpu.memory_space<vmem>>, vector<1x16xi32>,
      %add3A_91 = arith.constant 96 : i32
      %add3A_92 = arith.addi %add3A_31, %add3A_91 : i32
      %add3A_93 = vector.broadcast %add3A_92 : i32 to vector<16xi32>
      %add3A_94 = arith.addi %add3A_93, %iota3A : vector<16xi32>
      %swap3A_95 = arith.constant 0 : i32
      %swap3A_96 = arith.index_cast %swap3A_95 : i32 to index
      %swap3A_97 = arith.constant 96 : index
      %swap3A_98 = tpu.vector_load %arg6[%swap3A_96, %swap3A_97] {strides = array<i32>} : memref<4x128xi32, #tpu.memory_space<vmem>>, vector<1x16xi32>,
      %swap3A_99 = vector.shape_cast %swap3A_98 : vector<1x16xi32> to vector<16xi32>
      %swap3A_100 = vector.shape_cast %add3A_94 : vector<16xi32> to vector<1x16xi32>
      tpu.vector_store %arg6[%swap3A_96, %swap3A_97], %swap3A_100 {strides = array<i32>} : memref<4x128xi32, #tpu.memory_space<vmem>>, vector<1x16xi32>,
      %add3A_101 = arith.constant 112 : i32
      %add3A_102 = arith.addi %add3A_31, %add3A_101 : i32
      %add3A_103 = vector.broadcast %add3A_102 : i32 to vector<16xi32>
      %add3A_104 = arith.addi %add3A_103, %iota3A : vector<16xi32>
      %swap3A_105 = arith.constant 0 : i32
      %swap3A_106 = arith.index_cast %swap3A_105 : i32 to index
      %swap3A_107 = arith.constant 112 : index
      %swap3A_108 = tpu.vector_load %arg6[%swap3A_106, %swap3A_107] {strides = array<i32>} : memref<4x128xi32, #tpu.memory_space<vmem>>, vector<1x16xi32>,
      %swap3A_109 = vector.shape_cast %swap3A_108 : vector<1x16xi32> to vector<16xi32>
      %swap3A_110 = vector.shape_cast %add3A_104 : vector<16xi32> to vector<1x16xi32>
      tpu.vector_store %arg6[%swap3A_106, %swap3A_107], %swap3A_110 {strides = array<i32>} : memref<4x128xi32, #tpu.memory_space<vmem>>, vector<1x16xi32>,
      %dma_start3A = arith.constant 0 : i32
      %dma_start3A_111 = arith.constant 0 : i32
      %dma_start3A_112 = tpu.memref_slice %arg6[%dma_start3A, %dma_start3A_111] : memref<4x128xi32, #tpu.memory_space<vmem>> -> memref<1x128xi32, #tpu.memory_space<vmem>>
      %dma_start3A_113 = tpu.memref_squeeze %dma_start3A_112 : memref<1x128xi32, #tpu.memory_space<vmem>> -> memref<128xi32, #tpu.memory_space<vmem>>
      %dma_start3A_114 = arith.constant 0 : i32
      %dma_start3A_115 = arith.constant 0 : i32
      %dma_start3A_116 = tpu.memref_slice %arg9[%dma_start3A_114, %dma_start3A_115] : memref<10240x128xf32, #tpu.memory_space<vmem_shared>> -> memref<10240x128xf32, #tpu.memory_space<vmem_shared>>
      tpu.enqueue_indirect_dma source(%dma_start3A_116 : memref<10240x128xf32, #tpu.memory_space<vmem_shared>>) target(%arg8 : memref<128x128xf32, #tpu.memory_space<vmem>>) offsets(%dma_start3A_113 : memref<128xi32, #tpu.memory_space<vmem>>) semaphore(%arg10 : memref<!tpu.dma_semaphore, #tpu.memory_space<semaphore_mem>>)
      %dma_wait3A = arith.constant 0 : i32
      %dma_wait3A_117 = arith.constant 0 : i32
      %dma_wait3A_118 = tpu.memref_slice %arg6[%dma_wait3A, %dma_wait3A_117] : memref<4x128xi32, #tpu.memory_space<vmem>> -> memref<1x128xi32, #tpu.memory_space<vmem>>
      %dma_wait3A_119 = tpu.memref_squeeze %dma_wait3A_118 : memref<1x128xi32, #tpu.memory_space<vmem>> -> memref<128xi32, #tpu.memory_space<vmem>>
      %dma_wait3A_120 = arith.constant 0 : i32
      %dma_wait3A_121 = arith.constant 0 : i32
      %dma_wait3A_122 = tpu.memref_slice %arg9[%dma_wait3A_120, %dma_wait3A_121] : memref<10240x128xf32, #tpu.memory_space<vmem_shared>> -> memref<10240x128xf32, #tpu.memory_space<vmem_shared>>
      tpu.wait_indirect_dma semaphore(%arg10 : memref<!tpu.dma_semaphore, #tpu.memory_space<semaphore_mem>>) src(%dma_wait3A_122 : memref<10240x128xf32, #tpu.memory_space<vmem_shared>>) dst(%arg8 : memref<128x128xf32, #tpu.memory_space<vmem>>)
      "tpu.region"() ({
        %run_scoped3A = tpu.sem_alloc : memref<!tpu.dma_semaphore, #tpu.memory_space<semaphore_mem>>
        %dma_start3A_123 = arith.constant 0 : i32
        %dma_start3A_124 = tpu.memref_slice %arg5[%arg0, %arg1, %multiple_of3A, %dma_start3A_123] : memref<2x16x640x128xf32, #tpu.memory_space<hbm>> -> memref<1x1x128x128xf32, #tpu.memory_space<hbm>>
        %dma_start3A_125 = tpu.memref_squeeze %dma_start3A_124 : memref<1x1x128x128xf32, #tpu.memory_space<hbm>> -> memref<128x128xf32, #tpu.memory_space<hbm>>
        %dma_start3A_126 = arith.constant 0 : i32
        %dma_start3A_127 = tpu.memref_slice %arg5[%arg0, %arg1, %multiple_of3A, %dma_start3A_126] : memref<2x16x640x128xf32, #tpu.memory_space<hbm>> -> memref<1x1x128x128xf32, #tpu.memory_space<hbm>>
        %dma_start3A_128 = tpu.memref_squeeze %dma_start3A_127 : memref<1x1x128x128xf32, #tpu.memory_space<hbm>> -> memref<128x128xf32, #tpu.memory_space<hbm>>
        tpu.enqueue_dma source(%arg8 : memref<128x128xf32, #tpu.memory_space<vmem>>) target(%dma_start3A_128 : memref<128x128xf32, #tpu.memory_space<hbm>>) target_semaphore(%run_scoped3A : memref<!tpu.dma_semaphore, #tpu.memory_space<semaphore_mem>>)
        %dma_wait3A_129 = arith.constant 0 : i32
        %dma_wait3A_130 = tpu.memref_slice %arg5[%arg0, %arg1, %multiple_of3A, %dma_wait3A_129] : memref<2x16x640x128xf32, #tpu.memory_space<hbm>> -> memref<1x1x128x128xf32, #tpu.memory_space<hbm>>
        %dma_wait3A_131 = tpu.memref_squeeze %dma_wait3A_130 : memref<1x1x128x128xf32, #tpu.memory_space<hbm>> -> memref<128x128xf32, #tpu.memory_space<hbm>>
        %dma_wait3A_132 = arith.constant 0 : i32
        %dma_wait3A_133 = tpu.memref_slice %arg5[%arg0, %arg1, %multiple_of3A, %dma_wait3A_132] : memref<2x16x640x128xf32, #tpu.memory_space<hbm>> -> memref<1x1x128x128xf32, #tpu.memory_space<hbm>>
        %dma_wait3A_134 = tpu.memref_squeeze %dma_wait3A_133 : memref<1x1x128x128xf32, #tpu.memory_space<hbm>> -> memref<128x128xf32, #tpu.memory_space<hbm>>
        tpu.wait_dma2 semaphore(%run_scoped3A : memref<!tpu.dma_semaphore, #tpu.memory_space<semaphore_mem>>) src(%arg8 : memref<128x128xf32, #tpu.memory_space<vmem>>) dst(%dma_wait3A_134 : memref<128x128xf32, #tpu.memory_space<hbm>>)
        tpu.yield
      }) : () -> ()
    }
    %scan3A_25 = arith.constant 5 : i32
    return
  }
}

#map = affine_map<(d0, d1) -> (0, 0, 0)>
#map1 = affine_map<(d0, d1) -> (0, 0)>
#map2 = affine_map<(d0, d1) -> (0, 0, 0, 0)>
module attributes {stable_mosaic.version = 14 : i64} {
  func.func @body(%arg0: i32, %arg1: i32, %arg2: memref<32x80x128xi32, #tpu.memory_space<hbm>>, %arg3: memref<32x80x128xi32, #tpu.memory_space<hbm>>, %arg4: memref<10240x128xf32, #tpu.memory_space<hbm>>, %arg5: memref<2x16x640x128xf32, #tpu.memory_space<hbm>>, %arg6: memref<4x128xi32, #tpu.memory_space<vmem>>, %arg7: memref<4x128xi32, #tpu.memory_space<vmem>>, %arg8: memref<128x128xf32, #tpu.memory_space<vmem>>, %arg9: memref<10240x128xf32, #tpu.memory_space<vmem_shared>>, %arg10: memref<!tpu.dma_semaphore, #tpu.memory_space<semaphore_mem>>) attributes {dimension_semantics = [#tpu.dimension_semantics<core_parallel>, #tpu.dimension_semantics<subcore_parallel>], iteration_bounds = array<i64: 2, 16>, scalar_prefetch = 0 : i64, scratch_operands = 5 : i64, tpu.core_type = #tpu.core_type<sc_vector_subcore>, window_params = [{transform_indices = #map}, {transform_indices = #map}, {transform_indices = #map1}, {transform_indices = #map2}]} {
    %mul3A = arith.constant 16 : i32
    %mul3A_0 = arith.muli %arg0, %mul3A : i32
    %add3A = arith.addi %mul3A_0, %arg1 : i32
    %iota3A = tpu.iota {dimensions = array<i32: 0>} : vector<16xi32>
    %broadcast_in_dim3A = arith.constant 0.000000e+00 : f32
    %broadcast_in_dim3A_1 = vector.broadcast %broadcast_in_dim3A : f32 to vector<16xf32>
    %scan3A = arith.constant 0 : i32
    %scan3A_2 = arith.constant 0 : i32
    %scan3A_3 = arith.constant 128 : i32
    %scan3A_4 = arith.addi %scan3A_2, %scan3A_3 : i32
    %scan3A_5 = arith.constant 1 : i32
    scf.for %scan3A_26 = %scan3A_2 to %scan3A_4 step %scan3A_5  : i32 {
      %swap3A = arith.index_cast %scan3A_26 : i32 to index
      %swap3A_27 = arith.constant 0 : index
      %swap3A_28 = tpu.vector_load %arg8[%swap3A, %swap3A_27] {strides = array<i32>} : memref<128x128xf32, #tpu.memory_space<vmem>>, vector<1x16xf32>,
      %swap3A_29 = vector.shape_cast %swap3A_28 : vector<1x16xf32> to vector<16xf32>
      %swap3A_30 = vector.shape_cast %broadcast_in_dim3A_1 : vector<16xf32> to vector<1x16xf32>
      tpu.vector_store %arg8[%swap3A, %swap3A_27], %swap3A_30 {strides = array<i32>} : memref<128x128xf32, #tpu.memory_space<vmem>>, vector<1x16xf32>,
      %swap3A_31 = arith.index_cast %scan3A_26 : i32 to index
      %swap3A_32 = arith.constant 16 : index
      %swap3A_33 = tpu.vector_load %arg8[%swap3A_31, %swap3A_32] {strides = array<i32>} : memref<128x128xf32, #tpu.memory_space<vmem>>, vector<1x16xf32>,
      %swap3A_34 = vector.shape_cast %swap3A_33 : vector<1x16xf32> to vector<16xf32>
      %swap3A_35 = vector.shape_cast %broadcast_in_dim3A_1 : vector<16xf32> to vector<1x16xf32>
      tpu.vector_store %arg8[%swap3A_31, %swap3A_32], %swap3A_35 {strides = array<i32>} : memref<128x128xf32, #tpu.memory_space<vmem>>, vector<1x16xf32>,
      %swap3A_36 = arith.index_cast %scan3A_26 : i32 to index
      %swap3A_37 = arith.constant 32 : index
      %swap3A_38 = tpu.vector_load %arg8[%swap3A_36, %swap3A_37] {strides = array<i32>} : memref<128x128xf32, #tpu.memory_space<vmem>>, vector<1x16xf32>,
      %swap3A_39 = vector.shape_cast %swap3A_38 : vector<1x16xf32> to vector<16xf32>
      %swap3A_40 = vector.shape_cast %broadcast_in_dim3A_1 : vector<16xf32> to vector<1x16xf32>
      tpu.vector_store %arg8[%swap3A_36, %swap3A_37], %swap3A_40 {strides = array<i32>} : memref<128x128xf32, #tpu.memory_space<vmem>>, vector<1x16xf32>,
      %swap3A_41 = arith.index_cast %scan3A_26 : i32 to index
      %swap3A_42 = arith.constant 48 : index
      %swap3A_43 = tpu.vector_load %arg8[%swap3A_41, %swap3A_42] {strides = array<i32>} : memref<128x128xf32, #tpu.memory_space<vmem>>, vector<1x16xf32>,
      %swap3A_44 = vector.shape_cast %swap3A_43 : vector<1x16xf32> to vector<16xf32>
      %swap3A_45 = vector.shape_cast %broadcast_in_dim3A_1 : vector<16xf32> to vector<1x16xf32>
      tpu.vector_store %arg8[%swap3A_41, %swap3A_42], %swap3A_45 {strides = array<i32>} : memref<128x128xf32, #tpu.memory_space<vmem>>, vector<1x16xf32>,
      %swap3A_46 = arith.index_cast %scan3A_26 : i32 to index
      %swap3A_47 = arith.constant 64 : index
      %swap3A_48 = tpu.vector_load %arg8[%swap3A_46, %swap3A_47] {strides = array<i32>} : memref<128x128xf32, #tpu.memory_space<vmem>>, vector<1x16xf32>,
      %swap3A_49 = vector.shape_cast %swap3A_48 : vector<1x16xf32> to vector<16xf32>
      %swap3A_50 = vector.shape_cast %broadcast_in_dim3A_1 : vector<16xf32> to vector<1x16xf32>
      tpu.vector_store %arg8[%swap3A_46, %swap3A_47], %swap3A_50 {strides = array<i32>} : memref<128x128xf32, #tpu.memory_space<vmem>>, vector<1x16xf32>,
      %swap3A_51 = arith.index_cast %scan3A_26 : i32 to index
      %swap3A_52 = arith.constant 80 : index
      %swap3A_53 = tpu.vector_load %arg8[%swap3A_51, %swap3A_52] {strides = array<i32>} : memref<128x128xf32, #tpu.memory_space<vmem>>, vector<1x16xf32>,
      %swap3A_54 = vector.shape_cast %swap3A_53 : vector<1x16xf32> to vector<16xf32>
      %swap3A_55 = vector.shape_cast %broadcast_in_dim3A_1 : vector<16xf32> to vector<1x16xf32>
      tpu.vector_store %arg8[%swap3A_51, %swap3A_52], %swap3A_55 {strides = array<i32>} : memref<128x128xf32, #tpu.memory_space<vmem>>, vector<1x16xf32>,
      %swap3A_56 = arith.index_cast %scan3A_26 : i32 to index
      %swap3A_57 = arith.constant 96 : index
      %swap3A_58 = tpu.vector_load %arg8[%swap3A_56, %swap3A_57] {strides = array<i32>} : memref<128x128xf32, #tpu.memory_space<vmem>>, vector<1x16xf32>,
      %swap3A_59 = vector.shape_cast %swap3A_58 : vector<1x16xf32> to vector<16xf32>
      %swap3A_60 = vector.shape_cast %broadcast_in_dim3A_1 : vector<16xf32> to vector<1x16xf32>
      tpu.vector_store %arg8[%swap3A_56, %swap3A_57], %swap3A_60 {strides = array<i32>} : memref<128x128xf32, #tpu.memory_space<vmem>>, vector<1x16xf32>,
      %swap3A_61 = arith.index_cast %scan3A_26 : i32 to index
      %swap3A_62 = arith.constant 112 : index
      %swap3A_63 = tpu.vector_load %arg8[%swap3A_61, %swap3A_62] {strides = array<i32>} : memref<128x128xf32, #tpu.memory_space<vmem>>, vector<1x16xf32>,
      %swap3A_64 = vector.shape_cast %swap3A_63 : vector<1x16xf32> to vector<16xf32>
      %swap3A_65 = vector.shape_cast %broadcast_in_dim3A_1 : vector<16xf32> to vector<1x16xf32>
      tpu.vector_store %arg8[%swap3A_61, %swap3A_62], %swap3A_65 {strides = array<i32>} : memref<128x128xf32, #tpu.memory_space<vmem>>, vector<1x16xf32>,
    }
    %scan3A_6 = arith.constant 128 : i32
    %scan3A_7 = arith.constant 0 : i32
    %scan3A_8 = arith.constant 0 : i32
    %scan3A_9 = arith.constant 5 : i32
    %scan3A_10 = arith.addi %scan3A_8, %scan3A_9 : i32
    %scan3A_11 = arith.constant 1 : i32
    scf.for %scan3A_26 = %scan3A_8 to %scan3A_10 step %scan3A_11  : i32 {
      %mul3A_27 = arith.constant 640 : i32
      %mul3A_28 = arith.muli %arg1, %mul3A_27 : i32
      %mul3A_29 = arith.constant 128 : i32
      %mul3A_30 = arith.muli %scan3A_26, %mul3A_29 : i32
      %add3A_31 = arith.addi %mul3A_28, %mul3A_30 : i32
      %add3A_32 = arith.constant 0 : i32
      %add3A_33 = arith.addi %add3A_31, %add3A_32 : i32
      %add3A_34 = vector.broadcast %add3A_33 : i32 to vector<16xi32>
      %add3A_35 = arith.addi %add3A_34, %iota3A : vector<16xi32>
      %swap3A = arith.constant 0 : i32
      %swap3A_36 = arith.index_cast %swap3A : i32 to index
      %swap3A_37 = arith.constant 0 : index
      %swap3A_38 = tpu.vector_load %arg6[%swap3A_36, %swap3A_37] {strides = array<i32>} : memref<4x128xi32, #tpu.memory_space<vmem>>, vector<1x16xi32>,
      %swap3A_39 = vector.shape_cast %swap3A_38 : vector<1x16xi32> to vector<16xi32>
      %swap3A_40 = vector.shape_cast %add3A_35 : vector<16xi32> to vector<1x16xi32>
      tpu.vector_store %arg6[%swap3A_36, %swap3A_37], %swap3A_40 {strides = array<i32>} : memref<4x128xi32, #tpu.memory_space<vmem>>, vector<1x16xi32>,
      %add3A_41 = arith.constant 16 : i32
      %add3A_42 = arith.addi %add3A_31, %add3A_41 : i32
      %add3A_43 = vector.broadcast %add3A_42 : i32 to vector<16xi32>
      %add3A_44 = arith.addi %add3A_43, %iota3A : vector<16xi32>
      %swap3A_45 = arith.constant 0 : i32
      %swap3A_46 = arith.index_cast %swap3A_45 : i32 to index
      %swap3A_47 = arith.constant 16 : index
      %swap3A_48 = tpu.vector_load %arg6[%swap3A_46, %swap3A_47] {strides = array<i32>} : memref<4x128xi32, #tpu.memory_space<vmem>>, vector<1x16xi32>,
      %swap3A_49 = vector.shape_cast %swap3A_48 : vector<1x16xi32> to vector<16xi32>
      %swap3A_50 = vector.shape_cast %add3A_44 : vector<16xi32> to vector<1x16xi32>
      tpu.vector_store %arg6[%swap3A_46, %swap3A_47], %swap3A_50 {strides = array<i32>} : memref<4x128xi32, #tpu.memory_space<vmem>>, vector<1x16xi32>,
      %add3A_51 = arith.constant 32 : i32
      %add3A_52 = arith.addi %add3A_31, %add3A_51 : i32
      %add3A_53 = vector.broadcast %add3A_52 : i32 to vector<16xi32>
      %add3A_54 = arith.addi %add3A_53, %iota3A : vector<16xi32>
      %swap3A_55 = arith.constant 0 : i32
      %swap3A_56 = arith.index_cast %swap3A_55 : i32 to index
      %swap3A_57 = arith.constant 32 : index
      %swap3A_58 = tpu.vector_load %arg6[%swap3A_56, %swap3A_57] {strides = array<i32>} : memref<4x128xi32, #tpu.memory_space<vmem>>, vector<1x16xi32>,
      %swap3A_59 = vector.shape_cast %swap3A_58 : vector<1x16xi32> to vector<16xi32>
      %swap3A_60 = vector.shape_cast %add3A_54 : vector<16xi32> to vector<1x16xi32>
      tpu.vector_store %arg6[%swap3A_56, %swap3A_57], %swap3A_60 {strides = array<i32>} : memref<4x128xi32, #tpu.memory_space<vmem>>, vector<1x16xi32>,
      %add3A_61 = arith.constant 48 : i32
      %add3A_62 = arith.addi %add3A_31, %add3A_61 : i32
      %add3A_63 = vector.broadcast %add3A_62 : i32 to vector<16xi32>
      %add3A_64 = arith.addi %add3A_63, %iota3A : vector<16xi32>
      %swap3A_65 = arith.constant 0 : i32
      %swap3A_66 = arith.index_cast %swap3A_65 : i32 to index
      %swap3A_67 = arith.constant 48 : index
      %swap3A_68 = tpu.vector_load %arg6[%swap3A_66, %swap3A_67] {strides = array<i32>} : memref<4x128xi32, #tpu.memory_space<vmem>>, vector<1x16xi32>,
      %swap3A_69 = vector.shape_cast %swap3A_68 : vector<1x16xi32> to vector<16xi32>
      %swap3A_70 = vector.shape_cast %add3A_64 : vector<16xi32> to vector<1x16xi32>
      tpu.vector_store %arg6[%swap3A_66, %swap3A_67], %swap3A_70 {strides = array<i32>} : memref<4x128xi32, #tpu.memory_space<vmem>>, vector<1x16xi32>,
      %add3A_71 = arith.constant 64 : i32
      %add3A_72 = arith.addi %add3A_31, %add3A_71 : i32
      %add3A_73 = vector.broadcast %add3A_72 : i32 to vector<16xi32>
      %add3A_74 = arith.addi %add3A_73, %iota3A : vector<16xi32>
      %swap3A_75 = arith.constant 0 : i32
      %swap3A_76 = arith.index_cast %swap3A_75 : i32 to index
      %swap3A_77 = arith.constant 64 : index
      %swap3A_78 = tpu.vector_load %arg6[%swap3A_76, %swap3A_77] {strides = array<i32>} : memref<4x128xi32, #tpu.memory_space<vmem>>, vector<1x16xi32>,
      %swap3A_79 = vector.shape_cast %swap3A_78 : vector<1x16xi32> to vector<16xi32>
      %swap3A_80 = vector.shape_cast %add3A_74 : vector<16xi32> to vector<1x16xi32>
      tpu.vector_store %arg6[%swap3A_76, %swap3A_77], %swap3A_80 {strides = array<i32>} : memref<4x128xi32, #tpu.memory_space<vmem>>, vector<1x16xi32>,
      %add3A_81 = arith.constant 80 : i32
      %add3A_82 = arith.addi %add3A_31, %add3A_81 : i32
      %add3A_83 = vector.broadcast %add3A_82 : i32 to vector<16xi32>
      %add3A_84 = arith.addi %add3A_83, %iota3A : vector<16xi32>
      %swap3A_85 = arith.constant 0 : i32
      %swap3A_86 = arith.index_cast %swap3A_85 : i32 to index
      %swap3A_87 = arith.constant 80 : index
      %swap3A_88 = tpu.vector_load %arg6[%swap3A_86, %swap3A_87] {strides = array<i32>} : memref<4x128xi32, #tpu.memory_space<vmem>>, vector<1x16xi32>,
      %swap3A_89 = vector.shape_cast %swap3A_88 : vector<1x16xi32> to vector<16xi32>
      %swap3A_90 = vector.shape_cast %add3A_84 : vector<16xi32> to vector<1x16xi32>
      tpu.vector_store %arg6[%swap3A_86, %swap3A_87], %swap3A_90 {strides = array<i32>} : memref<4x128xi32, #tpu.memory_space<vmem>>, vector<1x16xi32>,
      %add3A_91 = arith.constant 96 : i32
      %add3A_92 = arith.addi %add3A_31, %add3A_91 : i32
      %add3A_93 = vector.broadcast %add3A_92 : i32 to vector<16xi32>
      %add3A_94 = arith.addi %add3A_93, %iota3A : vector<16xi32>
      %swap3A_95 = arith.constant 0 : i32
      %swap3A_96 = arith.index_cast %swap3A_95 : i32 to index
      %swap3A_97 = arith.constant 96 : index
      %swap3A_98 = tpu.vector_load %arg6[%swap3A_96, %swap3A_97] {strides = array<i32>} : memref<4x128xi32, #tpu.memory_space<vmem>>, vector<1x16xi32>,
      %swap3A_99 = vector.shape_cast %swap3A_98 : vector<1x16xi32> to vector<16xi32>
      %swap3A_100 = vector.shape_cast %add3A_94 : vector<16xi32> to vector<1x16xi32>
      tpu.vector_store %arg6[%swap3A_96, %swap3A_97], %swap3A_100 {strides = array<i32>} : memref<4x128xi32, #tpu.memory_space<vmem>>, vector<1x16xi32>,
      %add3A_101 = arith.constant 112 : i32
      %add3A_102 = arith.addi %add3A_31, %add3A_101 : i32
      %add3A_103 = vector.broadcast %add3A_102 : i32 to vector<16xi32>
      %add3A_104 = arith.addi %add3A_103, %iota3A : vector<16xi32>
      %swap3A_105 = arith.constant 0 : i32
      %swap3A_106 = arith.index_cast %swap3A_105 : i32 to index
      %swap3A_107 = arith.constant 112 : index
      %swap3A_108 = tpu.vector_load %arg6[%swap3A_106, %swap3A_107] {strides = array<i32>} : memref<4x128xi32, #tpu.memory_space<vmem>>, vector<1x16xi32>,
      %swap3A_109 = vector.shape_cast %swap3A_108 : vector<1x16xi32> to vector<16xi32>
      %swap3A_110 = vector.shape_cast %add3A_104 : vector<16xi32> to vector<1x16xi32>
      tpu.vector_store %arg6[%swap3A_106, %swap3A_107], %swap3A_110 {strides = array<i32>} : memref<4x128xi32, #tpu.memory_space<vmem>>, vector<1x16xi32>,
      %run_scoped3A = arith.constant 0 : i32
      "tpu.region"() ({
        %run_scoped3A_111 = tpu.sem_alloc : memref<!tpu.dma_semaphore, #tpu.memory_space<semaphore_mem>>
        %dma_start3A = arith.constant 0 : i32
        %dma_start3A_112 = tpu.memref_slice %arg6[%run_scoped3A, %dma_start3A] : memref<4x128xi32, #tpu.memory_space<vmem>> -> memref<1x128xi32, #tpu.memory_space<vmem>>
        %dma_start3A_113 = tpu.memref_squeeze %dma_start3A_112 : memref<1x128xi32, #tpu.memory_space<vmem>> -> memref<128xi32, #tpu.memory_space<vmem>>
        %dma_start3A_114 = arith.constant 0 : i32
        %dma_start3A_115 = arith.constant 0 : i32
        %dma_start3A_116 = tpu.memref_slice %arg9[%dma_start3A_114, %dma_start3A_115] : memref<10240x128xf32, #tpu.memory_space<vmem_shared>> -> memref<10240x128xf32, #tpu.memory_space<vmem_shared>>
        tpu.enqueue_indirect_dma source(%arg8 : memref<128x128xf32, #tpu.memory_space<vmem>>) target(%dma_start3A_116 : memref<10240x128xf32, #tpu.memory_space<vmem_shared>>) offsets(%dma_start3A_113 : memref<128xi32, #tpu.memory_space<vmem>>) semaphore(%run_scoped3A_111 : memref<!tpu.dma_semaphore, #tpu.memory_space<semaphore_mem>>)
        %dma_wait3A = arith.constant 0 : i32
        %dma_wait3A_117 = tpu.memref_slice %arg6[%run_scoped3A, %dma_wait3A] : memref<4x128xi32, #tpu.memory_space<vmem>> -> memref<1x128xi32, #tpu.memory_space<vmem>>
        %dma_wait3A_118 = tpu.memref_squeeze %dma_wait3A_117 : memref<1x128xi32, #tpu.memory_space<vmem>> -> memref<128xi32, #tpu.memory_space<vmem>>
        %dma_wait3A_119 = arith.constant 0 : i32
        %dma_wait3A_120 = arith.constant 0 : i32
        %dma_wait3A_121 = tpu.memref_slice %arg9[%dma_wait3A_119, %dma_wait3A_120] : memref<10240x128xf32, #tpu.memory_space<vmem_shared>> -> memref<10240x128xf32, #tpu.memory_space<vmem_shared>>
        tpu.wait_indirect_dma semaphore(%run_scoped3A_111 : memref<!tpu.dma_semaphore, #tpu.memory_space<semaphore_mem>>) src(%arg8 : memref<128x128xf32, #tpu.memory_space<vmem>>) dst(%dma_wait3A_121 : memref<10240x128xf32, #tpu.memory_space<vmem_shared>>)
        tpu.yield
      }) : () -> ()
    }
    %scan3A_12 = arith.constant 5 : i32
    %barrier3A = arith.constant 0 : index
    tpu.barrier barrier_id(%barrier3A)
    %scan3A_13 = arith.constant 0 : i32
    %scan3A_14 = arith.constant 0 : i32
    %scan3A_15 = arith.constant 20 : i32
    %scan3A_16 = arith.addi %scan3A_14, %scan3A_15 : i32
    %scan3A_17 = arith.constant 1 : i32
    scf.for %scan3A_26 = %scan3A_14 to %scan3A_16 step %scan3A_17  : i32 {
      %mul3A_27 = arith.constant 4 : i32
      %mul3A_28 = arith.muli %scan3A_26, %mul3A_27 : i32
      %multiple_of3A = tpu.assume_multiple %mul3A_28, 4 : i32
      "tpu.region"() ({
        %run_scoped3A = tpu.sem_alloc : memref<!tpu.dma_semaphore, #tpu.memory_space<semaphore_mem>>
        %dma_start3A = arith.constant 0 : i32
        %dma_start3A_34 = tpu.memref_slice %arg2[%add3A, %multiple_of3A, %dma_start3A] : memref<32x80x128xi32, #tpu.memory_space<hbm>> -> memref<1x4x128xi32, #tpu.memory_space<hbm>>
        %dma_start3A_35 = tpu.memref_squeeze %dma_start3A_34 : memref<1x4x128xi32, #tpu.memory_space<hbm>> -> memref<4x128xi32, #tpu.memory_space<hbm>>
        %dma_start3A_36 = arith.constant 0 : i32
        %dma_start3A_37 = tpu.memref_slice %arg2[%add3A, %multiple_of3A, %dma_start3A_36] : memref<32x80x128xi32, #tpu.memory_space<hbm>> -> memref<1x4x128xi32, #tpu.memory_space<hbm>>
        %dma_start3A_38 = tpu.memref_squeeze %dma_start3A_37 : memref<1x4x128xi32, #tpu.memory_space<hbm>> -> memref<4x128xi32, #tpu.memory_space<hbm>>
        tpu.enqueue_dma source(%dma_start3A_38 : memref<4x128xi32, #tpu.memory_space<hbm>>) target(%arg6 : memref<4x128xi32, #tpu.memory_space<vmem>>) target_semaphore(%run_scoped3A : memref<!tpu.dma_semaphore, #tpu.memory_space<semaphore_mem>>)
        %dma_wait3A = arith.constant 0 : i32
        %dma_wait3A_39 = tpu.memref_slice %arg2[%add3A, %multiple_of3A, %dma_wait3A] : memref<32x80x128xi32, #tpu.memory_space<hbm>> -> memref<1x4x128xi32, #tpu.memory_space<hbm>>
        %dma_wait3A_40 = tpu.memref_squeeze %dma_wait3A_39 : memref<1x4x128xi32, #tpu.memory_space<hbm>> -> memref<4x128xi32, #tpu.memory_space<hbm>>
        %dma_wait3A_41 = arith.constant 0 : i32
        %dma_wait3A_42 = tpu.memref_slice %arg2[%add3A, %multiple_of3A, %dma_wait3A_41] : memref<32x80x128xi32, #tpu.memory_space<hbm>> -> memref<1x4x128xi32, #tpu.memory_space<hbm>>
        %dma_wait3A_43 = tpu.memref_squeeze %dma_wait3A_42 : memref<1x4x128xi32, #tpu.memory_space<hbm>> -> memref<4x128xi32, #tpu.memory_space<hbm>>
        tpu.wait_dma2 semaphore(%run_scoped3A : memref<!tpu.dma_semaphore, #tpu.memory_space<semaphore_mem>>) src(%dma_wait3A_43 : memref<4x128xi32, #tpu.memory_space<hbm>>) dst(%arg6 : memref<4x128xi32, #tpu.memory_space<vmem>>)
        tpu.yield
      }) : () -> ()
      "tpu.region"() ({
        %run_scoped3A = tpu.sem_alloc : memref<!tpu.dma_semaphore, #tpu.memory_space<semaphore_mem>>
        %dma_start3A = arith.constant 0 : i32
        %dma_start3A_34 = tpu.memref_slice %arg3[%add3A, %multiple_of3A, %dma_start3A] : memref<32x80x128xi32, #tpu.memory_space<hbm>> -> memref<1x4x128xi32, #tpu.memory_space<hbm>>
        %dma_start3A_35 = tpu.memref_squeeze %dma_start3A_34 : memref<1x4x128xi32, #tpu.memory_space<hbm>> -> memref<4x128xi32, #tpu.memory_space<hbm>>
        %dma_start3A_36 = arith.constant 0 : i32
        %dma_start3A_37 = tpu.memref_slice %arg3[%add3A, %multiple_of3A, %dma_start3A_36] : memref<32x80x128xi32, #tpu.memory_space<hbm>> -> memref<1x4x128xi32, #tpu.memory_space<hbm>>
        %dma_start3A_38 = tpu.memref_squeeze %dma_start3A_37 : memref<1x4x128xi32, #tpu.memory_space<hbm>> -> memref<4x128xi32, #tpu.memory_space<hbm>>
        tpu.enqueue_dma source(%dma_start3A_38 : memref<4x128xi32, #tpu.memory_space<hbm>>) target(%arg7 : memref<4x128xi32, #tpu.memory_space<vmem>>) target_semaphore(%run_scoped3A : memref<!tpu.dma_semaphore, #tpu.memory_space<semaphore_mem>>)
        %dma_wait3A = arith.constant 0 : i32
        %dma_wait3A_39 = tpu.memref_slice %arg3[%add3A, %multiple_of3A, %dma_wait3A] : memref<32x80x128xi32, #tpu.memory_space<hbm>> -> memref<1x4x128xi32, #tpu.memory_space<hbm>>
        %dma_wait3A_40 = tpu.memref_squeeze %dma_wait3A_39 : memref<1x4x128xi32, #tpu.memory_space<hbm>> -> memref<4x128xi32, #tpu.memory_space<hbm>>
        %dma_wait3A_41 = arith.constant 0 : i32
        %dma_wait3A_42 = tpu.memref_slice %arg3[%add3A, %multiple_of3A, %dma_wait3A_41] : memref<32x80x128xi32, #tpu.memory_space<hbm>> -> memref<1x4x128xi32, #tpu.memory_space<hbm>>
        %dma_wait3A_43 = tpu.memref_squeeze %dma_wait3A_42 : memref<1x4x128xi32, #tpu.memory_space<hbm>> -> memref<4x128xi32, #tpu.memory_space<hbm>>
        tpu.wait_dma2 semaphore(%run_scoped3A : memref<!tpu.dma_semaphore, #tpu.memory_space<semaphore_mem>>) src(%dma_wait3A_43 : memref<4x128xi32, #tpu.memory_space<hbm>>) dst(%arg7 : memref<4x128xi32, #tpu.memory_space<vmem>>)
        tpu.yield
      }) : () -> ()
      %scan3A_29 = arith.constant 0 : i32
      %scan3A_30 = arith.constant 4 : i32
      %scan3A_31 = arith.addi %scan3A_29, %scan3A_30 : i32
      %scan3A_32 = arith.constant 1 : i32
      scf.for %scan3A_34 = %scan3A_29 to %scan3A_31 step %scan3A_32  : i32 {
        %dma_start3A = arith.constant 0 : i32
        %dma_start3A_35 = tpu.memref_slice %arg6[%scan3A_34, %dma_start3A] : memref<4x128xi32, #tpu.memory_space<vmem>> -> memref<1x128xi32, #tpu.memory_space<vmem>>
        %dma_start3A_36 = tpu.memref_squeeze %dma_start3A_35 : memref<1x128xi32, #tpu.memory_space<vmem>> -> memref<128xi32, #tpu.memory_space<vmem>>
        %dma_start3A_37 = arith.constant 0 : i32
        %dma_start3A_38 = arith.constant 0 : i32
        %dma_start3A_39 = tpu.memref_slice %arg4[%dma_start3A_37, %dma_start3A_38] : memref<10240x128xf32, #tpu.memory_space<hbm>> -> memref<10240x128xf32, #tpu.memory_space<hbm>>
        tpu.enqueue_indirect_dma source(%dma_start3A_39 : memref<10240x128xf32, #tpu.memory_space<hbm>>) target(%arg8 : memref<128x128xf32, #tpu.memory_space<vmem>>) offsets(%dma_start3A_36 : memref<128xi32, #tpu.memory_space<vmem>>) semaphore(%arg10 : memref<!tpu.dma_semaphore, #tpu.memory_space<semaphore_mem>>)
        %dma_wait3A = arith.constant 0 : i32
        %dma_wait3A_40 = tpu.memref_slice %arg6[%scan3A_34, %dma_wait3A] : memref<4x128xi32, #tpu.memory_space<vmem>> -> memref<1x128xi32, #tpu.memory_space<vmem>>
        %dma_wait3A_41 = tpu.memref_squeeze %dma_wait3A_40 : memref<1x128xi32, #tpu.memory_space<vmem>> -> memref<128xi32, #tpu.memory_space<vmem>>
        %dma_wait3A_42 = arith.constant 0 : i32
        %dma_wait3A_43 = arith.constant 0 : i32
        %dma_wait3A_44 = tpu.memref_slice %arg4[%dma_wait3A_42, %dma_wait3A_43] : memref<10240x128xf32, #tpu.memory_space<hbm>> -> memref<10240x128xf32, #tpu.memory_space<hbm>>
        tpu.wait_indirect_dma semaphore(%arg10 : memref<!tpu.dma_semaphore, #tpu.memory_space<semaphore_mem>>) src(%dma_wait3A_44 : memref<10240x128xf32, #tpu.memory_space<hbm>>) dst(%arg8 : memref<128x128xf32, #tpu.memory_space<vmem>>)
        "tpu.region"() ({
          %run_scoped3A = tpu.sem_alloc : memref<!tpu.dma_semaphore, #tpu.memory_space<semaphore_mem>>
          %dma_start3A_45 = arith.constant 0 : i32
          %dma_start3A_46 = tpu.memref_slice %arg7[%scan3A_34, %dma_start3A_45] : memref<4x128xi32, #tpu.memory_space<vmem>> -> memref<1x128xi32, #tpu.memory_space<vmem>>
          %dma_start3A_47 = tpu.memref_squeeze %dma_start3A_46 : memref<1x128xi32, #tpu.memory_space<vmem>> -> memref<128xi32, #tpu.memory_space<vmem>>
          %dma_start3A_48 = arith.constant 0 : i32
          %dma_start3A_49 = arith.constant 0 : i32
          %dma_start3A_50 = tpu.memref_slice %arg9[%dma_start3A_48, %dma_start3A_49] : memref<10240x128xf32, #tpu.memory_space<vmem_shared>> -> memref<10240x128xf32, #tpu.memory_space<vmem_shared>>
          tpu.enqueue_indirect_dma source(%arg8 : memref<128x128xf32, #tpu.memory_space<vmem>>) target(%dma_start3A_50 : memref<10240x128xf32, #tpu.memory_space<vmem_shared>>) offsets(%dma_start3A_47 : memref<128xi32, #tpu.memory_space<vmem>>) semaphore(%run_scoped3A : memref<!tpu.dma_semaphore, #tpu.memory_space<semaphore_mem>>) {add = true}
          %dma_wait3A_51 = arith.constant 0 : i32
          %dma_wait3A_52 = tpu.memref_slice %arg7[%scan3A_34, %dma_wait3A_51] : memref<4x128xi32, #tpu.memory_space<vmem>> -> memref<1x128xi32, #tpu.memory_space<vmem>>
          %dma_wait3A_53 = tpu.memref_squeeze %dma_wait3A_52 : memref<1x128xi32, #tpu.memory_space<vmem>> -> memref<128xi32, #tpu.memory_space<vmem>>
          %dma_wait3A_54 = arith.constant 0 : i32
          %dma_wait3A_55 = arith.constant 0 : i32
          %dma_wait3A_56 = tpu.memref_slice %arg9[%dma_wait3A_54, %dma_wait3A_55] : memref<10240x128xf32, #tpu.memory_space<vmem_shared>> -> memref<10240x128xf32, #tpu.memory_space<vmem_shared>>
          tpu.wait_indirect_dma semaphore(%run_scoped3A : memref<!tpu.dma_semaphore, #tpu.memory_space<semaphore_mem>>) src(%arg8 : memref<128x128xf32, #tpu.memory_space<vmem>>) dst(%dma_wait3A_56 : memref<10240x128xf32, #tpu.memory_space<vmem_shared>>)
          tpu.yield
        }) : () -> ()
      }
      %scan3A_33 = arith.constant 4 : i32
    }
    %scan3A_18 = arith.constant 20 : i32
    %barrier3A_19 = arith.constant 0 : index
    tpu.barrier barrier_id(%barrier3A_19)
    %scan3A_20 = arith.constant 0 : i32
    %scan3A_21 = arith.constant 0 : i32
    %scan3A_22 = arith.constant 5 : i32
    %scan3A_23 = arith.addi %scan3A_21, %scan3A_22 : i32
    %scan3A_24 = arith.constant 1 : i32
    scf.for %scan3A_26 = %scan3A_21 to %scan3A_23 step %scan3A_24  : i32 {
      %mul3A_27 = arith.constant 128 : i32
      %mul3A_28 = arith.muli %scan3A_26, %mul3A_27 : i32
      %multiple_of3A = tpu.assume_multiple %mul3A_28, 128 : i32
      %mul3A_29 = arith.constant 640 : i32
      %mul3A_30 = arith.muli %arg1, %mul3A_29 : i32
      %add3A_31 = arith.addi %mul3A_30, %multiple_of3A : i32
      %add3A_32 = arith.constant 0 : i32
      %add3A_33 = arith.addi %add3A_31, %add3A_32 : i32
      %add3A_34 = vector.broadcast %add3A_33 : i32 to vector<16xi32>
      %add3A_35 = arith.addi %add3A_34, %iota3A : vector<16xi32>
      %swap3A = arith.constant 0 : i32
      %swap3A_36 = arith.index_cast %swap3A : i32 to index
      %swap3A_37 = arith.constant 0 : index
      %swap3A_38 = tpu.vector_load %arg6[%swap3A_36, %swap3A_37] {strides = array<i32>} : memref<4x128xi32, #tpu.memory_space<vmem>>, vector<1x16xi32>,
      %swap3A_39 = vector.shape_cast %swap3A_38 : vector<1x16xi32> to vector<16xi32>
      %swap3A_40 = vector.shape_cast %add3A_35 : vector<16xi32> to vector<1x16xi32>
      tpu.vector_store %arg6[%swap3A_36, %swap3A_37], %swap3A_40 {strides = array<i32>} : memref<4x128xi32, #tpu.memory_space<vmem>>, vector<1x16xi32>,
      %add3A_41 = arith.constant 16 : i32
      %add3A_42 = arith.addi %add3A_31, %add3A_41 : i32
      %add3A_43 = vector.broadcast %add3A_42 : i32 to vector<16xi32>
      %add3A_44 = arith.addi %add3A_43, %iota3A : vector<16xi32>
      %swap3A_45 = arith.constant 0 : i32
      %swap3A_46 = arith.index_cast %swap3A_45 : i32 to index
      %swap3A_47 = arith.constant 16 : index
      %swap3A_48 = tpu.vector_load %arg6[%swap3A_46, %swap3A_47] {strides = array<i32>} : memref<4x128xi32, #tpu.memory_space<vmem>>, vector<1x16xi32>,
      %swap3A_49 = vector.shape_cast %swap3A_48 : vector<1x16xi32> to vector<16xi32>
      %swap3A_50 = vector.shape_cast %add3A_44 : vector<16xi32> to vector<1x16xi32>
      tpu.vector_store %arg6[%swap3A_46, %swap3A_47], %swap3A_50 {strides = array<i32>} : memref<4x128xi32, #tpu.memory_space<vmem>>, vector<1x16xi32>,
      %add3A_51 = arith.constant 32 : i32
      %add3A_52 = arith.addi %add3A_31, %add3A_51 : i32
      %add3A_53 = vector.broadcast %add3A_52 : i32 to vector<16xi32>
      %add3A_54 = arith.addi %add3A_53, %iota3A : vector<16xi32>
      %swap3A_55 = arith.constant 0 : i32
      %swap3A_56 = arith.index_cast %swap3A_55 : i32 to index
      %swap3A_57 = arith.constant 32 : index
      %swap3A_58 = tpu.vector_load %arg6[%swap3A_56, %swap3A_57] {strides = array<i32>} : memref<4x128xi32, #tpu.memory_space<vmem>>, vector<1x16xi32>,
      %swap3A_59 = vector.shape_cast %swap3A_58 : vector<1x16xi32> to vector<16xi32>
      %swap3A_60 = vector.shape_cast %add3A_54 : vector<16xi32> to vector<1x16xi32>
      tpu.vector_store %arg6[%swap3A_56, %swap3A_57], %swap3A_60 {strides = array<i32>} : memref<4x128xi32, #tpu.memory_space<vmem>>, vector<1x16xi32>,
      %add3A_61 = arith.constant 48 : i32
      %add3A_62 = arith.addi %add3A_31, %add3A_61 : i32
      %add3A_63 = vector.broadcast %add3A_62 : i32 to vector<16xi32>
      %add3A_64 = arith.addi %add3A_63, %iota3A : vector<16xi32>
      %swap3A_65 = arith.constant 0 : i32
      %swap3A_66 = arith.index_cast %swap3A_65 : i32 to index
      %swap3A_67 = arith.constant 48 : index
      %swap3A_68 = tpu.vector_load %arg6[%swap3A_66, %swap3A_67] {strides = array<i32>} : memref<4x128xi32, #tpu.memory_space<vmem>>, vector<1x16xi32>,
      %swap3A_69 = vector.shape_cast %swap3A_68 : vector<1x16xi32> to vector<16xi32>
      %swap3A_70 = vector.shape_cast %add3A_64 : vector<16xi32> to vector<1x16xi32>
      tpu.vector_store %arg6[%swap3A_66, %swap3A_67], %swap3A_70 {strides = array<i32>} : memref<4x128xi32, #tpu.memory_space<vmem>>, vector<1x16xi32>,
      %add3A_71 = arith.constant 64 : i32
      %add3A_72 = arith.addi %add3A_31, %add3A_71 : i32
      %add3A_73 = vector.broadcast %add3A_72 : i32 to vector<16xi32>
      %add3A_74 = arith.addi %add3A_73, %iota3A : vector<16xi32>
      %swap3A_75 = arith.constant 0 : i32
      %swap3A_76 = arith.index_cast %swap3A_75 : i32 to index
      %swap3A_77 = arith.constant 64 : index
      %swap3A_78 = tpu.vector_load %arg6[%swap3A_76, %swap3A_77] {strides = array<i32>} : memref<4x128xi32, #tpu.memory_space<vmem>>, vector<1x16xi32>,
      %swap3A_79 = vector.shape_cast %swap3A_78 : vector<1x16xi32> to vector<16xi32>
      %swap3A_80 = vector.shape_cast %add3A_74 : vector<16xi32> to vector<1x16xi32>
      tpu.vector_store %arg6[%swap3A_76, %swap3A_77], %swap3A_80 {strides = array<i32>} : memref<4x128xi32, #tpu.memory_space<vmem>>, vector<1x16xi32>,
      %add3A_81 = arith.constant 80 : i32
      %add3A_82 = arith.addi %add3A_31, %add3A_81 : i32
      %add3A_83 = vector.broadcast %add3A_82 : i32 to vector<16xi32>
      %add3A_84 = arith.addi %add3A_83, %iota3A : vector<16xi32>
      %swap3A_85 = arith.constant 0 : i32
      %swap3A_86 = arith.index_cast %swap3A_85 : i32 to index
      %swap3A_87 = arith.constant 80 : index
      %swap3A_88 = tpu.vector_load %arg6[%swap3A_86, %swap3A_87] {strides = array<i32>} : memref<4x128xi32, #tpu.memory_space<vmem>>, vector<1x16xi32>,
      %swap3A_89 = vector.shape_cast %swap3A_88 : vector<1x16xi32> to vector<16xi32>
      %swap3A_90 = vector.shape_cast %add3A_84 : vector<16xi32> to vector<1x16xi32>
      tpu.vector_store %arg6[%swap3A_86, %swap3A_87], %swap3A_90 {strides = array<i32>} : memref<4x128xi32, #tpu.memory_space<vmem>>, vector<1x16xi32>,
      %add3A_91 = arith.constant 96 : i32
      %add3A_92 = arith.addi %add3A_31, %add3A_91 : i32
      %add3A_93 = vector.broadcast %add3A_92 : i32 to vector<16xi32>
      %add3A_94 = arith.addi %add3A_93, %iota3A : vector<16xi32>
      %swap3A_95 = arith.constant 0 : i32
      %swap3A_96 = arith.index_cast %swap3A_95 : i32 to index
      %swap3A_97 = arith.constant 96 : index
      %swap3A_98 = tpu.vector_load %arg6[%swap3A_96, %swap3A_97] {strides = array<i32>} : memref<4x128xi32, #tpu.memory_space<vmem>>, vector<1x16xi32>,
      %swap3A_99 = vector.shape_cast %swap3A_98 : vector<1x16xi32> to vector<16xi32>
      %swap3A_100 = vector.shape_cast %add3A_94 : vector<16xi32> to vector<1x16xi32>
      tpu.vector_store %arg6[%swap3A_96, %swap3A_97], %swap3A_100 {strides = array<i32>} : memref<4x128xi32, #tpu.memory_space<vmem>>, vector<1x16xi32>,
      %add3A_101 = arith.constant 112 : i32
      %add3A_102 = arith.addi %add3A_31, %add3A_101 : i32
      %add3A_103 = vector.broadcast %add3A_102 : i32 to vector<16xi32>
      %add3A_104 = arith.addi %add3A_103, %iota3A : vector<16xi32>
      %swap3A_105 = arith.constant 0 : i32
      %swap3A_106 = arith.index_cast %swap3A_105 : i32 to index
      %swap3A_107 = arith.constant 112 : index
      %swap3A_108 = tpu.vector_load %arg6[%swap3A_106, %swap3A_107] {strides = array<i32>} : memref<4x128xi32, #tpu.memory_space<vmem>>, vector<1x16xi32>,
      %swap3A_109 = vector.shape_cast %swap3A_108 : vector<1x16xi32> to vector<16xi32>
      %swap3A_110 = vector.shape_cast %add3A_104 : vector<16xi32> to vector<1x16xi32>
      tpu.vector_store %arg6[%swap3A_106, %swap3A_107], %swap3A_110 {strides = array<i32>} : memref<4x128xi32, #tpu.memory_space<vmem>>, vector<1x16xi32>,
      %dma_start3A = arith.constant 0 : i32
      %dma_start3A_111 = arith.constant 0 : i32
      %dma_start3A_112 = tpu.memref_slice %arg6[%dma_start3A, %dma_start3A_111] : memref<4x128xi32, #tpu.memory_space<vmem>> -> memref<1x128xi32, #tpu.memory_space<vmem>>
      %dma_start3A_113 = tpu.memref_squeeze %dma_start3A_112 : memref<1x128xi32, #tpu.memory_space<vmem>> -> memref<128xi32, #tpu.memory_space<vmem>>
      %dma_start3A_114 = arith.constant 0 : i32
      %dma_start3A_115 = arith.constant 0 : i32
      %dma_start3A_116 = tpu.memref_slice %arg9[%dma_start3A_114, %dma_start3A_115] : memref<10240x128xf32, #tpu.memory_space<vmem_shared>> -> memref<10240x128xf32, #tpu.memory_space<vmem_shared>>
      tpu.enqueue_indirect_dma source(%dma_start3A_116 : memref<10240x128xf32, #tpu.memory_space<vmem_shared>>) target(%arg8 : memref<128x128xf32, #tpu.memory_space<vmem>>) offsets(%dma_start3A_113 : memref<128xi32, #tpu.memory_space<vmem>>) semaphore(%arg10 : memref<!tpu.dma_semaphore, #tpu.memory_space<semaphore_mem>>)
      %dma_wait3A = arith.constant 0 : i32
      %dma_wait3A_117 = arith.constant 0 : i32
      %dma_wait3A_118 = tpu.memref_slice %arg6[%dma_wait3A, %dma_wait3A_117] : memref<4x128xi32, #tpu.memory_space<vmem>> -> memref<1x128xi32, #tpu.memory_space<vmem>>
      %dma_wait3A_119 = tpu.memref_squeeze %dma_wait3A_118 : memref<1x128xi32, #tpu.memory_space<vmem>> -> memref<128xi32, #tpu.memory_space<vmem>>
      %dma_wait3A_120 = arith.constant 0 : i32
      %dma_wait3A_121 = arith.constant 0 : i32
      %dma_wait3A_122 = tpu.memref_slice %arg9[%dma_wait3A_120, %dma_wait3A_121] : memref<10240x128xf32, #tpu.memory_space<vmem_shared>> -> memref<10240x128xf32, #tpu.memory_space<vmem_shared>>
      tpu.wait_indirect_dma semaphore(%arg10 : memref<!tpu.dma_semaphore, #tpu.memory_space<semaphore_mem>>) src(%dma_wait3A_122 : memref<10240x128xf32, #tpu.memory_space<vmem_shared>>) dst(%arg8 : memref<128x128xf32, #tpu.memory_space<vmem>>)
      "tpu.region"() ({
        %run_scoped3A = tpu.sem_alloc : memref<!tpu.dma_semaphore, #tpu.memory_space<semaphore_mem>>
        %dma_start3A_123 = arith.constant 0 : i32
        %dma_start3A_124 = tpu.memref_slice %arg5[%arg0, %arg1, %multiple_of3A, %dma_start3A_123] : memref<2x16x640x128xf32, #tpu.memory_space<hbm>> -> memref<1x1x128x128xf32, #tpu.memory_space<hbm>>
        %dma_start3A_125 = tpu.memref_squeeze %dma_start3A_124 : memref<1x1x128x128xf32, #tpu.memory_space<hbm>> -> memref<128x128xf32, #tpu.memory_space<hbm>>
        %dma_start3A_126 = arith.constant 0 : i32
        %dma_start3A_127 = tpu.memref_slice %arg5[%arg0, %arg1, %multiple_of3A, %dma_start3A_126] : memref<2x16x640x128xf32, #tpu.memory_space<hbm>> -> memref<1x1x128x128xf32, #tpu.memory_space<hbm>>
        %dma_start3A_128 = tpu.memref_squeeze %dma_start3A_127 : memref<1x1x128x128xf32, #tpu.memory_space<hbm>> -> memref<128x128xf32, #tpu.memory_space<hbm>>
        tpu.enqueue_dma source(%arg8 : memref<128x128xf32, #tpu.memory_space<vmem>>) target(%dma_start3A_128 : memref<128x128xf32, #tpu.memory_space<hbm>>) target_semaphore(%run_scoped3A : memref<!tpu.dma_semaphore, #tpu.memory_space<semaphore_mem>>)
        %dma_wait3A_129 = arith.constant 0 : i32
        %dma_wait3A_130 = tpu.memref_slice %arg5[%arg0, %arg1, %multiple_of3A, %dma_wait3A_129] : memref<2x16x640x128xf32, #tpu.memory_space<hbm>> -> memref<1x1x128x128xf32, #tpu.memory_space<hbm>>
        %dma_wait3A_131 = tpu.memref_squeeze %dma_wait3A_130 : memref<1x1x128x128xf32, #tpu.memory_space<hbm>> -> memref<128x128xf32, #tpu.memory_space<hbm>>
        %dma_wait3A_132 = arith.constant 0 : i32
        %dma_wait3A_133 = tpu.memref_slice %arg5[%arg0, %arg1, %multiple_of3A, %dma_wait3A_132] : memref<2x16x640x128xf32, #tpu.memory_space<hbm>> -> memref<1x1x128x128xf32, #tpu.memory_space<hbm>>
        %dma_wait3A_134 = tpu.memref_squeeze %dma_wait3A_133 : memref<1x1x128x128xf32, #tpu.memory_space<hbm>> -> memref<128x128xf32, #tpu.memory_space<hbm>>
        tpu.wait_dma2 semaphore(%run_scoped3A : memref<!tpu.dma_semaphore, #tpu.memory_space<semaphore_mem>>) src(%arg8 : memref<128x128xf32, #tpu.memory_space<vmem>>) dst(%dma_wait3A_134 : memref<128x128xf32, #tpu.memory_space<hbm>>)
        tpu.yield
      }) : () -> ()
    }
    %scan3A_25 = arith.constant 5 : i32
    return
  }
}

module attributes {stable_mosaic.version = 14 : i64} {
  func.func @_proj_body(%arg0: i32, %arg1: memref<1000x128xf32, #tpu.memory_space<vmem>>, %arg2: memref<128x128xf32, #tpu.memory_space<vmem>>, %arg3: memref<1x128xf32, #tpu.memory_space<vmem>>, %arg4: memref<1000x128xf32, #tpu.memory_space<vmem>>) attributes {dimension_semantics = [#tpu.dimension_semantics<arbitrary>], iteration_bounds = array<i64: 2>, scalar_prefetch = 0 : i64, scratch_operands = 0 : i64, tpu.core_type = #tpu.core_type<tc>, window_params = [{transform_indices = @transform_0, window_bounds = array<i64: 1000, 128>}, {pipeline_mode = #tpu.pipeline_mode<synchronous>, transform_indices = @transform_1, window_bounds = array<i64: 128, 128>}, {pipeline_mode = #tpu.pipeline_mode<synchronous>, transform_indices = @transform_2, window_bounds = array<i64: 1, 128>}, {transform_indices = @transform_3, window_bounds = array<i64: 1000, 128>}]} {
    %get3A = arith.constant 0 : index
    %get3A_0 = arith.constant 0 : index
    %get3A_1 = vector.load %arg1[%get3A, %get3A_0] : memref<1000x128xf32, #tpu.memory_space<vmem>>, vector<1000x128xf32>
    %get3A_2 = arith.constant 0 : index
    %get3A_3 = arith.constant 0 : index
    %get3A_4 = vector.load %arg2[%get3A_2, %get3A_3] : memref<128x128xf32, #tpu.memory_space<vmem>>, vector<128x128xf32>
    %dot_general3A = arith.constant dense<0.000000e+00> : vector<1000x128xf32>
    %dot_general3A_5 = tpu.matmul %get3A_1, %get3A_4, %dot_general3A {dimension_numbers = #tpu.dot_dimension_numbers<[1], [0], [0], [1], [0, 0, 1, 1], [], []>, transpose_lhs_hint = false} : vector<1000x128xf32>, vector<128x128xf32>, vector<1000x128xf32> -> vector<1000x128xf32>
    %get3A_6 = arith.constant 0 : index
    %get3A_7 = arith.constant 0 : index
    %get3A_8 = vector.load %arg3[%get3A_6, %get3A_7] : memref<1x128xf32, #tpu.memory_space<vmem>>, vector<1x128xf32>
    %add3A = vector.broadcast %get3A_8 : vector<1x128xf32> to vector<1000x128xf32>
    %add3A_9 = arith.addf %dot_general3A_5, %add3A : vector<1000x128xf32>
    %swap3A = arith.constant 0 : index
    %swap3A_10 = arith.constant 0 : index
    %swap3A_11 = vector.load %arg4[%swap3A, %swap3A_10] : memref<1000x128xf32, #tpu.memory_space<vmem>>, vector<1000x128xf32>
    tpu.vector_store %arg4[%swap3A, %swap3A_10], %add3A_9 {strides = array<i32>} : memref<1000x128xf32, #tpu.memory_space<vmem>>, vector<1000x128xf32>,
    return
  }
  func.func @transform_0(%arg0: i32) -> (i32, i32) {
    %c0_i32 = arith.constant 0 : i32
    %c0_i32_0 = arith.constant 0 : i32
    return %arg0, %c0_i32 : i32, i32
  }
  func.func @transform_1(%arg0: i32) -> (i32, i32) {
    %c0_i32 = arith.constant 0 : i32
    %c0_i32_0 = arith.constant 0 : i32
    %c0_i32_1 = arith.constant 0 : i32
    return %c0_i32, %c0_i32_0 : i32, i32
  }
  func.func @transform_2(%arg0: i32) -> (i32, i32) {
    %c0_i32 = arith.constant 0 : i32
    %c0_i32_0 = arith.constant 0 : i32
    %c0_i32_1 = arith.constant 0 : i32
    return %c0_i32, %c0_i32_0 : i32, i32
  }
  func.func @transform_3(%arg0: i32) -> (i32, i32) {
    %c0_i32 = arith.constant 0 : i32
    %c0_i32_0 = arith.constant 0 : i32
    return %arg0, %c0_i32 : i32, i32
  }
}

module attributes {stable_mosaic.version = 14 : i64} {
  func.func @_proj_body(%arg0: i32, %arg1: memref<1000x256xf32, #tpu.memory_space<vmem>>, %arg2: memref<256x128xf32, #tpu.memory_space<vmem>>, %arg3: memref<1x128xf32, #tpu.memory_space<vmem>>, %arg4: memref<1000x128xf32, #tpu.memory_space<vmem>>) attributes {dimension_semantics = [#tpu.dimension_semantics<arbitrary>], iteration_bounds = array<i64: 8>, scalar_prefetch = 0 : i64, scratch_operands = 0 : i64, tpu.core_type = #tpu.core_type<tc>, window_params = [{transform_indices = @transform_0, window_bounds = array<i64: 1000, 256>}, {pipeline_mode = #tpu.pipeline_mode<synchronous>, transform_indices = @transform_1, window_bounds = array<i64: 256, 128>}, {pipeline_mode = #tpu.pipeline_mode<synchronous>, transform_indices = @transform_2, window_bounds = array<i64: 1, 128>}, {transform_indices = @transform_3, window_bounds = array<i64: 1000, 128>}]} {
    %get3A = arith.constant 0 : index
    %get3A_0 = arith.constant 0 : index
    %get3A_1 = vector.load %arg1[%get3A, %get3A_0] : memref<1000x256xf32, #tpu.memory_space<vmem>>, vector<1000x256xf32>
    %get3A_2 = arith.constant 0 : index
    %get3A_3 = arith.constant 0 : index
    %get3A_4 = vector.load %arg2[%get3A_2, %get3A_3] : memref<256x128xf32, #tpu.memory_space<vmem>>, vector<256x128xf32>
    %dot_general3A = arith.constant dense<0.000000e+00> : vector<1000x128xf32>
    %dot_general3A_5 = tpu.matmul %get3A_1, %get3A_4, %dot_general3A {dimension_numbers = #tpu.dot_dimension_numbers<[1], [0], [0], [1], [0, 0, 1, 1], [], []>, transpose_lhs_hint = false} : vector<1000x256xf32>, vector<256x128xf32>, vector<1000x128xf32> -> vector<1000x128xf32>
    %get3A_6 = arith.constant 0 : index
    %get3A_7 = arith.constant 0 : index
    %get3A_8 = vector.load %arg3[%get3A_6, %get3A_7] : memref<1x128xf32, #tpu.memory_space<vmem>>, vector<1x128xf32>
    %add3A = vector.broadcast %get3A_8 : vector<1x128xf32> to vector<1000x128xf32>
    %add3A_9 = arith.addf %dot_general3A_5, %add3A : vector<1000x128xf32>
    %swap3A = arith.constant 0 : index
    %swap3A_10 = arith.constant 0 : index
    %swap3A_11 = vector.load %arg4[%swap3A, %swap3A_10] : memref<1000x128xf32, #tpu.memory_space<vmem>>, vector<1000x128xf32>
    tpu.vector_store %arg4[%swap3A, %swap3A_10], %add3A_9 {strides = array<i32>} : memref<1000x128xf32, #tpu.memory_space<vmem>>, vector<1000x128xf32>,
    return
  }
  func.func @transform_0(%arg0: i32) -> (i32, i32) {
    %c0_i32 = arith.constant 0 : i32
    %c0_i32_0 = arith.constant 0 : i32
    return %arg0, %c0_i32 : i32, i32
  }
  func.func @transform_1(%arg0: i32) -> (i32, i32) {
    %c0_i32 = arith.constant 0 : i32
    %c0_i32_0 = arith.constant 0 : i32
    %c0_i32_1 = arith.constant 0 : i32
    return %c0_i32, %c0_i32_0 : i32, i32
  }
  func.func @transform_2(%arg0: i32) -> (i32, i32) {
    %c0_i32 = arith.constant 0 : i32
    %c0_i32_0 = arith.constant 0 : i32
    %c0_i32_1 = arith.constant 0 : i32
    return %c0_i32, %c0_i32_0 : i32, i32
  }
  func.func @transform_3(%arg0: i32) -> (i32, i32) {
    %c0_i32 = arith.constant 0 : i32
    %c0_i32_0 = arith.constant 0 : i32
    return %arg0, %c0_i32 : i32, i32
  }
}

module attributes {stable_mosaic.version = 14 : i64} {
  func.func @_layer_body(%arg0: i32, %arg1: memref<640x128xf32, #tpu.memory_space<vmem>>, %arg2: memref<640x128xf32, #tpu.memory_space<vmem>>, %arg3: memref<640x128xf32, #tpu.memory_space<vmem>>, %arg4: memref<640x128xf32, #tpu.memory_space<vmem>>, %arg5: memref<640x128xf32, #tpu.memory_space<vmem>>, %arg6: memref<128x128xf32, #tpu.memory_space<vmem>>, %arg7: memref<1x128xf32, #tpu.memory_space<vmem>>, %arg8: memref<128x128xf32, #tpu.memory_space<vmem>>, %arg9: memref<640x128xf32, #tpu.memory_space<vmem>>) attributes {dimension_semantics = [#tpu.dimension_semantics<arbitrary>], iteration_bounds = array<i64: 16>, scalar_prefetch = 0 : i64, scratch_operands = 0 : i64, tpu.core_type = #tpu.core_type<tc>, window_params = [{transform_indices = @transform_0, window_bounds = array<i64: 640, 128>}, {transform_indices = @transform_1, window_bounds = array<i64: 640, 128>}, {transform_indices = @transform_2, window_bounds = array<i64: 640, 128>}, {transform_indices = @transform_3, window_bounds = array<i64: 640, 128>}, {transform_indices = @transform_4, window_bounds = array<i64: 640, 128>}, {pipeline_mode = #tpu.pipeline_mode<synchronous>, transform_indices = @transform_5, window_bounds = array<i64: 128, 128>}, {pipeline_mode = #tpu.pipeline_mode<synchronous>, transform_indices = @transform_6, window_bounds = array<i64: 1, 128>}, {pipeline_mode = #tpu.pipeline_mode<synchronous>, transform_indices = @transform_7, window_bounds = array<i64: 128, 128>}, {transform_indices = @transform_8, window_bounds = array<i64: 640, 128>}]} {
    %get3A = arith.constant 0 : index
    %get3A_0 = arith.constant 0 : index
    %get3A_1 = vector.load %arg3[%get3A, %get3A_0] : memref<640x128xf32, #tpu.memory_space<vmem>>, vector<640x1xf32>
    %get3A_2 = arith.constant 0 : index
    %get3A_3 = arith.constant 0 : index
    %get3A_4 = vector.load %arg4[%get3A_2, %get3A_3] : memref<640x128xf32, #tpu.memory_space<vmem>>, vector<640x1xf32>
    %add3A = arith.addf %get3A_1, %get3A_4 : vector<640x1xf32>
    %max3A = arith.constant 1.000000e+00 : f32
    %max3A_5 = vector.broadcast %max3A : f32 to vector<640x1xf32>
    %max3A_6 = arith.maximumf %add3A, %max3A_5 : vector<640x1xf32>
    %get3A_7 = arith.constant 0 : index
    %get3A_8 = arith.constant 0 : index
    %get3A_9 = vector.load %arg1[%get3A_7, %get3A_8] : memref<640x128xf32, #tpu.memory_space<vmem>>, vector<640x128xf32>
    %get3A_10 = arith.constant 0 : index
    %get3A_11 = arith.constant 0 : index
    %get3A_12 = vector.load %arg2[%get3A_10, %get3A_11] : memref<640x128xf32, #tpu.memory_space<vmem>>, vector<640x128xf32>
    %add3A_13 = arith.addf %get3A_9, %get3A_12 : vector<640x128xf32>
    %div3A = vector.broadcast %max3A_6 : vector<640x1xf32> to vector<640x128xf32>
    %div3A_14 = arith.divf %add3A_13, %div3A : vector<640x128xf32>
    %get3A_15 = arith.constant 0 : index
    %get3A_16 = arith.constant 0 : index
    %get3A_17 = vector.load %arg6[%get3A_15, %get3A_16] : memref<128x128xf32, #tpu.memory_space<vmem>>, vector<128x128xf32>
    %dot_general3A = arith.constant dense<0.000000e+00> : vector<640x128xf32>
    %dot_general3A_18 = tpu.matmul %div3A_14, %get3A_17, %dot_general3A {dimension_numbers = #tpu.dot_dimension_numbers<[1], [0], [0], [1], [0, 0, 1, 1], [], []>, transpose_lhs_hint = false} : vector<640x128xf32>, vector<128x128xf32>, vector<640x128xf32> -> vector<640x128xf32>
    %get3A_19 = arith.constant 0 : index
    %get3A_20 = arith.constant 0 : index
    %get3A_21 = vector.load %arg7[%get3A_19, %get3A_20] : memref<1x128xf32, #tpu.memory_space<vmem>>, vector<1x128xf32>
    %add3A_22 = vector.broadcast %get3A_21 : vector<1x128xf32> to vector<640x128xf32>
    %add3A_23 = arith.addf %dot_general3A_18, %add3A_22 : vector<640x128xf32>
    %get3A_24 = arith.constant 0 : index
    %get3A_25 = arith.constant 0 : index
    %get3A_26 = vector.load %arg5[%get3A_24, %get3A_25] : memref<640x128xf32, #tpu.memory_space<vmem>>, vector<640x128xf32>
    %get3A_27 = arith.constant 0 : index
    %get3A_28 = arith.constant 0 : index
    %get3A_29 = vector.load %arg8[%get3A_27, %get3A_28] : memref<128x128xf32, #tpu.memory_space<vmem>>, vector<128x128xf32>
    %dot_general3A_30 = arith.constant dense<0.000000e+00> : vector<640x128xf32>
    %dot_general3A_31 = tpu.matmul %get3A_26, %get3A_29, %dot_general3A_30 {dimension_numbers = #tpu.dot_dimension_numbers<[1], [0], [0], [1], [0, 0, 1, 1], [], []>, transpose_lhs_hint = false} : vector<640x128xf32>, vector<128x128xf32>, vector<640x128xf32> -> vector<640x128xf32>
    %add3A_32 = arith.addf %add3A_23, %dot_general3A_31 : vector<640x128xf32>
    %max3A_33 = arith.constant 0.000000e+00 : f32
    %max3A_34 = vector.broadcast %max3A_33 : f32 to vector<640x128xf32>
    %max3A_35 = arith.maximumf %add3A_32, %max3A_34 : vector<640x128xf32>
    %swap3A = arith.constant 0 : index
    %swap3A_36 = arith.constant 0 : index
    %swap3A_37 = vector.load %arg9[%swap3A, %swap3A_36] : memref<640x128xf32, #tpu.memory_space<vmem>>, vector<640x128xf32>
    tpu.vector_store %arg9[%swap3A, %swap3A_36], %max3A_35 {strides = array<i32>} : memref<640x128xf32, #tpu.memory_space<vmem>>, vector<640x128xf32>,
    return
  }
  func.func @transform_0(%arg0: i32) -> (i32, i32) {
    %c0_i32 = arith.constant 0 : i32
    %c0_i32_0 = arith.constant 0 : i32
    return %arg0, %c0_i32 : i32, i32
  }
  func.func @transform_1(%arg0: i32) -> (i32, i32) {
    %c0_i32 = arith.constant 0 : i32
    %c0_i32_0 = arith.constant 0 : i32
    return %arg0, %c0_i32 : i32, i32
  }
  func.func @transform_2(%arg0: i32) -> (i32, i32) {
    %c0_i32 = arith.constant 0 : i32
    %c0_i32_0 = arith.constant 0 : i32
    return %arg0, %c0_i32 : i32, i32
  }
  func.func @transform_3(%arg0: i32) -> (i32, i32) {
    %c0_i32 = arith.constant 0 : i32
    %c0_i32_0 = arith.constant 0 : i32
    return %arg0, %c0_i32 : i32, i32
  }
  func.func @transform_4(%arg0: i32) -> (i32, i32) {
    %c0_i32 = arith.constant 0 : i32
    %c0_i32_0 = arith.constant 0 : i32
    return %arg0, %c0_i32 : i32, i32
  }
  func.func @transform_5(%arg0: i32) -> (i32, i32) {
    %c0_i32 = arith.constant 0 : i32
    %c0_i32_0 = arith.constant 0 : i32
    %c0_i32_1 = arith.constant 0 : i32
    return %c0_i32, %c0_i32_0 : i32, i32
  }
  func.func @transform_6(%arg0: i32) -> (i32, i32) {
    %c0_i32 = arith.constant 0 : i32
    %c0_i32_0 = arith.constant 0 : i32
    %c0_i32_1 = arith.constant 0 : i32
    return %c0_i32, %c0_i32_0 : i32, i32
  }
  func.func @transform_7(%arg0: i32) -> (i32, i32) {
    %c0_i32 = arith.constant 0 : i32
    %c0_i32_0 = arith.constant 0 : i32
    %c0_i32_1 = arith.constant 0 : i32
    return %c0_i32, %c0_i32_0 : i32, i32
  }
  func.func @transform_8(%arg0: i32) -> (i32, i32) {
    %c0_i32 = arith.constant 0 : i32
    %c0_i32_0 = arith.constant 0 : i32
    return %arg0, %c0_i32 : i32, i32
  }
}

module attributes {stable_mosaic.version = 14 : i64} {
  func.func @_head_body(%arg0: i32, %arg1: memref<1000x128xf32, #tpu.memory_space<vmem>>, %arg2: memref<1000x128xf32, #tpu.memory_space<vmem>>, %arg3: memref<1000x128xf32, #tpu.memory_space<vmem>>, %arg4: memref<1000x128xf32, #tpu.memory_space<vmem>>, %arg5: memref<1000x128xf32, #tpu.memory_space<vmem>>, %arg6: memref<1000x128xf32, #tpu.memory_space<vmem>>, %arg7: memref<128x128xf32, #tpu.memory_space<vmem>>, %arg8: memref<1x128xf32, #tpu.memory_space<vmem>>, %arg9: memref<128x128xf32, #tpu.memory_space<vmem>>, %arg10: memref<384x128xf32, #tpu.memory_space<vmem>>, %arg11: memref<1x128xf32, #tpu.memory_space<vmem>>, %arg12: memref<128x128xf32, #tpu.memory_space<vmem>>, %arg13: memref<1x128xf32, #tpu.memory_space<vmem>>, %arg14: memref<128x64xf32, #tpu.memory_space<vmem>>, %arg15: memref<1x64xf32, #tpu.memory_space<vmem>>, %arg16: memref<128x64xf32, #tpu.memory_space<vmem>>, %arg17: memref<1x64xf32, #tpu.memory_space<vmem>>, %arg18: memref<128x64xf32, #tpu.memory_space<vmem>>, %arg19: memref<1x64xf32, #tpu.memory_space<vmem>>, %arg20: memref<64x1xf32, #tpu.memory_space<vmem>>, %arg21: memref<1x1xf32, #tpu.memory_space<vmem>>, %arg22: memref<64x1xf32, #tpu.memory_space<vmem>>, %arg23: memref<1x1xf32, #tpu.memory_space<vmem>>, %arg24: memref<64x1xf32, #tpu.memory_space<vmem>>, %arg25: memref<1x1xf32, #tpu.memory_space<vmem>>, %arg26: memref<1000x1xf32, #tpu.memory_space<vmem>>, %arg27: memref<1000x1xf32, #tpu.memory_space<vmem>>, %arg28: memref<1000x1xf32, #tpu.memory_space<vmem>>, %arg29: memref<1000x64xf32, #tpu.memory_space<vmem>>, %arg30: memref<1000x64xf32, #tpu.memory_space<vmem>>) attributes {dimension_semantics = [#tpu.dimension_semantics<arbitrary>], iteration_bounds = array<i64: 8>, scalar_prefetch = 0 : i64, scratch_operands = 0 : i64, tpu.core_type = #tpu.core_type<tc>, window_params = [{transform_indices = @transform_0, window_bounds = array<i64: 1000, 128>}, {transform_indices = @transform_1, window_bounds = array<i64: 1000, 128>}, {transform_indices = @transform_2, window_bounds = array<i64: 1000, 128>}, {transform_indices = @transform_3, window_bounds = array<i64: 1000, 128>}, {transform_indices = @transform_4, window_bounds = array<i64: 1000, 128>}, {transform_indices = @transform_5, window_bounds = array<i64: 1000, 128>}, {pipeline_mode = #tpu.pipeline_mode<synchronous>, transform_indices = @transform_6, window_bounds = array<i64: 128, 128>}, {pipeline_mode = #tpu.pipeline_mode<synchronous>, transform_indices = @transform_7, window_bounds = array<i64: 1, 128>}, {pipeline_mode = #tpu.pipeline_mode<synchronous>, transform_indices = @transform_8, window_bounds = array<i64: 128, 128>}, {pipeline_mode = #tpu.pipeline_mode<synchronous>, transform_indices = @transform_9, window_bounds = array<i64: 384, 128>}, {pipeline_mode = #tpu.pipeline_mode<synchronous>, transform_indices = @transform_10, window_bounds = array<i64: 1, 128>}, {pipeline_mode = #tpu.pipeline_mode<synchronous>, transform_indices = @transform_11, window_bounds = array<i64: 128, 128>}, {pipeline_mode = #tpu.pipeline_mode<synchronous>, transform_indices = @transform_12, window_bounds = array<i64: 1, 128>}, {pipeline_mode = #tpu.pipeline_mode<synchronous>, transform_indices = @transform_13, window_bounds = array<i64: 128, 64>}, {pipeline_mode = #tpu.pipeline_mode<synchronous>, transform_indices = @transform_14, window_bounds = array<i64: 1, 64>}, {pipeline_mode = #tpu.pipeline_mode<synchronous>, transform_indices = @transform_15, window_bounds = array<i64: 128, 64>}, {pipeline_mode = #tpu.pipeline_mode<synchronous>, transform_indices = @transform_16, window_bounds = array<i64: 1, 64>}, {pipeline_mode = #tpu.pipeline_mode<synchronous>, transform_indices = @transform_17, window_bounds = array<i64: 128, 64>}, {pipeline_mode = #tpu.pipeline_mode<synchronous>, transform_indices = @transform_18, window_bounds = array<i64: 1, 64>}, {pipeline_mode = #tpu.pipeline_mode<synchronous>, transform_indices = @transform_19, window_bounds = array<i64: 64, 1>}, {pipeline_mode = #tpu.pipeline_mode<synchronous>, transform_indices = @transform_20, window_bounds = array<i64: 1, 1>}, {pipeline_mode = #tpu.pipeline_mode<synchronous>, transform_indices = @transform_21, window_bounds = array<i64: 64, 1>}, {pipeline_mode = #tpu.pipeline_mode<synchronous>, transform_indices = @transform_22, window_bounds = array<i64: 1, 1>}, {pipeline_mode = #tpu.pipeline_mode<synchronous>, transform_indices = @transform_23, window_bounds = array<i64: 64, 1>}, {pipeline_mode = #tpu.pipeline_mode<synchronous>, transform_indices = @transform_24, window_bounds = array<i64: 1, 1>}, {transform_indices = @transform_25, window_bounds = array<i64: 1000, 1>}, {transform_indices = @transform_26, window_bounds = array<i64: 1000, 1>}, {transform_indices = @transform_27, window_bounds = array<i64: 1000, 1>}, {transform_indices = @transform_28, window_bounds = array<i64: 1000, 64>}, {transform_indices = @transform_29, window_bounds = array<i64: 1000, 64>}]} {
    %get3A = arith.constant 0 : index
    %get3A_0 = arith.constant 0 : index
    %get3A_1 = vector.load %arg3[%get3A, %get3A_0] : memref<1000x128xf32, #tpu.memory_space<vmem>>, vector<1000x1xf32>
    %get3A_2 = arith.constant 0 : index
    %get3A_3 = arith.constant 0 : index
    %get3A_4 = vector.load %arg4[%get3A_2, %get3A_3] : memref<1000x128xf32, #tpu.memory_space<vmem>>, vector<1000x1xf32>
    %add3A = arith.addf %get3A_1, %get3A_4 : vector<1000x1xf32>
    %max3A = arith.constant 1.000000e+00 : f32
    %max3A_5 = vector.broadcast %max3A : f32 to vector<1000x1xf32>
    %max3A_6 = arith.maximumf %add3A, %max3A_5 : vector<1000x1xf32>
    %get3A_7 = arith.constant 0 : index
    %get3A_8 = arith.constant 0 : index
    %get3A_9 = vector.load %arg1[%get3A_7, %get3A_8] : memref<1000x128xf32, #tpu.memory_space<vmem>>, vector<1000x128xf32>
    %get3A_10 = arith.constant 0 : index
    %get3A_11 = arith.constant 0 : index
    %get3A_12 = vector.load %arg2[%get3A_10, %get3A_11] : memref<1000x128xf32, #tpu.memory_space<vmem>>, vector<1000x128xf32>
    %add3A_13 = arith.addf %get3A_9, %get3A_12 : vector<1000x128xf32>
    %div3A = vector.broadcast %max3A_6 : vector<1000x1xf32> to vector<1000x128xf32>
    %div3A_14 = arith.divf %add3A_13, %div3A : vector<1000x128xf32>
    %get3A_15 = arith.constant 0 : index
    %get3A_16 = arith.constant 0 : index
    %get3A_17 = vector.load %arg5[%get3A_15, %get3A_16] : memref<1000x128xf32, #tpu.memory_space<vmem>>, vector<1000x128xf32>
    %get3A_18 = arith.constant 0 : index
    %get3A_19 = arith.constant 0 : index
    %get3A_20 = vector.load %arg7[%get3A_18, %get3A_19] : memref<128x128xf32, #tpu.memory_space<vmem>>, vector<128x128xf32>
    %dot_general3A = arith.constant dense<0.000000e+00> : vector<1000x128xf32>
    %dot_general3A_21 = tpu.matmul %div3A_14, %get3A_20, %dot_general3A {dimension_numbers = #tpu.dot_dimension_numbers<[1], [0], [0], [1], [0, 0, 1, 1], [], []>, transpose_lhs_hint = false} : vector<1000x128xf32>, vector<128x128xf32>, vector<1000x128xf32> -> vector<1000x128xf32>
    %get3A_22 = arith.constant 0 : index
    %get3A_23 = arith.constant 0 : index
    %get3A_24 = vector.load %arg8[%get3A_22, %get3A_23] : memref<1x128xf32, #tpu.memory_space<vmem>>, vector<1x128xf32>
    %add3A_25 = vector.broadcast %get3A_24 : vector<1x128xf32> to vector<1000x128xf32>
    %add3A_26 = arith.addf %dot_general3A_21, %add3A_25 : vector<1000x128xf32>
    %get3A_27 = arith.constant 0 : index
    %get3A_28 = arith.constant 0 : index
    %get3A_29 = vector.load %arg9[%get3A_27, %get3A_28] : memref<128x128xf32, #tpu.memory_space<vmem>>, vector<128x128xf32>
    %dot_general3A_30 = arith.constant dense<0.000000e+00> : vector<1000x128xf32>
    %dot_general3A_31 = tpu.matmul %get3A_17, %get3A_29, %dot_general3A_30 {dimension_numbers = #tpu.dot_dimension_numbers<[1], [0], [0], [1], [0, 0, 1, 1], [], []>, transpose_lhs_hint = false} : vector<1000x128xf32>, vector<128x128xf32>, vector<1000x128xf32> -> vector<1000x128xf32>
    %add3A_32 = arith.addf %add3A_26, %dot_general3A_31 : vector<1000x128xf32>
    %max3A_33 = arith.constant 0.000000e+00 : f32
    %max3A_34 = vector.broadcast %max3A_33 : f32 to vector<1000x128xf32>
    %max3A_35 = arith.maximumf %add3A_32, %max3A_34 : vector<1000x128xf32>
    %get3A_36 = arith.constant 0 : index
    %get3A_37 = arith.constant 0 : index
    %get3A_38 = vector.load %arg10[%get3A_36, %get3A_37] : memref<384x128xf32, #tpu.memory_space<vmem>>, vector<384x128xf32>
    %get3A_39 = arith.constant 0 : index
    %get3A_40 = arith.constant 0 : index
    %get3A_41 = vector.load %arg6[%get3A_39, %get3A_40] : memref<1000x128xf32, #tpu.memory_space<vmem>>, vector<1000x128xf32>
    %slice3A = vector.extract_strided_slice %get3A_38 {offsets = [0, 0], sizes = [128, 128], strides = [1, 1]} : vector<384x128xf32> to vector<128x128xf32>
    %dot_general3A_42 = arith.constant dense<0.000000e+00> : vector<1000x128xf32>
    %dot_general3A_43 = tpu.matmul %get3A_41, %slice3A, %dot_general3A_42 {dimension_numbers = #tpu.dot_dimension_numbers<[1], [0], [0], [1], [0, 0, 1, 1], [], []>, transpose_lhs_hint = false} : vector<1000x128xf32>, vector<128x128xf32>, vector<1000x128xf32> -> vector<1000x128xf32>
    %slice3A_44 = vector.extract_strided_slice %get3A_38 {offsets = [128, 0], sizes = [128, 128], strides = [1, 1]} : vector<384x128xf32> to vector<128x128xf32>
    %dot_general3A_45 = arith.constant dense<0.000000e+00> : vector<1000x128xf32>
    %dot_general3A_46 = tpu.matmul %get3A_17, %slice3A_44, %dot_general3A_45 {dimension_numbers = #tpu.dot_dimension_numbers<[1], [0], [0], [1], [0, 0, 1, 1], [], []>, transpose_lhs_hint = false} : vector<1000x128xf32>, vector<128x128xf32>, vector<1000x128xf32> -> vector<1000x128xf32>
    %add3A_47 = arith.addf %dot_general3A_43, %dot_general3A_46 : vector<1000x128xf32>
    %slice3A_48 = vector.extract_strided_slice %get3A_38 {offsets = [256, 0], sizes = [128, 128], strides = [1, 1]} : vector<384x128xf32> to vector<128x128xf32>
    %dot_general3A_49 = arith.constant dense<0.000000e+00> : vector<1000x128xf32>
    %dot_general3A_50 = tpu.matmul %max3A_35, %slice3A_48, %dot_general3A_49 {dimension_numbers = #tpu.dot_dimension_numbers<[1], [0], [0], [1], [0, 0, 1, 1], [], []>, transpose_lhs_hint = false} : vector<1000x128xf32>, vector<128x128xf32>, vector<1000x128xf32> -> vector<1000x128xf32>
    %add3A_51 = arith.addf %add3A_47, %dot_general3A_50 : vector<1000x128xf32>
    %get3A_52 = arith.constant 0 : index
    %get3A_53 = arith.constant 0 : index
    %get3A_54 = vector.load %arg11[%get3A_52, %get3A_53] : memref<1x128xf32, #tpu.memory_space<vmem>>, vector<1x128xf32>
    %add3A_55 = vector.broadcast %get3A_54 : vector<1x128xf32> to vector<1000x128xf32>
    %add3A_56 = arith.addf %add3A_51, %add3A_55 : vector<1000x128xf32>
    %max3A_57 = arith.constant 0.000000e+00 : f32
    %max3A_58 = vector.broadcast %max3A_57 : f32 to vector<1000x128xf32>
    %max3A_59 = arith.maximumf %add3A_56, %max3A_58 : vector<1000x128xf32>
    %get3A_60 = arith.constant 0 : index
    %get3A_61 = arith.constant 0 : index
    %get3A_62 = vector.load %arg12[%get3A_60, %get3A_61] : memref<128x128xf32, #tpu.memory_space<vmem>>, vector<128x128xf32>
    %dot_general3A_63 = arith.constant dense<0.000000e+00> : vector<1000x128xf32>
    %dot_general3A_64 = tpu.matmul %max3A_59, %get3A_62, %dot_general3A_63 {dimension_numbers = #tpu.dot_dimension_numbers<[1], [0], [0], [1], [0, 0, 1, 1], [], []>, transpose_lhs_hint = false} : vector<1000x128xf32>, vector<128x128xf32>, vector<1000x128xf32> -> vector<1000x128xf32>
    %get3A_65 = arith.constant 0 : index
    %get3A_66 = arith.constant 0 : index
    %get3A_67 = vector.load %arg13[%get3A_65, %get3A_66] : memref<1x128xf32, #tpu.memory_space<vmem>>, vector<1x128xf32>
    %add3A_68 = vector.broadcast %get3A_67 : vector<1x128xf32> to vector<1000x128xf32>
    %add3A_69 = arith.addf %dot_general3A_64, %add3A_68 : vector<1000x128xf32>
    %max3A_70 = arith.constant 0.000000e+00 : f32
    %max3A_71 = vector.broadcast %max3A_70 : f32 to vector<1000x128xf32>
    %max3A_72 = arith.maximumf %add3A_69, %max3A_71 : vector<1000x128xf32>
    %get3A_73 = arith.constant 0 : index
    %get3A_74 = arith.constant 0 : index
    %get3A_75 = vector.load %arg14[%get3A_73, %get3A_74] : memref<128x64xf32, #tpu.memory_space<vmem>>, vector<128x64xf32>
    %dot_general3A_76 = arith.constant dense<0.000000e+00> : vector<1000x64xf32>
    %dot_general3A_77 = tpu.matmul %max3A_72, %get3A_75, %dot_general3A_76 {dimension_numbers = #tpu.dot_dimension_numbers<[1], [0], [0], [1], [0, 0, 1, 1], [], []>, transpose_lhs_hint = false} : vector<1000x128xf32>, vector<128x64xf32>, vector<1000x64xf32> -> vector<1000x64xf32>
    %get3A_78 = arith.constant 0 : index
    %get3A_79 = arith.constant 0 : index
    %get3A_80 = vector.load %arg15[%get3A_78, %get3A_79] : memref<1x64xf32, #tpu.memory_space<vmem>>, vector<1x64xf32>
    %add3A_81 = vector.broadcast %get3A_80 : vector<1x64xf32> to vector<1000x64xf32>
    %add3A_82 = arith.addf %dot_general3A_77, %add3A_81 : vector<1000x64xf32>
    %max3A_83 = arith.constant 0.000000e+00 : f32
    %max3A_84 = vector.broadcast %max3A_83 : f32 to vector<1000x64xf32>
    %max3A_85 = arith.maximumf %add3A_82, %max3A_84 : vector<1000x64xf32>
    %get3A_86 = arith.constant 0 : index
    %get3A_87 = arith.constant 0 : index
    %get3A_88 = vector.load %arg16[%get3A_86, %get3A_87] : memref<128x64xf32, #tpu.memory_space<vmem>>, vector<128x64xf32>
    %dot_general3A_89 = arith.constant dense<0.000000e+00> : vector<1000x64xf32>
    %dot_general3A_90 = tpu.matmul %max3A_72, %get3A_88, %dot_general3A_89 {dimension_numbers = #tpu.dot_dimension_numbers<[1], [0], [0], [1], [0, 0, 1, 1], [], []>, transpose_lhs_hint = false} : vector<1000x128xf32>, vector<128x64xf32>, vector<1000x64xf32> -> vector<1000x64xf32>
    %get3A_91 = arith.constant 0 : index
    %get3A_92 = arith.constant 0 : index
    %get3A_93 = vector.load %arg17[%get3A_91, %get3A_92] : memref<1x64xf32, #tpu.memory_space<vmem>>, vector<1x64xf32>
    %add3A_94 = vector.broadcast %get3A_93 : vector<1x64xf32> to vector<1000x64xf32>
    %add3A_95 = arith.addf %dot_general3A_90, %add3A_94 : vector<1000x64xf32>
    %max3A_96 = arith.constant 0.000000e+00 : f32
    %max3A_97 = vector.broadcast %max3A_96 : f32 to vector<1000x64xf32>
    %max3A_98 = arith.maximumf %add3A_95, %max3A_97 : vector<1000x64xf32>
    %get3A_99 = arith.constant 0 : index
    %get3A_100 = arith.constant 0 : index
    %get3A_101 = vector.load %arg18[%get3A_99, %get3A_100] : memref<128x64xf32, #tpu.memory_space<vmem>>, vector<128x64xf32>
    %dot_general3A_102 = arith.constant dense<0.000000e+00> : vector<1000x64xf32>
    %dot_general3A_103 = tpu.matmul %max3A_72, %get3A_101, %dot_general3A_102 {dimension_numbers = #tpu.dot_dimension_numbers<[1], [0], [0], [1], [0, 0, 1, 1], [], []>, transpose_lhs_hint = false} : vector<1000x128xf32>, vector<128x64xf32>, vector<1000x64xf32> -> vector<1000x64xf32>
    %get3A_104 = arith.constant 0 : index
    %get3A_105 = arith.constant 0 : index
    %get3A_106 = vector.load %arg19[%get3A_104, %get3A_105] : memref<1x64xf32, #tpu.memory_space<vmem>>, vector<1x64xf32>
    %add3A_107 = vector.broadcast %get3A_106 : vector<1x64xf32> to vector<1000x64xf32>
    %add3A_108 = arith.addf %dot_general3A_103, %add3A_107 : vector<1000x64xf32>
    %max3A_109 = arith.constant 0.000000e+00 : f32
    %max3A_110 = vector.broadcast %max3A_109 : f32 to vector<1000x64xf32>
    %max3A_111 = arith.maximumf %add3A_108, %max3A_110 : vector<1000x64xf32>
    %get3A_112 = arith.constant 0 : index
    %get3A_113 = arith.constant 0 : index
    %get3A_114 = vector.load %arg20[%get3A_112, %get3A_113] : memref<64x1xf32, #tpu.memory_space<vmem>>, vector<64x1xf32>
    %dot_general3A_115 = arith.constant dense<0.000000e+00> : vector<1000x1xf32>
    %dot_general3A_116 = tpu.matmul %max3A_85, %get3A_114, %dot_general3A_115 {dimension_numbers = #tpu.dot_dimension_numbers<[1], [0], [0], [1], [0, 0, 1, 1], [], []>, transpose_lhs_hint = false} : vector<1000x64xf32>, vector<64x1xf32>, vector<1000x1xf32> -> vector<1000x1xf32>
    %get3A_117 = arith.constant 0 : index
    %get3A_118 = arith.constant 0 : index
    %get3A_119 = vector.load %arg21[%get3A_117, %get3A_118] : memref<1x1xf32, #tpu.memory_space<vmem>>, vector<1x1xf32>
    %add3A_120 = vector.broadcast %get3A_119 : vector<1x1xf32> to vector<1000x1xf32>
    %add3A_121 = arith.addf %dot_general3A_116, %add3A_120 : vector<1000x1xf32>
    %max3A_122 = arith.constant 0.000000e+00 : f32
    %max3A_123 = vector.broadcast %max3A_122 : f32 to vector<1000x1xf32>
    %max3A_124 = arith.maximumf %add3A_121, %max3A_123 : vector<1000x1xf32>
    %swap3A = arith.constant 0 : index
    %swap3A_125 = arith.constant 0 : index
    %swap3A_126 = vector.load %arg27[%swap3A, %swap3A_125] : memref<1000x1xf32, #tpu.memory_space<vmem>>, vector<1000x1xf32>
    tpu.vector_store %arg27[%swap3A, %swap3A_125], %max3A_124 {strides = array<i32>} : memref<1000x1xf32, #tpu.memory_space<vmem>>, vector<1000x1xf32>,
    %get3A_127 = arith.constant 0 : index
    %get3A_128 = arith.constant 0 : index
    %get3A_129 = vector.load %arg22[%get3A_127, %get3A_128] : memref<64x1xf32, #tpu.memory_space<vmem>>, vector<64x1xf32>
    %dot_general3A_130 = arith.constant dense<0.000000e+00> : vector<1000x1xf32>
    %dot_general3A_131 = tpu.matmul %max3A_98, %get3A_129, %dot_general3A_130 {dimension_numbers = #tpu.dot_dimension_numbers<[1], [0], [0], [1], [0, 0, 1, 1], [], []>, transpose_lhs_hint = false} : vector<1000x64xf32>, vector<64x1xf32>, vector<1000x1xf32> -> vector<1000x1xf32>
    %get3A_132 = arith.constant 0 : index
    %get3A_133 = arith.constant 0 : index
    %get3A_134 = vector.load %arg23[%get3A_132, %get3A_133] : memref<1x1xf32, #tpu.memory_space<vmem>>, vector<1x1xf32>
    %add3A_135 = vector.broadcast %get3A_134 : vector<1x1xf32> to vector<1000x1xf32>
    %add3A_136 = arith.addf %dot_general3A_131, %add3A_135 : vector<1000x1xf32>
    %max3A_137 = arith.constant 0.000000e+00 : f32
    %max3A_138 = vector.broadcast %max3A_137 : f32 to vector<1000x1xf32>
    %max3A_139 = arith.maximumf %add3A_136, %max3A_138 : vector<1000x1xf32>
    %swap3A_140 = arith.constant 0 : index
    %swap3A_141 = arith.constant 0 : index
    %swap3A_142 = vector.load %arg26[%swap3A_140, %swap3A_141] : memref<1000x1xf32, #tpu.memory_space<vmem>>, vector<1000x1xf32>
    tpu.vector_store %arg26[%swap3A_140, %swap3A_141], %max3A_139 {strides = array<i32>} : memref<1000x1xf32, #tpu.memory_space<vmem>>, vector<1000x1xf32>,
    %get3A_143 = arith.constant 0 : index
    %get3A_144 = arith.constant 0 : index
    %get3A_145 = vector.load %arg24[%get3A_143, %get3A_144] : memref<64x1xf32, #tpu.memory_space<vmem>>, vector<64x1xf32>
    %dot_general3A_146 = arith.constant dense<0.000000e+00> : vector<1000x1xf32>
    %dot_general3A_147 = tpu.matmul %max3A_111, %get3A_145, %dot_general3A_146 {dimension_numbers = #tpu.dot_dimension_numbers<[1], [0], [0], [1], [0, 0, 1, 1], [], []>, transpose_lhs_hint = false} : vector<1000x64xf32>, vector<64x1xf32>, vector<1000x1xf32> -> vector<1000x1xf32>
    %get3A_148 = arith.constant 0 : index
    %get3A_149 = arith.constant 0 : index
    %get3A_150 = vector.load %arg25[%get3A_148, %get3A_149] : memref<1x1xf32, #tpu.memory_space<vmem>>, vector<1x1xf32>
    %add3A_151 = vector.broadcast %get3A_150 : vector<1x1xf32> to vector<1000x1xf32>
    %add3A_152 = arith.addf %dot_general3A_147, %add3A_151 : vector<1000x1xf32>
    %max3A_153 = arith.constant 0.000000e+00 : f32
    %max3A_154 = vector.broadcast %max3A_153 : f32 to vector<1000x1xf32>
    %max3A_155 = arith.maximumf %add3A_152, %max3A_154 : vector<1000x1xf32>
    %swap3A_156 = arith.constant 0 : index
    %swap3A_157 = arith.constant 0 : index
    %swap3A_158 = vector.load %arg28[%swap3A_156, %swap3A_157] : memref<1000x1xf32, #tpu.memory_space<vmem>>, vector<1000x1xf32>
    tpu.vector_store %arg28[%swap3A_156, %swap3A_157], %max3A_155 {strides = array<i32>} : memref<1000x1xf32, #tpu.memory_space<vmem>>, vector<1000x1xf32>,
    %swap3A_159 = arith.constant 0 : index
    %swap3A_160 = arith.constant 0 : index
    %swap3A_161 = vector.load %arg29[%swap3A_159, %swap3A_160] : memref<1000x64xf32, #tpu.memory_space<vmem>>, vector<1000x64xf32>
    tpu.vector_store %arg29[%swap3A_159, %swap3A_160], %max3A_98 {strides = array<i32>} : memref<1000x64xf32, #tpu.memory_space<vmem>>, vector<1000x64xf32>,
    %swap3A_162 = arith.constant 0 : index
    %swap3A_163 = arith.constant 0 : index
    %swap3A_164 = vector.load %arg30[%swap3A_162, %swap3A_163] : memref<1000x64xf32, #tpu.memory_space<vmem>>, vector<1000x64xf32>
    tpu.vector_store %arg30[%swap3A_162, %swap3A_163], %max3A_85 {strides = array<i32>} : memref<1000x64xf32, #tpu.memory_space<vmem>>, vector<1000x64xf32>,
    return
  }
  func.func @transform_0(%arg0: i32) -> (i32, i32) {
    %c0_i32 = arith.constant 0 : i32
    %c0_i32_0 = arith.constant 0 : i32
    return %arg0, %c0_i32 : i32, i32
  }
  func.func @transform_1(%arg0: i32) -> (i32, i32) {
    %c0_i32 = arith.constant 0 : i32
    %c0_i32_0 = arith.constant 0 : i32
    return %arg0, %c0_i32 : i32, i32
  }
  func.func @transform_2(%arg0: i32) -> (i32, i32) {
    %c0_i32 = arith.constant 0 : i32
    %c0_i32_0 = arith.constant 0 : i32
    return %arg0, %c0_i32 : i32, i32
  }
  func.func @transform_3(%arg0: i32) -> (i32, i32) {
    %c0_i32 = arith.constant 0 : i32
    %c0_i32_0 = arith.constant 0 : i32
    return %arg0, %c0_i32 : i32, i32
  }
  func.func @transform_4(%arg0: i32) -> (i32, i32) {
    %c0_i32 = arith.constant 0 : i32
    %c0_i32_0 = arith.constant 0 : i32
    return %arg0, %c0_i32 : i32, i32
  }
  func.func @transform_5(%arg0: i32) -> (i32, i32) {
    %c0_i32 = arith.constant 0 : i32
    %c0_i32_0 = arith.constant 0 : i32
    return %arg0, %c0_i32 : i32, i32
  }
  func.func @transform_6(%arg0: i32) -> (i32, i32) {
    %c0_i32 = arith.constant 0 : i32
    %c0_i32_0 = arith.constant 0 : i32
    %c0_i32_1 = arith.constant 0 : i32
    return %c0_i32, %c0_i32_0 : i32, i32
  }
  func.func @transform_7(%arg0: i32) -> (i32, i32) {
    %c0_i32 = arith.constant 0 : i32
    %c0_i32_0 = arith.constant 0 : i32
    %c0_i32_1 = arith.constant 0 : i32
    return %c0_i32, %c0_i32_0 : i32, i32
  }
  func.func @transform_8(%arg0: i32) -> (i32, i32) {
    %c0_i32 = arith.constant 0 : i32
    %c0_i32_0 = arith.constant 0 : i32
    %c0_i32_1 = arith.constant 0 : i32
    return %c0_i32, %c0_i32_0 : i32, i32
  }
  func.func @transform_9(%arg0: i32) -> (i32, i32) {
    %c0_i32 = arith.constant 0 : i32
    %c0_i32_0 = arith.constant 0 : i32
    %c0_i32_1 = arith.constant 0 : i32
    return %c0_i32, %c0_i32_0 : i32, i32
  }
  func.func @transform_10(%arg0: i32) -> (i32, i32) {
    %c0_i32 = arith.constant 0 : i32
    %c0_i32_0 = arith.constant 0 : i32
    %c0_i32_1 = arith.constant 0 : i32
    return %c0_i32, %c0_i32_0 : i32, i32
  }
  func.func @transform_11(%arg0: i32) -> (i32, i32) {
    %c0_i32 = arith.constant 0 : i32
    %c0_i32_0 = arith.constant 0 : i32
    %c0_i32_1 = arith.constant 0 : i32
    return %c0_i32, %c0_i32_0 : i32, i32
  }
  func.func @transform_12(%arg0: i32) -> (i32, i32) {
    %c0_i32 = arith.constant 0 : i32
    %c0_i32_0 = arith.constant 0 : i32
    %c0_i32_1 = arith.constant 0 : i32
    return %c0_i32, %c0_i32_0 : i32, i32
  }
  func.func @transform_13(%arg0: i32) -> (i32, i32) {
    %c0_i32 = arith.constant 0 : i32
    %c0_i32_0 = arith.constant 0 : i32
    %c0_i32_1 = arith.constant 0 : i32
    return %c0_i32, %c0_i32_0 : i32, i32
  }
  func.func @transform_14(%arg0: i32) -> (i32, i32) {
    %c0_i32 = arith.constant 0 : i32
    %c0_i32_0 = arith.constant 0 : i32
    %c0_i32_1 = arith.constant 0 : i32
    return %c0_i32, %c0_i32_0 : i32, i32
  }
  func.func @transform_15(%arg0: i32) -> (i32, i32) {
    %c0_i32 = arith.constant 0 : i32
    %c0_i32_0 = arith.constant 0 : i32
    %c0_i32_1 = arith.constant 0 : i32
    return %c0_i32, %c0_i32_0 : i32, i32
  }
  func.func @transform_16(%arg0: i32) -> (i32, i32) {
    %c0_i32 = arith.constant 0 : i32
    %c0_i32_0 = arith.constant 0 : i32
    %c0_i32_1 = arith.constant 0 : i32
    return %c0_i32, %c0_i32_0 : i32, i32
  }
  func.func @transform_17(%arg0: i32) -> (i32, i32) {
    %c0_i32 = arith.constant 0 : i32
    %c0_i32_0 = arith.constant 0 : i32
    %c0_i32_1 = arith.constant 0 : i32
    return %c0_i32, %c0_i32_0 : i32, i32
  }
  func.func @transform_18(%arg0: i32) -> (i32, i32) {
    %c0_i32 = arith.constant 0 : i32
    %c0_i32_0 = arith.constant 0 : i32
    %c0_i32_1 = arith.constant 0 : i32
    return %c0_i32, %c0_i32_0 : i32, i32
  }
  func.func @transform_19(%arg0: i32) -> (i32, i32) {
    %c0_i32 = arith.constant 0 : i32
    %c0_i32_0 = arith.constant 0 : i32
    %c0_i32_1 = arith.constant 0 : i32
    return %c0_i32, %c0_i32_0 : i32, i32
  }
  func.func @transform_20(%arg0: i32) -> (i32, i32) {
    %c0_i32 = arith.constant 0 : i32
    %c0_i32_0 = arith.constant 0 : i32
    %c0_i32_1 = arith.constant 0 : i32
    return %c0_i32, %c0_i32_0 : i32, i32
  }
  func.func @transform_21(%arg0: i32) -> (i32, i32) {
    %c0_i32 = arith.constant 0 : i32
    %c0_i32_0 = arith.constant 0 : i32
    %c0_i32_1 = arith.constant 0 : i32
    return %c0_i32, %c0_i32_0 : i32, i32
  }
  func.func @transform_22(%arg0: i32) -> (i32, i32) {
    %c0_i32 = arith.constant 0 : i32
    %c0_i32_0 = arith.constant 0 : i32
    %c0_i32_1 = arith.constant 0 : i32
    return %c0_i32, %c0_i32_0 : i32, i32
  }
  func.func @transform_23(%arg0: i32) -> (i32, i32) {
    %c0_i32 = arith.constant 0 : i32
    %c0_i32_0 = arith.constant 0 : i32
    %c0_i32_1 = arith.constant 0 : i32
    return %c0_i32, %c0_i32_0 : i32, i32
  }
  func.func @transform_24(%arg0: i32) -> (i32, i32) {
    %c0_i32 = arith.constant 0 : i32
    %c0_i32_0 = arith.constant 0 : i32
    %c0_i32_1 = arith.constant 0 : i32
    return %c0_i32, %c0_i32_0 : i32, i32
  }
  func.func @transform_25(%arg0: i32) -> (i32, i32) {
    %c0_i32 = arith.constant 0 : i32
    %c0_i32_0 = arith.constant 0 : i32
    return %arg0, %c0_i32 : i32, i32
  }
  func.func @transform_26(%arg0: i32) -> (i32, i32) {
    %c0_i32 = arith.constant 0 : i32
    %c0_i32_0 = arith.constant 0 : i32
    return %arg0, %c0_i32 : i32, i32
  }
  func.func @transform_27(%arg0: i32) -> (i32, i32) {
    %c0_i32 = arith.constant 0 : i32
    %c0_i32_0 = arith.constant 0 : i32
    return %arg0, %c0_i32 : i32, i32
  }
  func.func @transform_28(%arg0: i32) -> (i32, i32) {
    %c0_i32 = arith.constant 0 : i32
    %c0_i32_0 = arith.constant 0 : i32
    return %arg0, %c0_i32 : i32, i32
  }
  func.func @transform_29(%arg0: i32) -> (i32, i32) {
    %c0_i32 = arith.constant 0 : i32
    %c0_i32_0 = arith.constant 0 : i32
    return %arg0, %c0_i32 : i32, i32
  }
}

</mosaic_0001>

<sc_bundles>
// kernel: kernel.12.cloned.1.call-start
scs
__scs_entry_jumppad:
0x0: {  	(pc) =	sbr.rel $0x88, $3  }
0x1: {  	(tag) =	ssettag $0x0;
	lr =	simm.s32 $0x1  }
0x2: {  	[smem:$0x3F84] =	sst lr;
	_ =	strace $0xD0000000  }
0x3: {  	_ = 	snop  }
0x4: {  	_ = 	snop  }
0x5: {  	_ = 	snop  }
0x6: {  	_ = 	snop  }
0x7: {  	_ = 	snop  }
__scs_overlays_trampoline_lowered:
0x8: {  	[smem:$0x3F93] =	sst s0  }
0x9: {  	[smem:$0x3F94] =	sst s1  }
0xa: {  	[smem:$0x3F95] =	sst s2  }
0xb: {  	[smem:$0x3F96] =	sst s3  }
0xc: {  	[smem:$0x3F97] =	sst s4  }
0xd: {  	[smem:$0x3F98] =	sst s5  }
0xe: {  	[smem:$0x3F99] =	sst s6  }
0xf: {  	[smem:$0x3F9A] =	sst s7  }
0x10: {  	[smem:$0x3F9B] =	sst s8  }
0x11: {  	[smem:$0x3F9C] =	sst s9;
	s0 =	simm.s32 @!p0 $0x0  }
0x12: {  	s1 =	sld [smem:$0x3F82];
	s0 =	simm.s32 @p0 $0x1  }
0x13: {  	[smem:$0x3F9D] =	sst s0;
	s0 =	simm.s32 @!p1 $0x0  }
0x14: {  	s2 =	sld [smem:$0x3F81];
	s0 =	simm.s32 @p1 $0x1  }
0x15: {  	[smem:$0x3F9E] =	sst s0;
	s0 =	simm.s32 @!p2 $0x0  }
0x16: {  	s3 =	sld [smem:$0x3FDB];
	s0 =	simm.s32 @p2 $0x1  }
0x17: {  	s4 =	simm.s32 $0x1BF5;
	[smem:$0x3FA0] =	sst s0  }
0x18: {  	s0 =	sld [smem:$0x3F83];
	_ =	swait.ge [sflag:s4], $0x0  }
0x19: {  	s7 =	sld [smem:$0x3F84]  }
0x1a: {  	s8 =	sadd.s32 $0xFFFFE003, lr  }
0x1b: {  	s9 =	sadd.s32 $0xFFFFFEF7, lr;
	s5 =	simm.s32 $0xFFFFFFFF;
	p2 =	slt.u32 s8, $0xFFFFF086  }
0x1c: {  	p1 =	slt.u32 s9, $0xF7A;
	s5 =	simm.s32 @!p2 $0x0  }
0x1d: {  	s5 =	simm.s32 @p1 $0x1;
	p0 =	seq.s32 s7, s2  }
0x1e: {  	s7 =	smul.u32 @!p0 $0xF7A, s2;
	p2 =	seq.s32 @!p0 s5, $0x0  }
0x1f: {  	s9 =	smul.u32 $0xF7A, s1;
	s8 =	simm.s32 @!p0 $0x1BF5;
	p2 =	por !p2, p0  }
0x20: {  	[sflag:s8] =	ssyncset.s32 @!p0 $0xFFFFF086;
	s6 =	sadd.s32 @!p0 s3, s7;
	s7 =	simm.s32 @!p0 $0x108  }
0x21: {  	s3 =	sadd.s32 s3, s9;
	s6 =	sadd.s32 @!p0 $0x88, s6;
	s7 =	simm.s32 @p2 $0x1082  }
0x22: {  	[simem:s7], [sflag:s8] =	dma.local @!p0 [hbm:s6], $0xF7A  }
0x23: {  	s9 =	sor.u32 $0xD0000000, s2;
	s6 =	simm.s32 $0x108;
	_ =	swait.ge @!p0 [sflag:s8], $0x0  }
0x24: {  	s3 =	sadd.s32 $0x88, s3;
	s6 =	simm.s32 @!p1 $0x1082;
	[sflag:s4] =	ssyncset.s32 $0xFFFFF086  }
0x25: {  	[simem:s6], [sflag:s4] =	dma.local [hbm:s3], $0xF7A  }
0x26: {  	[smem:$0x3F84] =	sst s1;
	(tag) =	ssettag s2;
	_ =	strace s9  }
0x27: {  	s1 =	sld [smem:$0x3F94]  }
0x28: {  	s2 =	sld [smem:$0x3F95]  }
0x29: {  	s4 =	sld [smem:$0x3F97]  }
0x2a: {  	p0 =	seq.s32 s5, $0x0;
	s5 =	sld [smem:$0x3F98]  }
0x2b: {  	s6 =	sld [smem:$0x3F99]  }
0x2c: {  	s7 =	sld [smem:$0x3F9A]  }
0x2d: {  	s3 =	simm.s32 $0x108;
	s8 =	sld [smem:$0x3F9B]  }
0x2e: {  	s3 =	simm.s32 @!p0 $0x1082;
	s9 =	sld [smem:$0x3F9C]  }
0x2f: {  	lr =	sadd.s32 s0, s3;
	s0 =	sld [smem:$0x3F93]  }
0x30: {  	s3 =	sld [smem:$0x3F96]  }
0x31: {  	[smem:$0x3F9F] =	sst s10  }
0x32: {  	s10 =	sld [smem:$0x3F9D];
	_ =	sdelay $0x3  }
0x33: {  	p0 =	seq.s32 s10, $0x1;
	s10 =	sld [smem:$0x3F9F];
	_ =	sdelay $0x3  }
0x34: {  	[smem:$0x3F9F] =	sst s10  }
0x35: {  	s10 =	sld [smem:$0x3F9E];
	_ =	sdelay $0x3  }
0x36: {  	p1 =	seq.s32 s10, $0x1;
	s10 =	sld [smem:$0x3F9F];
	_ =	sdelay $0x3  }
0x37: {  	[smem:$0x3F9F] =	sst s10  }
0x38: {  	s10 =	sld [smem:$0x3FA0]  }
0x39: {  	_ = 	snop;
	(pc) =	sbr.ind lr, $3  }
0x3a: {  	_ = 	snop  }
0x3b: {  	_ = 	snop  }
0x3c: {  	p2 =	seq.s32 s10, $0x1;
	s10 =	sld [smem:$0x3F9F]  }
0x3d: {  	_ =	shalt  }
0x3e: {  	_ =	shalt  }
0x3f: {  	_ =	shalt  }
0x40: {  	_ =	shalt  }
0x41: {  	_ =	shalt  }
0x42: {  	_ =	shalt  }
0x43: {  	_ =	shalt  }
0x44: {  	_ =	shalt  }
0x45: {  	_ =	shalt  }
0x46: {  	_ =	shalt  }
0x47: {  	_ =	shalt  }
0x48: {  	_ =	shalt  }
0x49: {  	_ =	shalt  }
0x4a: {  	_ =	shalt  }
0x4b: {  	_ =	shalt  }
0x4c: {  	_ =	shalt  }
0x4d: {  	_ =	shalt  }
0x4e: {  	_ =	shalt  }
0x4f: {  	_ =	shalt  }
0x50: {  	_ =	shalt  }
0x51: {  	_ =	shalt  }
0x52: {  	_ =	shalt  }
0x53: {  	_ =	shalt  }
0x54: {  	_ =	shalt  }
0x55: {  	_ =	shalt  }
0x56: {  	_ =	shalt  }
0x57: {  	_ =	shalt  }
0x58: {  	_ =	shalt  }
0x59: {  	_ =	shalt  }
0x5a: {  	_ =	shalt  }
0x5b: {  	_ =	shalt  }
0x5c: {  	_ =	shalt  }
0x5d: {  	_ =	shalt  }
0x5e: {  	_ =	shalt  }
0x5f: {  	_ =	shalt  }
0x60: {  	_ =	shalt  }
0x61: {  	_ =	shalt  }
0x62: {  	_ =	shalt  }
0x63: {  	_ =	shalt  }
0x64: {  	_ =	shalt  }
0x65: {  	_ =	shalt  }
0x66: {  	_ =	shalt  }
0x67: {  	_ =	shalt  }
0x68: {  	_ =	shalt  }
0x69: {  	_ =	shalt  }
0x6a: {  	_ =	shalt  }
0x6b: {  	_ =	shalt  }
0x6c: {  	_ =	shalt  }
0x6d: {  	_ =	shalt  }
0x6e: {  	_ =	shalt  }
0x6f: {  	_ =	shalt  }
0x70: {  	_ =	shalt  }
0x71: {  	_ =	shalt  }
0x72: {  	_ =	shalt  }
0x73: {  	_ =	shalt  }
0x74: {  	_ =	shalt  }
0x75: {  	_ =	shalt  }
0x76: {  	_ =	shalt  }
0x77: {  	_ =	shalt  }
0x78: {  	_ =	shalt  }
0x79: {  	_ =	shalt  }
0x7a: {  	_ =	shalt  }
0x7b: {  	_ =	shalt  }
0x7c: {  	_ =	shalt  }
0x7d: {  	_ =	shalt  }
0x7e: {  	_ =	shalt  }
0x7f: {  	_ =	shalt  }
0x80: {  	_ =	shalt  }
0x81: {  	_ =	shalt  }
0x82: {  	_ =	shalt  }
0x83: {  	_ =	shalt  }
0x84: {  	_ =	shalt  }
0x85: {  	_ =	shalt  }
0x86: {  	_ =	shalt  }
0x87: {  	_ =	shalt  }
.Lfunc_end0:
.L_simem_size_0:
called_computation.1_lowered:
.L_overlay_start_0:
0x88: {  	s2 =	sld [smem:$0x3FD9]  }
0x89: {  	s3 =	sld [smem:$0x3FFE];
	_ =	sdelay $0x1  }
0x8a: {  	s1 =	srdreg.scid  }
0x8b: {  	s0 =	sand.u32 $0x1, s1  }
0x8c: {  	s14 =	sshll.u32 s0, $0xA;
	s2 =	sadd.s32 s3, s2  }
0x8d: {  	s2 =	sadd.s32 s2, s14  }
0x8e: {  	[smem:$0x3FAB] =	sst s2  }
0x8f: {  	_ = 	snop  }
0x90: {  	s2 =	sld [smem:$0x3FD0];
	_ =	sdelay $0x2  }
0x91: {  	s15 =	simm.s32 $0xB;
	s4 =	simm.s32 $0x10  }
0x92: {  	[smem:s4], [sflag:s15] =	dma.local [hbm:s2], $0x1  }
0x93: {  	_ =	swait.eq [sflag:s15], $0x1  }
0x94: {  	[sflag:s15] =	ssyncset.done $0x0  }
0x95: {  	s16 =	sld [smem:$0x13];
	[sflag:s15] =	ssyncadd.s32 $0xFFFFFFFF  }
0x96: {  	s17 =	sld [smem:$0x14];
	(tm) =	ssettm $0x1  }
0x97: {  	s18 =	sld [smem:$0x3FFB];
	_ =	sdelay $0x3  }
0x98: {  	_ =	strace s18  }
0x99: {  	s4 =	sld [smem:$0x3FFC];
	_ =	sdelay $0x3  }
0x9a: {  	_ =	strace s4  }
0x9b: {  	s4 =	sld [smem:$0x3FFD];
	_ =	sdelay $0x3  }
0x9c: {  	_ =	strace s4  }
0x9d: {  	_ =	strace $0x8FFFFFFF  }
0x9e: {  	s19 =	sld [smem:$0x3FDB];
	_ =	sdelay $0x1  }
0x9f: {  	s5 =	simm.s32 $_scs_section_size  }
0xa0: {  	s6 =	simm.s32 $_size__tile_overlayer_lowered;
	s7 =	simm.s32 $_tile_overlayer_lowered  }
0xa1: {  	s22 =	simm.s32 $0x1BFF;
	s21 =	sshll.u32 s7, $0x1;
	s4 =	sadd.s32 s5, s19  }
0xa2: {  	s8 =	simm.s32 $0x0;
	s20 =	sshll.u32 s6, $0x1;
	s6 =	sadd.s32 s21, s4  }
0xa3: {  	[timem:s8], [sflag:s22] =	dma.local [hbm:s6], s20  }
0xa4: {  	_ =	swait.ge [sflag:s22], s20  }
0xa5: {  	s5 =	ssub.s32 $0x0, s20;
	[sflag:s22] =	ssyncset.done $0x0  }
0xa6: {  	[sflag:s22] =	ssyncadd.s32 s5;
	_ =	sdelay $0x1  }
0xa7: {  	s23 =	simm.s32 $0x1B8B  }
0xa8: {  	_ =	swait.ge [sflag:s23], $0x1  }
0xa9: {  	[sflag:s23] =	ssyncset.done $0x0  }
0xaa: {  	s25 =	simm.s32 $0x1B8E;
	s24 =	sld [smem:$0x3FFE];
	[sflag:s23] =	ssyncadd.s32 $0xFFFFFFFF  }
0xab: {  	s26 =	simm.s32 $execute0_lowered;
	[smem:$0x3FD2] =	sst s25  }
0xac: {  	s6 =	sshll.u32 s26, $0x1;
	_ =	strace $0x80000046;
	[dreg:$0x1] =	wrdreg $0xFFFFFFFF  }
0xad: {  	s28 =	simm.s32 $_size_execute0_lowered;
	s4 =	sadd.s32 s4, s6;
	[dreg:$0x0] =	wrdreg $0x0  }
0xae: {  	s6 =	sshll.u32 s28, $0x1;
	[dreg:$0x2] =	wrdreg s4  }
0xaf: {  	[dreg:$0x3] =	wrdreg s6  }
0xb0: {  	[dreg:$0x4] =	wrdreg $0xC0  }
0xb1: {  	_ =	task [dreg:s8], $0x5FFFF  }
0xb2: {  	[dreg:$0x1] =	wrdreg $0xFFFFFFFF  }
0xb3: {  	[dreg:$0x0] =	wrdreg $0x60  }
0xb4: {  	[dreg:$0x2] =	wrdreg s16  }
0xb5: {  	[dreg:$0x3] =	wrdreg s17  }
0xb6: {  	[dreg:$0x4] =	wrdreg s24  }
0xb7: {  	[dreg:$0x5] =	wrdreg $0x44000  }
0xb8: {  	[dreg:$0x6] =	wrdreg $0xA  }
0xb9: {  	_ =	task.clear_ibuf [dreg:s8], $0x7FFFF;
	_ =	strace $0x90000046  }
0xba: {  	s29 =	simm.s32 $0xA;
	_ =	strace $0x80000048  }
0xbb: {  	_ =	swait.ge [sflag:s29], $0x1  }
0xbc: {  	[sflag:s29] =	ssyncadd.s32 $0xFFFFFFFF  }
0xbd: {  	_ =	strace $0x90000048  }
0xbe: {  	_ =	sfence  }
0xbf: {  	s30 =	sld [smem:$0x0];
	_ =	sdelay $0x2  }
0xc0: {  	s31 =	sshll.u32 s1, $0xD;
	s1 =	sshrl.u32 s1, $0x2  }
0xc1: {  	s3 =	sand.u32 $0x4000, s31;
	s1 =	sadd.s32 s1, s30  }
0xc2: {  	s0 =	sor.u32 s3, s0;
	s1 =	sshll.u32 s1, $0x11  }
0xc3: {  	s0 =	sor.u32 s1, s0  }
0xc4: {  	s0 =	sadd.s32 $0x8F2B, s0  }
0xc5: {  	[sflag:s0] =	ssyncadd.remote.s32 $0x1  }
0xc6: {  	_ =	sfence.sel $0xFFFF  }
0xc7: {  	[dreg:$0x0] =	wrdreg $0xFFFFFFFF;
	(pc) =	sbr.abs _section_cstart, $3  }
0xc8: {  	[dreg:$0x1] =	wrdreg $0xFFFFFFFF  }
0xc9: {  	_ =	task.clear_ibuf [dreg:s8], $0x2FFFF;
	_ =	strace $0x9FFFFFFF  }
0xca: {  	(tm) =	ssettm $0x7FFFFFFF  }
0xcb: {  	_ =	shalt  }
tec
execute0_lowered:
.L_overlay_start_1:
0x0: {  	(tag) =	ssettag $0x1  }
0x1: {  	s1 =	rddreg [dreg:$0x0]  }
0x2: {  	s2 =	rddreg [dreg:$0x1]  }
0x3: {  	s8 =	rddreg [dreg:$0x2]  }
0x4: {  	s3 =	rddreg [dreg:$0x3]  }
0x5: {  	s4 =	srdreg.scid;
	s0 =	rddreg [dreg:$0x4];
	s5 =	simm.s32 $0x0  }
0x6: {  	s13 =	simm.s32 $0x2;
	s14 =	simm.s32 $0x200;
	s15 =	simm.s32 $0x1  }
0x7: {  	s16 =	simm.s32 $0x280;
	s17 =	simm.s32 $0x100;
	s18 =	simm.s32 $0x300  }
0x8: {  	s19 =	simm.s32 $0x180;
	s20 =	simm.s32 $0x380;
	s7 =	sand.u32 $0x1, s4  }
0x9: {  	s21 =	simm.s32 $0x0;
	s4 =	stileid.u32;
	s9 =	smul.u32 $0x140000, s7  }
0xa: {  	[smem:$0x7FF] =	sst s5;
	s6 =	sadd.s32 $0x23A00, s8;
	s10 =	smul.u32 $0x14000, s4  }
0xb: {  	_ =	strace $0x80000047;
	s30 =	ssub.s32 $0x2, s7;
	s7 =	sshll.u32 s7, $0x4  }
0xc: {  	s11 =	sshrl.u32 s30, $0x1;
	s31 =	sor.u32 s4, s7;
	s9 =	sadd.s32 s10, s9  }
0xd: {  	s7 =	smul.u32 $0x280, s4;
	s10 =	ssub.s32 s30, s11;
	s9 =	sshrl.u32 s9, $0x3  }
0xe: {  	s11 =	simm.s32 $0x80;
	s12 =	sadd.s32 s9, s8;
	s8 =	smul.u32 $0x2800, s31  }
0xf: {  	v0 =	vimm.f32 $0.0e+00;
	v1 =	vlaneseq.u32;
	s9 =	smax.u32 s10, $0x1;
	s10 =	sadd.s32 $0x4BA00, s12;
	s12 =	simm.s32 $0x400  }
.LBB2_1:
0x10: {  	s22 =	simm.s32 $0x0;
	s23 =	simm.s32 $0x200  }
.LBB2_2:
0x11: {  	p0 =	sne.s32 s23, $0xFE00;
	[tilespmem:s22+$0x470] =	vst v0  }
0x12: {  	[tilespmem:s22+$0x400] =	vst v0  }
0x13: {  	[tilespmem:s22+$0x410] =	vst v0  }
.Ltmp0:
0x14: {  	[tilespmem:s22+$0x420] =	vst v0;
	(pc) =	sbr.rel @p0 .LBB2_2-.Ltmp0, $4  }
0x15: {  	[tilespmem:s22+$0x430] =	vst v0  }
0x16: {  	[tilespmem:s22+$0x440] =	vst v0  }
0x17: {  	[tilespmem:s22+$0x450] =	vst v0  }
0x18: {  	[tilespmem:s22+$0x460] =	vst v0;
	s22 =	sshra.s32 s23, $0x2;
	s23 =	sadd.s32 $0x200, s23  }
0x19: {  	[tilespmem:s22+$0x470] =	vst v0  }
0x1a: {  	[tilespmem:s22+$0x400] =	vst v0  }
0x1b: {  	[tilespmem:s22+$0x410] =	vst v0  }
0x1c: {  	[tilespmem:s22+$0x420] =	vst v0  }
0x1d: {  	[tilespmem:s22+$0x430] =	vst v0  }
0x1e: {  	[tilespmem:s22+$0x440] =	vst v0  }
0x1f: {  	[tilespmem:s22+$0x450] =	vst v0;
	s23 =	sadd.s32 $0x0, s7  }
0x20: {  	[tilespmem:s22+$0x460] =	vst v0;
	v2 =	vor.u32 s23, v1;
	s26 =	sadd.s32 $0x70, s23  }
0x21: {  	s24 =	sadd.s32 $0x60, s23;
	[tilespmem:$0x0] =	vst v2;
	v2 =	vor.u32 s26, v1  }
0x22: {  	s30 =	sadd.s32 $0x30, s23;
	v3 =	vor.u32 s24, v1;
	[tilespmem:$0x70] =	vst v2  }
0x23: {  	s28 =	sadd.s32 $0x50, s23;
	v4 =	vor.u32 s30, v1;
	[tilespmem:$0x60] =	vst v3  }
0x24: {  	s29 =	sadd.s32 $0x40, s23;
	v2 =	vor.u32 s28, v1;
	[tilespmem:$0x30] =	vst v4  }
0x25: {  	s31 =	sadd.s32 $0x20, s23;
	v3 =	vor.u32 s29, v1;
	[tilespmem:$0x50] =	vst v2  }
0x26: {  	s22 =	simm.s32 $0x80;
	s23 =	sadd.s32 $0x10, s23;
	[tilespmem:$0x40] =	vst v3;
	v2 =	vor.u32 s31, v1  }
.LBB2_4:
0x27: {  	p0 =	sne.s32 s22, $0x200;
	v3 =	vor.u32 s23, v1;
	[tilespmem:$0x20] =	vst v2  }
0x28: {  	[tilespmem:$0x10] =	vst v3;
	[spmem:s3] =	stream.indirect.scatter [tilespmem:s12], [sflag:$0x2], $0x80, s5, s11, $0xb8  }
0x29: {  	_ =	swait.ge [sflag:s13], $0x4000  }
0x2a: {  	s23 =	sadd.s32 s22, s7;
	[sflag:s13] =	ssyncset.done $0x0  }
0x2b: {  	v2 =	vor.u32 s23, v1;
	s24 =	sadd.s32 $0x70, s23;
	[sflag:s13] =	ssyncadd.s32 $0xFFFFC000  }
0x2c: {  	s25 =	sadd.s32 $0x60, s23;
	[tilespmem:$0x0] =	vst v2;
	v2 =	vor.u32 s24, v1  }
.Ltmp1:
0x2d: {  	v3 =	vor.u32 s25, v1;
	s24 =	sadd.s32 $0x50, s23;
	[tilespmem:$0x70] =	vst v2;
	(pc) =	sbr.rel @p0 .LBB2_4-.Ltmp1, $4  }
0x2e: {  	s25 =	sadd.s32 $0x40, s23;
	v2 =	vor.u32 s24, v1;
	[tilespmem:$0x60] =	vst v3  }
0x2f: {  	s24 =	sadd.s32 $0x30, s23;
	v3 =	vor.u32 s25, v1;
	[tilespmem:$0x50] =	vst v2  }
0x30: {  	s25 =	sadd.s32 $0x20, s23;
	v4 =	vor.u32 s24, v1;
	[tilespmem:$0x40] =	vst v3  }
0x31: {  	s22 =	sadd.s32 $0x80, s22;
	s23 =	sadd.s32 $0x10, s23;
	v2 =	vor.u32 s25, v1;
	[tilespmem:$0x30] =	vst v4  }
0x32: {  	v3 =	vor.u32 s23, v1;
	[tilespmem:$0x20] =	vst v2;
	s22 =	simm.s32 $0x0  }
0x33: {  	[tilespmem:$0x10] =	vst v3;
	s28 =	sand.u32 $0x3C00, s22  }
0x34: {  	[spmem:s3] =	stream.indirect.scatter [tilespmem:s12], [sflag:$0x2], $0x80, s5, s11, $0xb8;
	[tilespmem:$0x18400] =	vst v63  }
0x35: {  	s22 =	sand.u32 $0x200, s22;
	s23 =	sadd.s32 s8, s28;
	_ =	swait.ge [sflag:s13], $0x4000  }
0x36: {  	s22 =	sor.u32 s22, s23;
	[sflag:s13] =	ssyncset.done $0x0  }
0x37: {  	s22 =	sshrl.u32 s22, $0x3;
	[sflag:s13] =	ssyncadd.s32 $0xFFFFC000  }
0x38: {  	s29 =	sadd.s32 s1, s22;
	[bflag:$0x0] =	sbarrier.arrive $0xFFFF  }
0x39: {  	[tilespmem:s5], [sflag:$0x2] =	stream.linear.gather [hbm4b:s29+s5], $0x200, $0x38;
	[tilespmem:$0x18400] =	vst v63  }
0x3a: {  	_ =	swait.ge [sflag:s13], $0x200  }
0x3b: {  	[sflag:s13] =	ssyncset.done $0x0  }
0x3c: {  	s22 =	sadd.s32 s2, s22;
	[sflag:s13] =	ssyncadd.s32 $0xFFFFFE00  }
0x3d: {  	[tilespmem:s14], [sflag:$0x2] =	stream.linear.gather [hbm4b:s22+s5], $0x200, $0x38;
	[tilespmem:$0x18400] =	vst v63  }
0x3e: {  	_ =	swait.ge [sflag:s13], $0x200  }
0x3f: {  	[sflag:s13] =	ssyncset.done $0x0  }
0x40: {  	[sflag:s13] =	ssyncadd.s32 $0xFFFFFE00  }
0x41: {  	[tilespmem:s12], [sflag:$0x1] =	stream.indirect.gather [hbm4b:s6+s11], $0x80, s5, s11, $0xb8;
	[tilespmem:$0x18400] =	vst v63  }
0x42: {  	_ =	swait.ge [sflag:s15], $0x4000  }
0x43: {  	[sflag:s15] =	ssyncset.done $0x0  }
0x44: {  	[sflag:s15] =	ssyncadd.s32 $0xFFFFC000  }
0x45: {  	[spmem:s3] =	stream.indirect.scatter.add.f32 [tilespmem:s12], [sflag:$0x2], $0x80, s14, s11, $0xb8;
	[tilespmem:$0x18400] =	vst v63  }
0x46: {  	_ =	swait.ge [sflag:s13], $0x4000  }
0x47: {  	[sflag:s13] =	ssyncset.done $0x0  }
0x48: {  	[sflag:s13] =	ssyncadd.s32 $0xFFFFC000  }
0x49: {  	[tilespmem:s12], [sflag:$0x1] =	stream.indirect.gather [hbm4b:s6+s11], $0x80, s11, s11, $0xb8;
	[tilespmem:$0x18400] =	vst v63  }
0x4a: {  	_ =	swait.ge [sflag:s15], $0x4000  }
0x4b: {  	[sflag:s15] =	ssyncset.done $0x0  }
0x4c: {  	[sflag:s15] =	ssyncadd.s32 $0xFFFFC000  }
0x4d: {  	[spmem:s3] =	stream.indirect.scatter.add.f32 [tilespmem:s12], [sflag:$0x2], $0x80, s16, s11, $0xb8;
	[tilespmem:$0x18400] =	vst v63  }
0x4e: {  	_ =	swait.ge [sflag:s13], $0x4000  }
0x4f: {  	[sflag:s13] =	ssyncset.done $0x0  }
0x50: {  	[sflag:s13] =	ssyncadd.s32 $0xFFFFC000  }
0x51: {  	[tilespmem:s12], [sflag:$0x1] =	stream.indirect.gather [hbm4b:s6+s11], $0x80, s17, s11, $0xb8;
	[tilespmem:$0x18400] =	vst v63  }
0x52: {  	_ =	swait.ge [sflag:s15], $0x4000  }
0x53: {  	[sflag:s15] =	ssyncset.done $0x0  }
0x54: {  	[sflag:s15] =	ssyncadd.s32 $0xFFFFC000  }
0x55: {  	[spmem:s3] =	stream.indirect.scatter.add.f32 [tilespmem:s12], [sflag:$0x2], $0x80, s18, s11, $0xb8;
	[tilespmem:$0x18400] =	vst v63  }
0x56: {  	_ =	swait.ge [sflag:s13], $0x4000  }
0x57: {  	[sflag:s13] =	ssyncset.done $0x0  }
0x58: {  	[sflag:s13] =	ssyncadd.s32 $0xFFFFC000  }
0x59: {  	[tilespmem:s12], [sflag:$0x1] =	stream.indirect.gather [hbm4b:s6+s11], $0x80, s19, s11, $0xb8;
	[tilespmem:$0x18400] =	vst v63  }
0x5a: {  	_ =	swait.ge [sflag:s15], $0x4000  }
0x5b: {  	s30 =	simm.s32 $0x200;
	[sflag:s15] =	ssyncset.done $0x0  }
0x5c: {  	s31 =	sand.u32 $0x3C00, s30;
	[sflag:s15] =	ssyncadd.s32 $0xFFFFC000  }
0x5d: {  	[spmem:s3] =	stream.indirect.scatter.add.f32 [tilespmem:s12], [sflag:$0x2], $0x80, s20, s11, $0xb8;
	[tilespmem:$0x18400] =	vst v63  }
0x5e: {  	s23 =	sadd.s32 s8, s31;
	s22 =	sand.u32 $0x200, s30;
	_ =	swait.ge [sflag:s13], $0x4000  }
0x5f: {  	s24 =	simm.s32 $0x400;
	s23 =	sor.u32 s22, s23;
	[sflag:s13] =	ssyncset.done $0x0  }
.LBB2_6:
0x60: {  	s25 =	sshrl.u32 s23, $0x3  }
0x61: {  	[sflag:s13] =	ssyncadd.s32 $0xFFFFC000;
	s23 =	smov.u32 s24;
	s22 =	sadd.s32 $0x200, s24  }
0x62: {  	p0 =	sne.s32 s24, $0x2600;
	s24 =	sadd.s32 s1, s25  }
0x63: {  	[tilespmem:s5], [sflag:$0x2] =	stream.linear.gather [hbm4b:s24+s5], $0x200, $0x38;
	[tilespmem:$0x18400] =	vst v63  }
0x64: {  	_ =	swait.ge [sflag:s13], $0x200  }
0x65: {  	[sflag:s13] =	ssyncset.done $0x0  }
0x66: {  	s24 =	sadd.s32 s2, s25;
	[sflag:s13] =	ssyncadd.s32 $0xFFFFFE00  }
0x67: {  	[tilespmem:s14], [sflag:$0x2] =	stream.linear.gather [hbm4b:s24+s5], $0x200, $0x38;
	[tilespmem:$0x18400] =	vst v63  }
0x68: {  	_ =	swait.ge [sflag:s13], $0x200  }
0x69: {  	[sflag:s13] =	ssyncset.done $0x0  }
0x6a: {  	[sflag:s13] =	ssyncadd.s32 $0xFFFFFE00  }
0x6b: {  	[tilespmem:s12], [sflag:$0x1] =	stream.indirect.gather [hbm4b:s6+s11], $0x80, s5, s11, $0xb8;
	[tilespmem:$0x18400] =	vst v63  }
0x6c: {  	_ =	swait.ge [sflag:s15], $0x4000  }
0x6d: {  	[sflag:s15] =	ssyncset.done $0x0  }
0x6e: {  	[sflag:s15] =	ssyncadd.s32 $0xFFFFC000  }
0x6f: {  	[spmem:s3] =	stream.indirect.scatter.add.f32 [tilespmem:s12], [sflag:$0x2], $0x80, s14, s11, $0xb8;
	[tilespmem:$0x18400] =	vst v63  }
0x70: {  	_ =	swait.ge [sflag:s13], $0x4000  }
0x71: {  	[sflag:s13] =	ssyncset.done $0x0  }
0x72: {  	[sflag:s13] =	ssyncadd.s32 $0xFFFFC000  }
0x73: {  	[tilespmem:s12], [sflag:$0x1] =	stream.indirect.gather [hbm4b:s6+s11], $0x80, s11, s11, $0xb8;
	[tilespmem:$0x18400] =	vst v63  }
0x74: {  	_ =	swait.ge [sflag:s15], $0x4000  }
0x75: {  	[sflag:s15] =	ssyncset.done $0x0  }
0x76: {  	[sflag:s15] =	ssyncadd.s32 $0xFFFFC000  }
0x77: {  	[spmem:s3] =	stream.indirect.scatter.add.f32 [tilespmem:s12], [sflag:$0x2], $0x80, s16, s11, $0xb8;
	[tilespmem:$0x18400] =	vst v63  }
0x78: {  	_ =	swait.ge [sflag:s13], $0x4000  }
0x79: {  	[sflag:s13] =	ssyncset.done $0x0  }
0x7a: {  	[sflag:s13] =	ssyncadd.s32 $0xFFFFC000  }
0x7b: {  	[tilespmem:s12], [sflag:$0x1] =	stream.indirect.gather [hbm4b:s6+s11], $0x80, s17, s11, $0xb8;
	[tilespmem:$0x18400] =	vst v63  }
0x7c: {  	_ =	swait.ge [sflag:s15], $0x4000  }
0x7d: {  	[sflag:s15] =	ssyncset.done $0x0  }
0x7e: {  	[sflag:s15] =	ssyncadd.s32 $0xFFFFC000  }
0x7f: {  	[spmem:s3] =	stream.indirect.scatter.add.f32 [tilespmem:s12], [sflag:$0x2], $0x80, s18, s11, $0xb8;
	[tilespmem:$0x18400] =	vst v63  }
0x80: {  	_ =	swait.ge [sflag:s13], $0x4000  }
0x81: {  	[sflag:s13] =	ssyncset.done $0x0  }
0x82: {  	[sflag:s13] =	ssyncadd.s32 $0xFFFFC000  }
0x83: {  	[tilespmem:s12], [sflag:$0x1] =	stream.indirect.gather [hbm4b:s6+s11], $0x80, s19, s11, $0xb8;
	[tilespmem:$0x18400] =	vst v63  }
0x84: {  	_ =	swait.ge [sflag:s15], $0x4000  }
.Ltmp2:
0x85: {  	[sflag:s15] =	ssyncset.done $0x0;
	(pc) =	sbr.rel @p0 .LBB2_6-.Ltmp2, $4  }
0x86: {  	s24 =	sand.u32 $0x3C00, s23;
	[sflag:s15] =	ssyncadd.s32 $0xFFFFC000  }
0x87: {  	[spmem:s3] =	stream.indirect.scatter.add.f32 [tilespmem:s12], [sflag:$0x2], $0x80, s20, s11, $0xb8;
	[tilespmem:$0x18400] =	vst v63  }
0x88: {  	s23 =	sand.u32 $0x200, s23;
	s24 =	sadd.s32 s8, s24;
	_ =	swait.ge [sflag:s13], $0x4000  }
0x89: {  	s23 =	sor.u32 s23, s24;
	s24 =	smov.u32 s22;
	[sflag:s13] =	ssyncset.done $0x0  }
0x8a: {  	s22 =	sshrl.u32 s23, $0x3  }
0x8b: {  	[sflag:s13] =	ssyncadd.s32 $0xFFFFC000;
	s23 =	sadd.s32 s1, s22  }
0x8c: {  	[tilespmem:s5], [sflag:$0x2] =	stream.linear.gather [hbm4b:s23+s5], $0x200, $0x38;
	[tilespmem:$0x18400] =	vst v63  }
0x8d: {  	_ =	swait.ge [sflag:s13], $0x200  }
0x8e: {  	[sflag:s13] =	ssyncset.done $0x0  }
0x8f: {  	s22 =	sadd.s32 s2, s22;
	[sflag:s13] =	ssyncadd.s32 $0xFFFFFE00  }
0x90: {  	[tilespmem:s14], [sflag:$0x2] =	stream.linear.gather [hbm4b:s22+s5], $0x200, $0x38;
	[tilespmem:$0x18400] =	vst v63  }
0x91: {  	_ =	swait.ge [sflag:s13], $0x200  }
0x92: {  	[sflag:s13] =	ssyncset.done $0x0  }
0x93: {  	[sflag:s13] =	ssyncadd.s32 $0xFFFFFE00  }
0x94: {  	[tilespmem:s12], [sflag:$0x1] =	stream.indirect.gather [hbm4b:s6+s11], $0x80, s5, s11, $0xb8;
	[tilespmem:$0x18400] =	vst v63  }
0x95: {  	_ =	swait.ge [sflag:s15], $0x4000  }
0x96: {  	[sflag:s15] =	ssyncset.done $0x0  }
0x97: {  	[sflag:s15] =	ssyncadd.s32 $0xFFFFC000  }
0x98: {  	[spmem:s3] =	stream.indirect.scatter.add.f32 [tilespmem:s12], [sflag:$0x2], $0x80, s14, s11, $0xb8;
	[tilespmem:$0x18400] =	vst v63  }
0x99: {  	_ =	swait.ge [sflag:s13], $0x4000  }
0x9a: {  	[sflag:s13] =	ssyncset.done $0x0  }
0x9b: {  	[sflag:s13] =	ssyncadd.s32 $0xFFFFC000  }
0x9c: {  	[tilespmem:s12], [sflag:$0x1] =	stream.indirect.gather [hbm4b:s6+s11], $0x80, s11, s11, $0xb8;
	[tilespmem:$0x18400] =	vst v63  }
0x9d: {  	_ =	swait.ge [sflag:s15], $0x4000  }
0x9e: {  	[sflag:s15] =	ssyncset.done $0x0  }
0x9f: {  	[sflag:s15] =	ssyncadd.s32 $0xFFFFC000  }
0xa0: {  	[spmem:s3] =	stream.indirect.scatter.add.f32 [tilespmem:s12], [sflag:$0x2], $0x80, s16, s11, $0xb8;
	[tilespmem:$0x18400] =	vst v63  }
0xa1: {  	_ =	swait.ge [sflag:s13], $0x4000  }
0xa2: {  	[sflag:s13] =	ssyncset.done $0x0  }
0xa3: {  	[sflag:s13] =	ssyncadd.s32 $0xFFFFC000  }
0xa4: {  	[tilespmem:s12], [sflag:$0x1] =	stream.indirect.gather [hbm4b:s6+s11], $0x80, s17, s11, $0xb8;
	[tilespmem:$0x18400] =	vst v63  }
0xa5: {  	_ =	swait.ge [sflag:s15], $0x4000  }
0xa6: {  	[sflag:s15] =	ssyncset.done $0x0  }
0xa7: {  	[sflag:s15] =	ssyncadd.s32 $0xFFFFC000  }
0xa8: {  	[spmem:s3] =	stream.indirect.scatter.add.f32 [tilespmem:s12], [sflag:$0x2], $0x80, s18, s11, $0xb8;
	[tilespmem:$0x18400] =	vst v63  }
0xa9: {  	_ =	swait.ge [sflag:s13], $0x4000  }
0xaa: {  	[sflag:s13] =	ssyncset.done $0x0  }
0xab: {  	[sflag:s13] =	ssyncadd.s32 $0xFFFFC000  }
0xac: {  	[tilespmem:s12], [sflag:$0x1] =	stream.indirect.gather [hbm4b:s6+s11], $0x80, s19, s11, $0xb8;
	[tilespmem:$0x18400] =	vst v63  }
0xad: {  	_ =	swait.ge [sflag:s15], $0x4000  }
0xae: {  	[sflag:s15] =	ssyncset.done $0x0  }
0xaf: {  	[sflag:s15] =	ssyncadd.s32 $0xFFFFC000  }
0xb0: {  	[spmem:s3] =	stream.indirect.scatter.add.f32 [tilespmem:s12], [sflag:$0x2], $0x80, s20, s11, $0xb8;
	[tilespmem:$0x18400] =	vst v63  }
0xb1: {  	_ =	swait.ge [sflag:s13], $0x4000  }
0xb2: {  	[sflag:s13] =	ssyncset.done $0x0  }
0xb3: {  	s25 =	sadd.s32 $0x0, s7;
	[sflag:s13] =	ssyncadd.s32 $0xFFFFC000  }
0xb4: {  	v2 =	vor.u32 s25, v1;
	s24 =	sadd.s32 $0x20, s25;
	[bflag:$0x0] =	sbarrier.arrive $0xFFFF  }
0xb5: {  	s26 =	sadd.s32 $0x10, s25;
	v3 =	vor.u32 s24, v1;
	[tilespmem:$0x0] =	vst v2  }
0xb6: {  	s30 =	sadd.s32 $0x40, s25;
	v2 =	vor.u32 s26, v1;
	[tilespmem:$0x20] =	vst v3  }
0xb7: {  	s28 =	sadd.s32 $0x70, s25;
	v3 =	vor.u32 s30, v1;
	[tilespmem:$0x10] =	vst v2  }
0xb8: {  	s22 =	sadd.s32 $0x30, s25;
	v2 =	vor.u32 s28, v1;
	[tilespmem:$0x40] =	vst v3  }
0xb9: {  	s29 =	sadd.s32 $0x50, s25;
	v3 =	vor.u32 s22, v1;
	[tilespmem:$0x70] =	vst v2  }
0xba: {  	s31 =	sadd.s32 $0x60, s25;
	v2 =	vor.u32 s29, v1;
	[tilespmem:$0x30] =	vst v3  }
0xbb: {  	[tilespmem:$0x50] =	vst v2;
	v2 =	vor.u32 s31, v1  }
0xbc: {  	s24 =	smov.u32 s10;
	s23 =	smov.u32 s10;
	s22 =	simm.s32 $0x80;
	[tilespmem:$0x60] =	vst v2  }
0xbd: {  	[tilespmem:s12], [sflag:$0x1] =	stream.indirect.gather [spmem:s3], $0x80, s5, s11, $0xb8;
	[tilespmem:$0x18400] =	vst v63  }
.LBB2_8:
0xbe: {  	p0 =	sne.s32 s22, $0x200;
	_ =	swait.ge [sflag:s15], $0x4000;
	s24 =	sadd.s32 $0x800, s24  }
0xbf: {  	s25 =	smov.u32 s22;
	s22 =	sadd.s32 $0x80, s22;
	[sflag:s15] =	ssyncset.done $0x0  }
0xc0: {  	[sflag:s15] =	ssyncadd.s32 $0xFFFFC000  }
0xc1: {  	[hbm4b:s23+s5] =	stream.linear.scatter [tilespmem:s12], [sflag:$0x2], $0x4000, $0x38;
	[tilespmem:$0x18400] =	vst v63  }
0xc2: {  	s23 =	smov.u32 s24;
	_ =	swait.ge [sflag:s13], $0x4000  }
0xc3: {  	s25 =	sadd.s32 s25, s7;
	[sflag:s13] =	ssyncset.done $0x0  }
0xc4: {  	v2 =	vor.u32 s25, v1;
	s26 =	sadd.s32 $0x10, s25;
	s28 =	sadd.s32 $0x20, s25;
	[sflag:s13] =	ssyncadd.s32 $0xFFFFC000  }
0xc5: {  	s29 =	sadd.s32 $0x70, s25;
	v3 =	vor.u32 s28, v1;
	s28 =	sadd.s32 $0x50, s25;
	[tilespmem:$0x0] =	vst v2;
	v2 =	vor.u32 s26, v1;
	s26 =	sadd.s32 $0x40, s25  }
0xc6: {  	s30 =	sadd.s32 $0x30, s25;
	v5 =	vor.u32 s29, v1;
	v4 =	vor.u32 s28, v1;
	s25 =	sadd.s32 $0x60, s25;
	[tilespmem:$0x10] =	vst v2;
	v2 =	vor.u32 s26, v1  }
0xc7: {  	v6 =	vor.u32 s30, v1;
	v7 =	vor.u32 s25, v1;
	[tilespmem:$0x70] =	vst v5  }
0xc8: {  	[tilespmem:$0x20] =	vst v3  }
.Ltmp3:
0xc9: {  	[tilespmem:$0x50] =	vst v4;
	(pc) =	sbr.rel @p0 .LBB2_8-.Ltmp3, $4  }
0xca: {  	[tilespmem:$0x40] =	vst v2  }
0xcb: {  	[tilespmem:$0x60] =	vst v7  }
0xcc: {  	[tilespmem:$0x30] =	vst v6  }
0xcd: {  	[tilespmem:s12], [sflag:$0x1] =	stream.indirect.gather [spmem:s3], $0x80, s5, s11, $0xb8;
	[tilespmem:$0x18400] =	vst v63  }
0xce: {  	_ =	swait.ge [sflag:s15], $0x4000;
	s21 =	sadd.s32 $0x1, s21  }
0xcf: {  	[sflag:s15] =	ssyncset.done $0x0;
	p0 =	sne.s32 s21, s9  }
.Ltmp4:
0xd0: {  	[sflag:s15] =	ssyncadd.s32 $0xFFFFC000;
	(pc) =	sbr.rel @p0 .LBB2_1-.Ltmp4, $4  }
0xd1: {  	[hbm4b:s23+s5] =	stream.linear.scatter [tilespmem:s12], [sflag:$0x2], $0x4000, $0x38;
	[tilespmem:$0x18400] =	vst v63  }
0xd2: {  	_ =	swait.ge [sflag:s13], $0x4000  }
0xd3: {  	[sflag:s13] =	ssyncset.done $0x0  }
0xd4: {  	[sflag:s13] =	ssyncadd.s32 $0xFFFFC000  }
0xd5: {  	_ =	sfence.sel $0x180000  }
0xd6: {  	[bflag:$0x0] =	sbarrier.arrive $0xFFFF  }
0xd7: {  	p0 =	sne.s32 s4, $0x0;
	_ =	strace $0x90000047  }
0xd8: {  	s0 =	sadd.s32 @!p0 $0x100000, s0;
	[bflag:$0x2] =	sbarrier.arrive $0xFFFF  }
0xd9: {  	[sflag:s0] =	ssyncadd.tile.s32 @!p0 $0x1;
	_ =	shalt  }
.Lfunc_end2:
_tile_overlayer_lowered:
.L_overlay_start_2:
0xda: {  	(tag) =	ssettag $0x2  }
0xdb: {  	s0 =	rddreg [dreg:$0x0];
	s2 =	stileid.u32  }
0xdc: {  	s1 =	rddreg [dreg:$0x1];
	p0 =	sne.s32 s2, $0x0  }
0xdd: {  	s3 =	rddreg [dreg:$0x2];
	[bflag:$0x3] =	sbarrier.arrive $0xFFFF;
	s2 =	simm.s32 @!p0 $0x1C02  }
0xde: {  	[timem:s3], [sflag:s2] =	dma.local @!p0 [hbm:s0], s1  }
0xdf: {  	s0 =	simm.s32 @!p0 $0x2  }
0xe0: {  	_ =	swait.ge @!p0 [sflag:s0], s1  }
0xe1: {  	s1 =	ssub.s32 @!p0 $0x0, s1;
	[sflag:s0] =	ssyncset.done @!p0 $0x0  }
0xe2: {  	[sflag:s0] =	ssyncadd.s32 @!p0 s1  }
0xe3: {  	[bflag:$0x3] =	sbarrier.arrive $0xFFFF  }
0xe4: {  	_ =	shalt  }

// kernel: kernel.15.cloned.1.call-start
scs
__scs_entry_jumppad:
0x0: {  	(pc) =	sbr.rel $0x88, $3  }
0x1: {  	(tag) =	ssettag $0x0;
	lr =	simm.s32 $0x1  }
0x2: {  	[smem:$0x3F84] =	sst lr;
	_ =	strace $0xD0000000  }
0x3: {  	_ = 	snop  }
0x4: {  	_ = 	snop  }
0x5: {  	_ = 	snop  }
0x6: {  	_ = 	snop  }
0x7: {  	_ = 	snop  }
__scs_overlays_trampoline_lowered:
0x8: {  	[smem:$0x3F93] =	sst s0  }
0x9: {  	[smem:$0x3F94] =	sst s1  }
0xa: {  	[smem:$0x3F95] =	sst s2  }
0xb: {  	[smem:$0x3F96] =	sst s3  }
0xc: {  	[smem:$0x3F97] =	sst s4  }
0xd: {  	[smem:$0x3F98] =	sst s5  }
0xe: {  	[smem:$0x3F99] =	sst s6  }
0xf: {  	[smem:$0x3F9A] =	sst s7  }
0x10: {  	[smem:$0x3F9B] =	sst s8  }
0x11: {  	[smem:$0x3F9C] =	sst s9;
	s0 =	simm.s32 @!p0 $0x0  }
0x12: {  	s1 =	sld [smem:$0x3F82];
	s0 =	simm.s32 @p0 $0x1  }
0x13: {  	[smem:$0x3F9D] =	sst s0;
	s0 =	simm.s32 @!p1 $0x0  }
0x14: {  	s2 =	sld [smem:$0x3F81];
	s0 =	simm.s32 @p1 $0x1  }
0x15: {  	[smem:$0x3F9E] =	sst s0;
	s0 =	simm.s32 @!p2 $0x0  }
0x16: {  	s3 =	sld [smem:$0x3FDB];
	s0 =	simm.s32 @p2 $0x1  }
0x17: {  	s4 =	simm.s32 $0x1BF5;
	[smem:$0x3FA0] =	sst s0  }
0x18: {  	s0 =	sld [smem:$0x3F83];
	_ =	swait.ge [sflag:s4], $0x0  }
0x19: {  	s7 =	sld [smem:$0x3F84]  }
0x1a: {  	s8 =	sadd.s32 $0xFFFFE003, lr  }
0x1b: {  	s9 =	sadd.s32 $0xFFFFFEF7, lr;
	s5 =	simm.s32 $0xFFFFFFFF;
	p2 =	slt.u32 s8, $0xFFFFF086  }
0x1c: {  	p1 =	slt.u32 s9, $0xF7A;
	s5 =	simm.s32 @!p2 $0x0  }
0x1d: {  	s5 =	simm.s32 @p1 $0x1;
	p0 =	seq.s32 s7, s2  }
0x1e: {  	s7 =	smul.u32 @!p0 $0xF7A, s2;
	p2 =	seq.s32 @!p0 s5, $0x0  }
0x1f: {  	s9 =	smul.u32 $0xF7A, s1;
	s8 =	simm.s32 @!p0 $0x1BF5;
	p2 =	por !p2, p0  }
0x20: {  	[sflag:s8] =	ssyncset.s32 @!p0 $0xFFFFF086;
	s6 =	sadd.s32 @!p0 s3, s7;
	s7 =	simm.s32 @!p0 $0x108  }
0x21: {  	s3 =	sadd.s32 s3, s9;
	s6 =	sadd.s32 @!p0 $0x88, s6;
	s7 =	simm.s32 @p2 $0x1082  }
0x22: {  	[simem:s7], [sflag:s8] =	dma.local @!p0 [hbm:s6], $0xF7A  }
0x23: {  	s9 =	sor.u32 $0xD0000000, s2;
	s6 =	simm.s32 $0x108;
	_ =	swait.ge @!p0 [sflag:s8], $0x0  }
0x24: {  	s3 =	sadd.s32 $0x88, s3;
	s6 =	simm.s32 @!p1 $0x1082;
	[sflag:s4] =	ssyncset.s32 $0xFFFFF086  }
0x25: {  	[simem:s6], [sflag:s4] =	dma.local [hbm:s3], $0xF7A  }
0x26: {  	[smem:$0x3F84] =	sst s1;
	(tag) =	ssettag s2;
	_ =	strace s9  }
0x27: {  	s1 =	sld [smem:$0x3F94]  }
0x28: {  	s2 =	sld [smem:$0x3F95]  }
0x29: {  	s4 =	sld [smem:$0x3F97]  }
0x2a: {  	p0 =	seq.s32 s5, $0x0;
	s5 =	sld [smem:$0x3F98]  }
0x2b: {  	s6 =	sld [smem:$0x3F99]  }
0x2c: {  	s7 =	sld [smem:$0x3F9A]  }
0x2d: {  	s3 =	simm.s32 $0x108;
	s8 =	sld [smem:$0x3F9B]  }
0x2e: {  	s3 =	simm.s32 @!p0 $0x1082;
	s9 =	sld [smem:$0x3F9C]  }
0x2f: {  	lr =	sadd.s32 s0, s3;
	s0 =	sld [smem:$0x3F93]  }
0x30: {  	s3 =	sld [smem:$0x3F96]  }
0x31: {  	[smem:$0x3F9F] =	sst s10  }
0x32: {  	s10 =	sld [smem:$0x3F9D];
	_ =	sdelay $0x3  }
0x33: {  	p0 =	seq.s32 s10, $0x1;
	s10 =	sld [smem:$0x3F9F];
	_ =	sdelay $0x3  }
0x34: {  	[smem:$0x3F9F] =	sst s10  }
0x35: {  	s10 =	sld [smem:$0x3F9E];
	_ =	sdelay $0x3  }
0x36: {  	p1 =	seq.s32 s10, $0x1;
	s10 =	sld [smem:$0x3F9F];
	_ =	sdelay $0x3  }
0x37: {  	[smem:$0x3F9F] =	sst s10  }
0x38: {  	s10 =	sld [smem:$0x3FA0]  }
0x39: {  	_ = 	snop;
	(pc) =	sbr.ind lr, $3  }
0x3a: {  	_ = 	snop  }
0x3b: {  	_ = 	snop  }
0x3c: {  	p2 =	seq.s32 s10, $0x1;
	s10 =	sld [smem:$0x3F9F]  }
0x3d: {  	_ =	shalt  }
0x3e: {  	_ =	shalt  }
0x3f: {  	_ =	shalt  }
0x40: {  	_ =	shalt  }
0x41: {  	_ =	shalt  }
0x42: {  	_ =	shalt  }
0x43: {  	_ =	shalt  }
0x44: {  	_ =	shalt  }
0x45: {  	_ =	shalt  }
0x46: {  	_ =	shalt  }
0x47: {  	_ =	shalt  }
0x48: {  	_ =	shalt  }
0x49: {  	_ =	shalt  }
0x4a: {  	_ =	shalt  }
0x4b: {  	_ =	shalt  }
0x4c: {  	_ =	shalt  }
0x4d: {  	_ =	shalt  }
0x4e: {  	_ =	shalt  }
0x4f: {  	_ =	shalt  }
0x50: {  	_ =	shalt  }
0x51: {  	_ =	shalt  }
0x52: {  	_ =	shalt  }
0x53: {  	_ =	shalt  }
0x54: {  	_ =	shalt  }
0x55: {  	_ =	shalt  }
0x56: {  	_ =	shalt  }
0x57: {  	_ =	shalt  }
0x58: {  	_ =	shalt  }
0x59: {  	_ =	shalt  }
0x5a: {  	_ =	shalt  }
0x5b: {  	_ =	shalt  }
0x5c: {  	_ =	shalt  }
0x5d: {  	_ =	shalt  }
0x5e: {  	_ =	shalt  }
0x5f: {  	_ =	shalt  }
0x60: {  	_ =	shalt  }
0x61: {  	_ =	shalt  }
0x62: {  	_ =	shalt  }
0x63: {  	_ =	shalt  }
0x64: {  	_ =	shalt  }
0x65: {  	_ =	shalt  }
0x66: {  	_ =	shalt  }
0x67: {  	_ =	shalt  }
0x68: {  	_ =	shalt  }
0x69: {  	_ =	shalt  }
0x6a: {  	_ =	shalt  }
0x6b: {  	_ =	shalt  }
0x6c: {  	_ =	shalt  }
0x6d: {  	_ =	shalt  }
0x6e: {  	_ =	shalt  }
0x6f: {  	_ =	shalt  }
0x70: {  	_ =	shalt  }
0x71: {  	_ =	shalt  }
0x72: {  	_ =	shalt  }
0x73: {  	_ =	shalt  }
0x74: {  	_ =	shalt  }
0x75: {  	_ =	shalt  }
0x76: {  	_ =	shalt  }
0x77: {  	_ =	shalt  }
0x78: {  	_ =	shalt  }
0x79: {  	_ =	shalt  }
0x7a: {  	_ =	shalt  }
0x7b: {  	_ =	shalt  }
0x7c: {  	_ =	shalt  }
0x7d: {  	_ =	shalt  }
0x7e: {  	_ =	shalt  }
0x7f: {  	_ =	shalt  }
0x80: {  	_ =	shalt  }
0x81: {  	_ =	shalt  }
0x82: {  	_ =	shalt  }
0x83: {  	_ =	shalt  }
0x84: {  	_ =	shalt  }
0x85: {  	_ =	shalt  }
0x86: {  	_ =	shalt  }
0x87: {  	_ =	shalt  }
.Lfunc_end0:
.L_simem_size_0:
called_computation.2_lowered:
.L_overlay_start_0:
0x88: {  	s2 =	sld [smem:$0x3FD9]  }
0x89: {  	s3 =	sld [smem:$0x3FFE];
	_ =	sdelay $0x1  }
0x8a: {  	s1 =	srdreg.scid  }
0x8b: {  	s0 =	sand.u32 $0x1, s1  }
0x8c: {  	s14 =	sshll.u32 s0, $0xA;
	s2 =	sadd.s32 s3, s2  }
0x8d: {  	s2 =	sadd.s32 s2, s14  }
0x8e: {  	[smem:$0x3FAB] =	sst s2  }
0x8f: {  	_ = 	snop  }
0x90: {  	s2 =	sld [smem:$0x3FD0];
	_ =	sdelay $0x2  }
0x91: {  	s15 =	simm.s32 $0xB;
	s4 =	simm.s32 $0x10  }
0x92: {  	[smem:s4], [sflag:s15] =	dma.local [hbm:s2], $0x1  }
0x93: {  	_ =	swait.eq [sflag:s15], $0x1  }
0x94: {  	[sflag:s15] =	ssyncset.done $0x0  }
0x95: {  	s16 =	sld [smem:$0x13];
	[sflag:s15] =	ssyncadd.s32 $0xFFFFFFFF  }
0x96: {  	s17 =	sld [smem:$0x14];
	(tm) =	ssettm $0x1  }
0x97: {  	s18 =	sld [smem:$0x3FFB];
	_ =	sdelay $0x3  }
0x98: {  	_ =	strace s18  }
0x99: {  	s4 =	sld [smem:$0x3FFC];
	_ =	sdelay $0x3  }
0x9a: {  	_ =	strace s4  }
0x9b: {  	s4 =	sld [smem:$0x3FFD];
	_ =	sdelay $0x3  }
0x9c: {  	_ =	strace s4  }
0x9d: {  	_ =	strace $0x8FFFFFFF  }
0x9e: {  	s19 =	sld [smem:$0x3FDB];
	_ =	sdelay $0x1  }
0x9f: {  	s5 =	simm.s32 $_scs_section_size  }
0xa0: {  	s6 =	simm.s32 $_size__tile_overlayer_lowered;
	s7 =	simm.s32 $_tile_overlayer_lowered  }
0xa1: {  	s22 =	simm.s32 $0x1BFF;
	s21 =	sshll.u32 s7, $0x1;
	s4 =	sadd.s32 s5, s19  }
0xa2: {  	s8 =	simm.s32 $0x0;
	s20 =	sshll.u32 s6, $0x1;
	s6 =	sadd.s32 s21, s4  }
0xa3: {  	[timem:s8], [sflag:s22] =	dma.local [hbm:s6], s20  }
0xa4: {  	_ =	swait.ge [sflag:s22], s20  }
0xa5: {  	s5 =	ssub.s32 $0x0, s20;
	[sflag:s22] =	ssyncset.done $0x0  }
0xa6: {  	[sflag:s22] =	ssyncadd.s32 s5;
	_ =	sdelay $0x1  }
0xa7: {  	s23 =	simm.s32 $0x1B8B  }
0xa8: {  	_ =	swait.ge [sflag:s23], $0x1  }
0xa9: {  	[sflag:s23] =	ssyncset.done $0x0  }
0xaa: {  	s25 =	simm.s32 $0x1B8E;
	s24 =	sld [smem:$0x3FFE];
	[sflag:s23] =	ssyncadd.s32 $0xFFFFFFFF  }
0xab: {  	s26 =	simm.s32 $execute0_lowered;
	[smem:$0x3FD2] =	sst s25  }
0xac: {  	s6 =	sshll.u32 s26, $0x1;
	_ =	strace $0x8000004C;
	[dreg:$0x1] =	wrdreg $0xFFFFFFFF  }
0xad: {  	s28 =	simm.s32 $_size_execute0_lowered;
	s4 =	sadd.s32 s4, s6;
	[dreg:$0x0] =	wrdreg $0x0  }
0xae: {  	s6 =	sshll.u32 s28, $0x1;
	[dreg:$0x2] =	wrdreg s4  }
0xaf: {  	[dreg:$0x3] =	wrdreg s6  }
0xb0: {  	[dreg:$0x4] =	wrdreg $0xC0  }
0xb1: {  	_ =	task [dreg:s8], $0x5FFFF  }
0xb2: {  	[dreg:$0x1] =	wrdreg $0xFFFFFFFF  }
0xb3: {  	[dreg:$0x0] =	wrdreg $0x60  }
0xb4: {  	[dreg:$0x2] =	wrdreg s16  }
0xb5: {  	[dreg:$0x3] =	wrdreg s17  }
0xb6: {  	[dreg:$0x4] =	wrdreg s24  }
0xb7: {  	[dreg:$0x5] =	wrdreg $0x44000  }
0xb8: {  	[dreg:$0x6] =	wrdreg $0x9  }
0xb9: {  	_ =	task.clear_ibuf [dreg:s8], $0x7FFFF;
	_ =	strace $0x9000004C  }
0xba: {  	s29 =	simm.s32 $0x9;
	_ =	strace $0x8000004E  }
0xbb: {  	_ =	swait.ge [sflag:s29], $0x1  }
0xbc: {  	[sflag:s29] =	ssyncadd.s32 $0xFFFFFFFF  }
0xbd: {  	_ =	strace $0x9000004E  }
0xbe: {  	_ =	sfence  }
0xbf: {  	s30 =	sld [smem:$0x0];
	_ =	sdelay $0x2  }
0xc0: {  	s31 =	sshll.u32 s1, $0xD;
	s1 =	sshrl.u32 s1, $0x2  }
0xc1: {  	s3 =	sand.u32 $0x4000, s31;
	s1 =	sadd.s32 s1, s30  }
0xc2: {  	s0 =	sor.u32 s3, s0;
	s1 =	sshll.u32 s1, $0x11  }
0xc3: {  	s0 =	sor.u32 s1, s0  }
0xc4: {  	s0 =	sadd.s32 $0x8F2B, s0  }
0xc5: {  	[sflag:s0] =	ssyncadd.remote.s32 $0x1  }
0xc6: {  	_ =	sfence.sel $0xFFFF  }
0xc7: {  	[dreg:$0x0] =	wrdreg $0xFFFFFFFF;
	(pc) =	sbr.abs _section_cstart, $3  }
0xc8: {  	[dreg:$0x1] =	wrdreg $0xFFFFFFFF  }
0xc9: {  	_ =	task.clear_ibuf [dreg:s8], $0x2FFFF;
	_ =	strace $0x9FFFFFFF  }
0xca: {  	(tm) =	ssettm $0x7FFFFFFF  }
0xcb: {  	_ =	shalt  }
tec
execute0_lowered:
.L_overlay_start_1:
0x0: {  	(tag) =	ssettag $0x1  }
0x1: {  	s1 =	rddreg [dreg:$0x0]  }
0x2: {  	s2 =	rddreg [dreg:$0x1]  }
0x3: {  	s8 =	rddreg [dreg:$0x2]  }
0x4: {  	s3 =	rddreg [dreg:$0x3]  }
0x5: {  	s4 =	srdreg.scid;
	s0 =	rddreg [dreg:$0x4];
	s5 =	simm.s32 $0x0  }
0x6: {  	s13 =	simm.s32 $0x2;
	s14 =	simm.s32 $0x200;
	s15 =	simm.s32 $0x1  }
0x7: {  	s16 =	simm.s32 $0x280;
	s17 =	simm.s32 $0x100;
	s18 =	simm.s32 $0x300  }
0x8: {  	s19 =	simm.s32 $0x180;
	s20 =	simm.s32 $0x380;
	s7 =	sand.u32 $0x1, s4  }
0x9: {  	s21 =	simm.s32 $0x0;
	s4 =	stileid.u32;
	s9 =	smul.u32 $0x140000, s7  }
0xa: {  	[smem:$0x7FF] =	sst s5;
	s6 =	sadd.s32 $0x23A00, s8;
	s10 =	smul.u32 $0x14000, s4  }
0xb: {  	_ =	strace $0x8000004D;
	s30 =	ssub.s32 $0x2, s7;
	s7 =	sshll.u32 s7, $0x4  }
0xc: {  	s11 =	sshrl.u32 s30, $0x1;
	s31 =	sor.u32 s4, s7;
	s9 =	sadd.s32 s10, s9  }
0xd: {  	s7 =	smul.u32 $0x280, s4;
	s10 =	ssub.s32 s30, s11;
	s9 =	sshrl.u32 s9, $0x3  }
0xe: {  	s11 =	simm.s32 $0x80;
	s12 =	sadd.s32 s9, s8;
	s8 =	smul.u32 $0x2800, s31  }
0xf: {  	v0 =	vimm.f32 $0.0e+00;
	v1 =	vlaneseq.u32;
	s9 =	smax.u32 s10, $0x1;
	s10 =	sadd.s32 $0x73A00, s12;
	s12 =	simm.s32 $0x400  }
.LBB2_1:
0x10: {  	s22 =	simm.s32 $0x0;
	s23 =	simm.s32 $0x200  }
.LBB2_2:
0x11: {  	p0 =	sne.s32 s23, $0xFE00;
	[tilespmem:s22+$0x470] =	vst v0  }
0x12: {  	[tilespmem:s22+$0x400] =	vst v0  }
0x13: {  	[tilespmem:s22+$0x410] =	vst v0  }
.Ltmp0:
0x14: {  	[tilespmem:s22+$0x420] =	vst v0;
	(pc) =	sbr.rel @p0 .LBB2_2-.Ltmp0, $4  }
0x15: {  	[tilespmem:s22+$0x430] =	vst v0  }
0x16: {  	[tilespmem:s22+$0x440] =	vst v0  }
0x17: {  	[tilespmem:s22+$0x450] =	vst v0  }
0x18: {  	[tilespmem:s22+$0x460] =	vst v0;
	s22 =	sshra.s32 s23, $0x2;
	s23 =	sadd.s32 $0x200, s23  }
0x19: {  	[tilespmem:s22+$0x470] =	vst v0  }
0x1a: {  	[tilespmem:s22+$0x400] =	vst v0  }
0x1b: {  	[tilespmem:s22+$0x410] =	vst v0  }
0x1c: {  	[tilespmem:s22+$0x420] =	vst v0  }
0x1d: {  	[tilespmem:s22+$0x430] =	vst v0  }
0x1e: {  	[tilespmem:s22+$0x440] =	vst v0  }
0x1f: {  	[tilespmem:s22+$0x450] =	vst v0;
	s23 =	sadd.s32 $0x0, s7  }
0x20: {  	[tilespmem:s22+$0x460] =	vst v0;
	v2 =	vor.u32 s23, v1;
	s26 =	sadd.s32 $0x70, s23  }
0x21: {  	s24 =	sadd.s32 $0x60, s23;
	[tilespmem:$0x0] =	vst v2;
	v2 =	vor.u32 s26, v1  }
0x22: {  	s30 =	sadd.s32 $0x30, s23;
	v3 =	vor.u32 s24, v1;
	[tilespmem:$0x70] =	vst v2  }
0x23: {  	s28 =	sadd.s32 $0x50, s23;
	v4 =	vor.u32 s30, v1;
	[tilespmem:$0x60] =	vst v3  }
0x24: {  	s29 =	sadd.s32 $0x40, s23;
	v2 =	vor.u32 s28, v1;
	[tilespmem:$0x30] =	vst v4  }
0x25: {  	s31 =	sadd.s32 $0x20, s23;
	v3 =	vor.u32 s29, v1;
	[tilespmem:$0x50] =	vst v2  }
0x26: {  	s22 =	simm.s32 $0x80;
	s23 =	sadd.s32 $0x10, s23;
	[tilespmem:$0x40] =	vst v3;
	v2 =	vor.u32 s31, v1  }
.LBB2_4:
0x27: {  	p0 =	sne.s32 s22, $0x200;
	v3 =	vor.u32 s23, v1;
	[tilespmem:$0x20] =	vst v2  }
0x28: {  	[tilespmem:$0x10] =	vst v3;
	[spmem:s3] =	stream.indirect.scatter [tilespmem:s12], [sflag:$0x2], $0x80, s5, s11, $0xb8  }
0x29: {  	_ =	swait.ge [sflag:s13], $0x4000  }
0x2a: {  	s23 =	sadd.s32 s22, s7;
	[sflag:s13] =	ssyncset.done $0x0  }
0x2b: {  	v2 =	vor.u32 s23, v1;
	s24 =	sadd.s32 $0x70, s23;
	[sflag:s13] =	ssyncadd.s32 $0xFFFFC000  }
0x2c: {  	s25 =	sadd.s32 $0x60, s23;
	[tilespmem:$0x0] =	vst v2;
	v2 =	vor.u32 s24, v1  }
.Ltmp1:
0x2d: {  	v3 =	vor.u32 s25, v1;
	s24 =	sadd.s32 $0x50, s23;
	[tilespmem:$0x70] =	vst v2;
	(pc) =	sbr.rel @p0 .LBB2_4-.Ltmp1, $4  }
0x2e: {  	s25 =	sadd.s32 $0x40, s23;
	v2 =	vor.u32 s24, v1;
	[tilespmem:$0x60] =	vst v3  }
0x2f: {  	s24 =	sadd.s32 $0x30, s23;
	v3 =	vor.u32 s25, v1;
	[tilespmem:$0x50] =	vst v2  }
0x30: {  	s25 =	sadd.s32 $0x20, s23;
	v4 =	vor.u32 s24, v1;
	[tilespmem:$0x40] =	vst v3  }
0x31: {  	s22 =	sadd.s32 $0x80, s22;
	s23 =	sadd.s32 $0x10, s23;
	v2 =	vor.u32 s25, v1;
	[tilespmem:$0x30] =	vst v4  }
0x32: {  	v3 =	vor.u32 s23, v1;
	[tilespmem:$0x20] =	vst v2;
	s22 =	simm.s32 $0x0  }
0x33: {  	[tilespmem:$0x10] =	vst v3;
	s28 =	sand.u32 $0x3C00, s22  }
0x34: {  	[spmem:s3] =	stream.indirect.scatter [tilespmem:s12], [sflag:$0x2], $0x80, s5, s11, $0xb8;
	[tilespmem:$0x18400] =	vst v63  }
0x35: {  	s22 =	sand.u32 $0x200, s22;
	s23 =	sadd.s32 s8, s28;
	_ =	swait.ge [sflag:s13], $0x4000  }
0x36: {  	s22 =	sor.u32 s22, s23;
	[sflag:s13] =	ssyncset.done $0x0  }
0x37: {  	s22 =	sshrl.u32 s22, $0x3;
	[sflag:s13] =	ssyncadd.s32 $0xFFFFC000  }
0x38: {  	s29 =	sadd.s32 s1, s22;
	[bflag:$0x0] =	sbarrier.arrive $0xFFFF  }
0x39: {  	[tilespmem:s5], [sflag:$0x2] =	stream.linear.gather [hbm4b:s29+s5], $0x200, $0x38;
	[tilespmem:$0x18400] =	vst v63  }
0x3a: {  	_ =	swait.ge [sflag:s13], $0x200  }
0x3b: {  	[sflag:s13] =	ssyncset.done $0x0  }
0x3c: {  	s22 =	sadd.s32 s2, s22;
	[sflag:s13] =	ssyncadd.s32 $0xFFFFFE00  }
0x3d: {  	[tilespmem:s14], [sflag:$0x2] =	stream.linear.gather [hbm4b:s22+s5], $0x200, $0x38;
	[tilespmem:$0x18400] =	vst v63  }
0x3e: {  	_ =	swait.ge [sflag:s13], $0x200  }
0x3f: {  	[sflag:s13] =	ssyncset.done $0x0  }
0x40: {  	[sflag:s13] =	ssyncadd.s32 $0xFFFFFE00  }
0x41: {  	[tilespmem:s12], [sflag:$0x1] =	stream.indirect.gather [hbm4b:s6+s11], $0x80, s5, s11, $0xb8;
	[tilespmem:$0x18400] =	vst v63  }
0x42: {  	_ =	swait.ge [sflag:s15], $0x4000  }
0x43: {  	[sflag:s15] =	ssyncset.done $0x0  }
0x44: {  	[sflag:s15] =	ssyncadd.s32 $0xFFFFC000  }
0x45: {  	[spmem:s3] =	stream.indirect.scatter.add.f32 [tilespmem:s12], [sflag:$0x2], $0x80, s14, s11, $0xb8;
	[tilespmem:$0x18400] =	vst v63  }
0x46: {  	_ =	swait.ge [sflag:s13], $0x4000  }
0x47: {  	[sflag:s13] =	ssyncset.done $0x0  }
0x48: {  	[sflag:s13] =	ssyncadd.s32 $0xFFFFC000  }
0x49: {  	[tilespmem:s12], [sflag:$0x1] =	stream.indirect.gather [hbm4b:s6+s11], $0x80, s11, s11, $0xb8;
	[tilespmem:$0x18400] =	vst v63  }
0x4a: {  	_ =	swait.ge [sflag:s15], $0x4000  }
0x4b: {  	[sflag:s15] =	ssyncset.done $0x0  }
0x4c: {  	[sflag:s15] =	ssyncadd.s32 $0xFFFFC000  }
0x4d: {  	[spmem:s3] =	stream.indirect.scatter.add.f32 [tilespmem:s12], [sflag:$0x2], $0x80, s16, s11, $0xb8;
	[tilespmem:$0x18400] =	vst v63  }
0x4e: {  	_ =	swait.ge [sflag:s13], $0x4000  }
0x4f: {  	[sflag:s13] =	ssyncset.done $0x0  }
0x50: {  	[sflag:s13] =	ssyncadd.s32 $0xFFFFC000  }
0x51: {  	[tilespmem:s12], [sflag:$0x1] =	stream.indirect.gather [hbm4b:s6+s11], $0x80, s17, s11, $0xb8;
	[tilespmem:$0x18400] =	vst v63  }
0x52: {  	_ =	swait.ge [sflag:s15], $0x4000  }
0x53: {  	[sflag:s15] =	ssyncset.done $0x0  }
0x54: {  	[sflag:s15] =	ssyncadd.s32 $0xFFFFC000  }
0x55: {  	[spmem:s3] =	stream.indirect.scatter.add.f32 [tilespmem:s12], [sflag:$0x2], $0x80, s18, s11, $0xb8;
	[tilespmem:$0x18400] =	vst v63  }
0x56: {  	_ =	swait.ge [sflag:s13], $0x4000  }
0x57: {  	[sflag:s13] =	ssyncset.done $0x0  }
0x58: {  	[sflag:s13] =	ssyncadd.s32 $0xFFFFC000  }
0x59: {  	[tilespmem:s12], [sflag:$0x1] =	stream.indirect.gather [hbm4b:s6+s11], $0x80, s19, s11, $0xb8;
	[tilespmem:$0x18400] =	vst v63  }
0x5a: {  	_ =	swait.ge [sflag:s15], $0x4000  }
0x5b: {  	s30 =	simm.s32 $0x200;
	[sflag:s15] =	ssyncset.done $0x0  }
0x5c: {  	s31 =	sand.u32 $0x3C00, s30;
	[sflag:s15] =	ssyncadd.s32 $0xFFFFC000  }
0x5d: {  	[spmem:s3] =	stream.indirect.scatter.add.f32 [tilespmem:s12], [sflag:$0x2], $0x80, s20, s11, $0xb8;
	[tilespmem:$0x18400] =	vst v63  }
0x5e: {  	s23 =	sadd.s32 s8, s31;
	s22 =	sand.u32 $0x200, s30;
	_ =	swait.ge [sflag:s13], $0x4000  }
0x5f: {  	s24 =	simm.s32 $0x400;
	s23 =	sor.u32 s22, s23;
	[sflag:s13] =	ssyncset.done $0x0  }
.LBB2_6:
0x60: {  	s25 =	sshrl.u32 s23, $0x3  }
0x61: {  	[sflag:s13] =	ssyncadd.s32 $0xFFFFC000;
	s23 =	smov.u32 s24;
	s22 =	sadd.s32 $0x200, s24  }
0x62: {  	p0 =	sne.s32 s24, $0x2600;
	s24 =	sadd.s32 s1, s25  }
0x63: {  	[tilespmem:s5], [sflag:$0x2] =	stream.linear.gather [hbm4b:s24+s5], $0x200, $0x38;
	[tilespmem:$0x18400] =	vst v63  }
0x64: {  	_ =	swait.ge [sflag:s13], $0x200  }
0x65: {  	[sflag:s13] =	ssyncset.done $0x0  }
0x66: {  	s24 =	sadd.s32 s2, s25;
	[sflag:s13] =	ssyncadd.s32 $0xFFFFFE00  }
0x67: {  	[tilespmem:s14], [sflag:$0x2] =	stream.linear.gather [hbm4b:s24+s5], $0x200, $0x38;
	[tilespmem:$0x18400] =	vst v63  }
0x68: {  	_ =	swait.ge [sflag:s13], $0x200  }
0x69: {  	[sflag:s13] =	ssyncset.done $0x0  }
0x6a: {  	[sflag:s13] =	ssyncadd.s32 $0xFFFFFE00  }
0x6b: {  	[tilespmem:s12], [sflag:$0x1] =	stream.indirect.gather [hbm4b:s6+s11], $0x80, s5, s11, $0xb8;
	[tilespmem:$0x18400] =	vst v63  }
0x6c: {  	_ =	swait.ge [sflag:s15], $0x4000  }
0x6d: {  	[sflag:s15] =	ssyncset.done $0x0  }
0x6e: {  	[sflag:s15] =	ssyncadd.s32 $0xFFFFC000  }
0x6f: {  	[spmem:s3] =	stream.indirect.scatter.add.f32 [tilespmem:s12], [sflag:$0x2], $0x80, s14, s11, $0xb8;
	[tilespmem:$0x18400] =	vst v63  }
0x70: {  	_ =	swait.ge [sflag:s13], $0x4000  }
0x71: {  	[sflag:s13] =	ssyncset.done $0x0  }
0x72: {  	[sflag:s13] =	ssyncadd.s32 $0xFFFFC000  }
0x73: {  	[tilespmem:s12], [sflag:$0x1] =	stream.indirect.gather [hbm4b:s6+s11], $0x80, s11, s11, $0xb8;
	[tilespmem:$0x18400] =	vst v63  }
0x74: {  	_ =	swait.ge [sflag:s15], $0x4000  }
0x75: {  	[sflag:s15] =	ssyncset.done $0x0  }
0x76: {  	[sflag:s15] =	ssyncadd.s32 $0xFFFFC000  }
0x77: {  	[spmem:s3] =	stream.indirect.scatter.add.f32 [tilespmem:s12], [sflag:$0x2], $0x80, s16, s11, $0xb8;
	[tilespmem:$0x18400] =	vst v63  }
0x78: {  	_ =	swait.ge [sflag:s13], $0x4000  }
0x79: {  	[sflag:s13] =	ssyncset.done $0x0  }
0x7a: {  	[sflag:s13] =	ssyncadd.s32 $0xFFFFC000  }
0x7b: {  	[tilespmem:s12], [sflag:$0x1] =	stream.indirect.gather [hbm4b:s6+s11], $0x80, s17, s11, $0xb8;
	[tilespmem:$0x18400] =	vst v63  }
0x7c: {  	_ =	swait.ge [sflag:s15], $0x4000  }
0x7d: {  	[sflag:s15] =	ssyncset.done $0x0  }
0x7e: {  	[sflag:s15] =	ssyncadd.s32 $0xFFFFC000  }
0x7f: {  	[spmem:s3] =	stream.indirect.scatter.add.f32 [tilespmem:s12], [sflag:$0x2], $0x80, s18, s11, $0xb8;
	[tilespmem:$0x18400] =	vst v63  }
0x80: {  	_ =	swait.ge [sflag:s13], $0x4000  }
0x81: {  	[sflag:s13] =	ssyncset.done $0x0  }
0x82: {  	[sflag:s13] =	ssyncadd.s32 $0xFFFFC000  }
0x83: {  	[tilespmem:s12], [sflag:$0x1] =	stream.indirect.gather [hbm4b:s6+s11], $0x80, s19, s11, $0xb8;
	[tilespmem:$0x18400] =	vst v63  }
0x84: {  	_ =	swait.ge [sflag:s15], $0x4000  }
.Ltmp2:
0x85: {  	[sflag:s15] =	ssyncset.done $0x0;
	(pc) =	sbr.rel @p0 .LBB2_6-.Ltmp2, $4  }
0x86: {  	s24 =	sand.u32 $0x3C00, s23;
	[sflag:s15] =	ssyncadd.s32 $0xFFFFC000  }
0x87: {  	[spmem:s3] =	stream.indirect.scatter.add.f32 [tilespmem:s12], [sflag:$0x2], $0x80, s20, s11, $0xb8;
	[tilespmem:$0x18400] =	vst v63  }
0x88: {  	s23 =	sand.u32 $0x200, s23;
	s24 =	sadd.s32 s8, s24;
	_ =	swait.ge [sflag:s13], $0x4000  }
0x89: {  	s23 =	sor.u32 s23, s24;
	s24 =	smov.u32 s22;
	[sflag:s13] =	ssyncset.done $0x0  }
0x8a: {  	s22 =	sshrl.u32 s23, $0x3  }
0x8b: {  	[sflag:s13] =	ssyncadd.s32 $0xFFFFC000;
	s23 =	sadd.s32 s1, s22  }
0x8c: {  	[tilespmem:s5], [sflag:$0x2] =	stream.linear.gather [hbm4b:s23+s5], $0x200, $0x38;
	[tilespmem:$0x18400] =	vst v63  }
0x8d: {  	_ =	swait.ge [sflag:s13], $0x200  }
0x8e: {  	[sflag:s13] =	ssyncset.done $0x0  }
0x8f: {  	s22 =	sadd.s32 s2, s22;
	[sflag:s13] =	ssyncadd.s32 $0xFFFFFE00  }
0x90: {  	[tilespmem:s14], [sflag:$0x2] =	stream.linear.gather [hbm4b:s22+s5], $0x200, $0x38;
	[tilespmem:$0x18400] =	vst v63  }
0x91: {  	_ =	swait.ge [sflag:s13], $0x200  }
0x92: {  	[sflag:s13] =	ssyncset.done $0x0  }
0x93: {  	[sflag:s13] =	ssyncadd.s32 $0xFFFFFE00  }
0x94: {  	[tilespmem:s12], [sflag:$0x1] =	stream.indirect.gather [hbm4b:s6+s11], $0x80, s5, s11, $0xb8;
	[tilespmem:$0x18400] =	vst v63  }
0x95: {  	_ =	swait.ge [sflag:s15], $0x4000  }
0x96: {  	[sflag:s15] =	ssyncset.done $0x0  }
0x97: {  	[sflag:s15] =	ssyncadd.s32 $0xFFFFC000  }
0x98: {  	[spmem:s3] =	stream.indirect.scatter.add.f32 [tilespmem:s12], [sflag:$0x2], $0x80, s14, s11, $0xb8;
	[tilespmem:$0x18400] =	vst v63  }
0x99: {  	_ =	swait.ge [sflag:s13], $0x4000  }
0x9a: {  	[sflag:s13] =	ssyncset.done $0x0  }
0x9b: {  	[sflag:s13] =	ssyncadd.s32 $0xFFFFC000  }
0x9c: {  	[tilespmem:s12], [sflag:$0x1] =	stream.indirect.gather [hbm4b:s6+s11], $0x80, s11, s11, $0xb8;
	[tilespmem:$0x18400] =	vst v63  }
0x9d: {  	_ =	swait.ge [sflag:s15], $0x4000  }
0x9e: {  	[sflag:s15] =	ssyncset.done $0x0  }
0x9f: {  	[sflag:s15] =	ssyncadd.s32 $0xFFFFC000  }
0xa0: {  	[spmem:s3] =	stream.indirect.scatter.add.f32 [tilespmem:s12], [sflag:$0x2], $0x80, s16, s11, $0xb8;
	[tilespmem:$0x18400] =	vst v63  }
0xa1: {  	_ =	swait.ge [sflag:s13], $0x4000  }
0xa2: {  	[sflag:s13] =	ssyncset.done $0x0  }
0xa3: {  	[sflag:s13] =	ssyncadd.s32 $0xFFFFC000  }
0xa4: {  	[tilespmem:s12], [sflag:$0x1] =	stream.indirect.gather [hbm4b:s6+s11], $0x80, s17, s11, $0xb8;
	[tilespmem:$0x18400] =	vst v63  }
0xa5: {  	_ =	swait.ge [sflag:s15], $0x4000  }
0xa6: {  	[sflag:s15] =	ssyncset.done $0x0  }
0xa7: {  	[sflag:s15] =	ssyncadd.s32 $0xFFFFC000  }
0xa8: {  	[spmem:s3] =	stream.indirect.scatter.add.f32 [tilespmem:s12], [sflag:$0x2], $0x80, s18, s11, $0xb8;
	[tilespmem:$0x18400] =	vst v63  }
0xa9: {  	_ =	swait.ge [sflag:s13], $0x4000  }
0xaa: {  	[sflag:s13] =	ssyncset.done $0x0  }
0xab: {  	[sflag:s13] =	ssyncadd.s32 $0xFFFFC000  }
0xac: {  	[tilespmem:s12], [sflag:$0x1] =	stream.indirect.gather [hbm4b:s6+s11], $0x80, s19, s11, $0xb8;
	[tilespmem:$0x18400] =	vst v63  }
0xad: {  	_ =	swait.ge [sflag:s15], $0x4000  }
0xae: {  	[sflag:s15] =	ssyncset.done $0x0  }
0xaf: {  	[sflag:s15] =	ssyncadd.s32 $0xFFFFC000  }
0xb0: {  	[spmem:s3] =	stream.indirect.scatter.add.f32 [tilespmem:s12], [sflag:$0x2], $0x80, s20, s11, $0xb8;
	[tilespmem:$0x18400] =	vst v63  }
0xb1: {  	_ =	swait.ge [sflag:s13], $0x4000  }
0xb2: {  	[sflag:s13] =	ssyncset.done $0x0  }
0xb3: {  	s25 =	sadd.s32 $0x0, s7;
	[sflag:s13] =	ssyncadd.s32 $0xFFFFC000  }
0xb4: {  	v2 =	vor.u32 s25, v1;
	s24 =	sadd.s32 $0x20, s25;
	[bflag:$0x0] =	sbarrier.arrive $0xFFFF  }
0xb5: {  	s26 =	sadd.s32 $0x10, s25;
	v3 =	vor.u32 s24, v1;
	[tilespmem:$0x0] =	vst v2  }
0xb6: {  	s30 =	sadd.s32 $0x40, s25;
	v2 =	vor.u32 s26, v1;
	[tilespmem:$0x20] =	vst v3  }
0xb7: {  	s28 =	sadd.s32 $0x70, s25;
	v3 =	vor.u32 s30, v1;
	[tilespmem:$0x10] =	vst v2  }
0xb8: {  	s22 =	sadd.s32 $0x30, s25;
	v2 =	vor.u32 s28, v1;
	[tilespmem:$0x40] =	vst v3  }
0xb9: {  	s29 =	sadd.s32 $0x50, s25;
	v3 =	vor.u32 s22, v1;
	[tilespmem:$0x70] =	vst v2  }
0xba: {  	s31 =	sadd.s32 $0x60, s25;
	v2 =	vor.u32 s29, v1;
	[tilespmem:$0x30] =	vst v3  }
0xbb: {  	[tilespmem:$0x50] =	vst v2;
	v2 =	vor.u32 s31, v1  }
0xbc: {  	s24 =	smov.u32 s10;
	s23 =	smov.u32 s10;
	s22 =	simm.s32 $0x80;
	[tilespmem:$0x60] =	vst v2  }
0xbd: {  	[tilespmem:s12], [sflag:$0x1] =	stream.indirect.gather [spmem:s3], $0x80, s5, s11, $0xb8;
	[tilespmem:$0x18400] =	vst v63  }
.LBB2_8:
0xbe: {  	p0 =	sne.s32 s22, $0x200;
	_ =	swait.ge [sflag:s15], $0x4000;
	s24 =	sadd.s32 $0x800, s24  }
0xbf: {  	s25 =	smov.u32 s22;
	s22 =	sadd.s32 $0x80, s22;
	[sflag:s15] =	ssyncset.done $0x0  }
0xc0: {  	[sflag:s15] =	ssyncadd.s32 $0xFFFFC000  }
0xc1: {  	[hbm4b:s23+s5] =	stream.linear.scatter [tilespmem:s12], [sflag:$0x2], $0x4000, $0x38;
	[tilespmem:$0x18400] =	vst v63  }
0xc2: {  	s23 =	smov.u32 s24;
	_ =	swait.ge [sflag:s13], $0x4000  }
0xc3: {  	s25 =	sadd.s32 s25, s7;
	[sflag:s13] =	ssyncset.done $0x0  }
0xc4: {  	v2 =	vor.u32 s25, v1;
	s26 =	sadd.s32 $0x10, s25;
	s28 =	sadd.s32 $0x20, s25;
	[sflag:s13] =	ssyncadd.s32 $0xFFFFC000  }
0xc5: {  	s29 =	sadd.s32 $0x70, s25;
	v3 =	vor.u32 s28, v1;
	s28 =	sadd.s32 $0x50, s25;
	[tilespmem:$0x0] =	vst v2;
	v2 =	vor.u32 s26, v1;
	s26 =	sadd.s32 $0x40, s25  }
0xc6: {  	s30 =	sadd.s32 $0x30, s25;
	v5 =	vor.u32 s29, v1;
	v4 =	vor.u32 s28, v1;
	s25 =	sadd.s32 $0x60, s25;
	[tilespmem:$0x10] =	vst v2;
	v2 =	vor.u32 s26, v1  }
0xc7: {  	v6 =	vor.u32 s30, v1;
	v7 =	vor.u32 s25, v1;
	[tilespmem:$0x70] =	vst v5  }
0xc8: {  	[tilespmem:$0x20] =	vst v3  }
.Ltmp3:
0xc9: {  	[tilespmem:$0x50] =	vst v4;
	(pc) =	sbr.rel @p0 .LBB2_8-.Ltmp3, $4  }
0xca: {  	[tilespmem:$0x40] =	vst v2  }
0xcb: {  	[tilespmem:$0x60] =	vst v7  }
0xcc: {  	[tilespmem:$0x30] =	vst v6  }
0xcd: {  	[tilespmem:s12], [sflag:$0x1] =	stream.indirect.gather [spmem:s3], $0x80, s5, s11, $0xb8;
	[tilespmem:$0x18400] =	vst v63  }
0xce: {  	_ =	swait.ge [sflag:s15], $0x4000;
	s21 =	sadd.s32 $0x1, s21  }
0xcf: {  	[sflag:s15] =	ssyncset.done $0x0;
	p0 =	sne.s32 s21, s9  }
.Ltmp4:
0xd0: {  	[sflag:s15] =	ssyncadd.s32 $0xFFFFC000;
	(pc) =	sbr.rel @p0 .LBB2_1-.Ltmp4, $4  }
0xd1: {  	[hbm4b:s23+s5] =	stream.linear.scatter [tilespmem:s12], [sflag:$0x2], $0x4000, $0x38;
	[tilespmem:$0x18400] =	vst v63  }
0xd2: {  	_ =	swait.ge [sflag:s13], $0x4000  }
0xd3: {  	[sflag:s13] =	ssyncset.done $0x0  }
0xd4: {  	[sflag:s13] =	ssyncadd.s32 $0xFFFFC000  }
0xd5: {  	_ =	sfence.sel $0x180000  }
0xd6: {  	[bflag:$0x0] =	sbarrier.arrive $0xFFFF  }
0xd7: {  	p0 =	sne.s32 s4, $0x0;
	_ =	strace $0x9000004D  }
0xd8: {  	s0 =	sadd.s32 @!p0 $0x100000, s0;
	[bflag:$0x2] =	sbarrier.arrive $0xFFFF  }
0xd9: {  	[sflag:s0] =	ssyncadd.tile.s32 @!p0 $0x1;
	_ =	shalt  }
.Lfunc_end2:
_tile_overlayer_lowered:
.L_overlay_start_2:
0xda: {  	(tag) =	ssettag $0x2  }
0xdb: {  	s0 =	rddreg [dreg:$0x0];
	s2 =	stileid.u32  }
0xdc: {  	s1 =	rddreg [dreg:$0x1];
	p0 =	sne.s32 s2, $0x0  }
0xdd: {  	s3 =	rddreg [dreg:$0x2];
	[bflag:$0x3] =	sbarrier.arrive $0xFFFF;
	s2 =	simm.s32 @!p0 $0x1C02  }
0xde: {  	[timem:s3], [sflag:s2] =	dma.local @!p0 [hbm:s0], s1  }
0xdf: {  	s0 =	simm.s32 @!p0 $0x2  }
0xe0: {  	_ =	swait.ge @!p0 [sflag:s0], s1  }
0xe1: {  	s1 =	ssub.s32 @!p0 $0x0, s1;
	[sflag:s0] =	ssyncset.done @!p0 $0x0  }
0xe2: {  	[sflag:s0] =	ssyncadd.s32 @!p0 s1  }
0xe3: {  	[bflag:$0x3] =	sbarrier.arrive $0xFFFF  }
0xe4: {  	_ =	shalt  }

// kernel: kernel.9.cloned.1.call-start
scs
__scs_entry_jumppad:
0x0: {  	(pc) =	sbr.rel $0x88, $3  }
0x1: {  	(tag) =	ssettag $0x0;
	lr =	simm.s32 $0x1  }
0x2: {  	[smem:$0x3F84] =	sst lr;
	_ =	strace $0xD0000000  }
0x3: {  	_ = 	snop  }
0x4: {  	_ = 	snop  }
0x5: {  	_ = 	snop  }
0x6: {  	_ = 	snop  }
0x7: {  	_ = 	snop  }
__scs_overlays_trampoline_lowered:
0x8: {  	[smem:$0x3F93] =	sst s0  }
0x9: {  	[smem:$0x3F94] =	sst s1  }
0xa: {  	[smem:$0x3F95] =	sst s2  }
0xb: {  	[smem:$0x3F96] =	sst s3  }
0xc: {  	[smem:$0x3F97] =	sst s4  }
0xd: {  	[smem:$0x3F98] =	sst s5  }
0xe: {  	[smem:$0x3F99] =	sst s6  }
0xf: {  	[smem:$0x3F9A] =	sst s7  }
0x10: {  	[smem:$0x3F9B] =	sst s8  }
0x11: {  	[smem:$0x3F9C] =	sst s9;
	s0 =	simm.s32 @!p0 $0x0  }
0x12: {  	s1 =	sld [smem:$0x3F82];
	s0 =	simm.s32 @p0 $0x1  }
0x13: {  	[smem:$0x3F9D] =	sst s0;
	s0 =	simm.s32 @!p1 $0x0  }
0x14: {  	s2 =	sld [smem:$0x3F81];
	s0 =	simm.s32 @p1 $0x1  }
0x15: {  	[smem:$0x3F9E] =	sst s0;
	s0 =	simm.s32 @!p2 $0x0  }
0x16: {  	s3 =	sld [smem:$0x3FDB];
	s0 =	simm.s32 @p2 $0x1  }
0x17: {  	s4 =	simm.s32 $0x1BF5;
	[smem:$0x3FA0] =	sst s0  }
0x18: {  	s0 =	sld [smem:$0x3F83];
	_ =	swait.ge [sflag:s4], $0x0  }
0x19: {  	s7 =	sld [smem:$0x3F84]  }
0x1a: {  	s8 =	sadd.s32 $0xFFFFE003, lr  }
0x1b: {  	s9 =	sadd.s32 $0xFFFFFEF7, lr;
	s5 =	simm.s32 $0xFFFFFFFF;
	p2 =	slt.u32 s8, $0xFFFFF086  }
0x1c: {  	p1 =	slt.u32 s9, $0xF7A;
	s5 =	simm.s32 @!p2 $0x0  }
0x1d: {  	s5 =	simm.s32 @p1 $0x1;
	p0 =	seq.s32 s7, s2  }
0x1e: {  	s7 =	smul.u32 @!p0 $0xF7A, s2;
	p2 =	seq.s32 @!p0 s5, $0x0  }
0x1f: {  	s9 =	smul.u32 $0xF7A, s1;
	s8 =	simm.s32 @!p0 $0x1BF5;
	p2 =	por !p2, p0  }
0x20: {  	[sflag:s8] =	ssyncset.s32 @!p0 $0xFFFFF086;
	s6 =	sadd.s32 @!p0 s3, s7;
	s7 =	simm.s32 @!p0 $0x108  }
0x21: {  	s3 =	sadd.s32 s3, s9;
	s6 =	sadd.s32 @!p0 $0x88, s6;
	s7 =	simm.s32 @p2 $0x1082  }
0x22: {  	[simem:s7], [sflag:s8] =	dma.local @!p0 [hbm:s6], $0xF7A  }
0x23: {  	s9 =	sor.u32 $0xD0000000, s2;
	s6 =	simm.s32 $0x108;
	_ =	swait.ge @!p0 [sflag:s8], $0x0  }
0x24: {  	s3 =	sadd.s32 $0x88, s3;
	s6 =	simm.s32 @!p1 $0x1082;
	[sflag:s4] =	ssyncset.s32 $0xFFFFF086  }
0x25: {  	[simem:s6], [sflag:s4] =	dma.local [hbm:s3], $0xF7A  }
0x26: {  	[smem:$0x3F84] =	sst s1;
	(tag) =	ssettag s2;
	_ =	strace s9  }
0x27: {  	s1 =	sld [smem:$0x3F94]  }
0x28: {  	s2 =	sld [smem:$0x3F95]  }
0x29: {  	s4 =	sld [smem:$0x3F97]  }
0x2a: {  	p0 =	seq.s32 s5, $0x0;
	s5 =	sld [smem:$0x3F98]  }
0x2b: {  	s6 =	sld [smem:$0x3F99]  }
0x2c: {  	s7 =	sld [smem:$0x3F9A]  }
0x2d: {  	s3 =	simm.s32 $0x108;
	s8 =	sld [smem:$0x3F9B]  }
0x2e: {  	s3 =	simm.s32 @!p0 $0x1082;
	s9 =	sld [smem:$0x3F9C]  }
0x2f: {  	lr =	sadd.s32 s0, s3;
	s0 =	sld [smem:$0x3F93]  }
0x30: {  	s3 =	sld [smem:$0x3F96]  }
0x31: {  	[smem:$0x3F9F] =	sst s10  }
0x32: {  	s10 =	sld [smem:$0x3F9D];
	_ =	sdelay $0x3  }
0x33: {  	p0 =	seq.s32 s10, $0x1;
	s10 =	sld [smem:$0x3F9F];
	_ =	sdelay $0x3  }
0x34: {  	[smem:$0x3F9F] =	sst s10  }
0x35: {  	s10 =	sld [smem:$0x3F9E];
	_ =	sdelay $0x3  }
0x36: {  	p1 =	seq.s32 s10, $0x1;
	s10 =	sld [smem:$0x3F9F];
	_ =	sdelay $0x3  }
0x37: {  	[smem:$0x3F9F] =	sst s10  }
0x38: {  	s10 =	sld [smem:$0x3FA0]  }
0x39: {  	_ = 	snop;
	(pc) =	sbr.ind lr, $3  }
0x3a: {  	_ = 	snop  }
0x3b: {  	_ = 	snop  }
0x3c: {  	p2 =	seq.s32 s10, $0x1;
	s10 =	sld [smem:$0x3F9F]  }
0x3d: {  	_ =	shalt  }
0x3e: {  	_ =	shalt  }
0x3f: {  	_ =	shalt  }
0x40: {  	_ =	shalt  }
0x41: {  	_ =	shalt  }
0x42: {  	_ =	shalt  }
0x43: {  	_ =	shalt  }
0x44: {  	_ =	shalt  }
0x45: {  	_ =	shalt  }
0x46: {  	_ =	shalt  }
0x47: {  	_ =	shalt  }
0x48: {  	_ =	shalt  }
0x49: {  	_ =	shalt  }
0x4a: {  	_ =	shalt  }
0x4b: {  	_ =	shalt  }
0x4c: {  	_ =	shalt  }
0x4d: {  	_ =	shalt  }
0x4e: {  	_ =	shalt  }
0x4f: {  	_ =	shalt  }
0x50: {  	_ =	shalt  }
0x51: {  	_ =	shalt  }
0x52: {  	_ =	shalt  }
0x53: {  	_ =	shalt  }
0x54: {  	_ =	shalt  }
0x55: {  	_ =	shalt  }
0x56: {  	_ =	shalt  }
0x57: {  	_ =	shalt  }
0x58: {  	_ =	shalt  }
0x59: {  	_ =	shalt  }
0x5a: {  	_ =	shalt  }
0x5b: {  	_ =	shalt  }
0x5c: {  	_ =	shalt  }
0x5d: {  	_ =	shalt  }
0x5e: {  	_ =	shalt  }
0x5f: {  	_ =	shalt  }
0x60: {  	_ =	shalt  }
0x61: {  	_ =	shalt  }
0x62: {  	_ =	shalt  }
0x63: {  	_ =	shalt  }
0x64: {  	_ =	shalt  }
0x65: {  	_ =	shalt  }
0x66: {  	_ =	shalt  }
0x67: {  	_ =	shalt  }
0x68: {  	_ =	shalt  }
0x69: {  	_ =	shalt  }
0x6a: {  	_ =	shalt  }
0x6b: {  	_ =	shalt  }
0x6c: {  	_ =	shalt  }
0x6d: {  	_ =	shalt  }
0x6e: {  	_ =	shalt  }
0x6f: {  	_ =	shalt  }
0x70: {  	_ =	shalt  }
0x71: {  	_ =	shalt  }
0x72: {  	_ =	shalt  }
0x73: {  	_ =	shalt  }
0x74: {  	_ =	shalt  }
0x75: {  	_ =	shalt  }
0x76: {  	_ =	shalt  }
0x77: {  	_ =	shalt  }
0x78: {  	_ =	shalt  }
0x79: {  	_ =	shalt  }
0x7a: {  	_ =	shalt  }
0x7b: {  	_ =	shalt  }
0x7c: {  	_ =	shalt  }
0x7d: {  	_ =	shalt  }
0x7e: {  	_ =	shalt  }
0x7f: {  	_ =	shalt  }
0x80: {  	_ =	shalt  }
0x81: {  	_ =	shalt  }
0x82: {  	_ =	shalt  }
0x83: {  	_ =	shalt  }
0x84: {  	_ =	shalt  }
0x85: {  	_ =	shalt  }
0x86: {  	_ =	shalt  }
0x87: {  	_ =	shalt  }
.Lfunc_end0:
.L_simem_size_0:
called_computation_lowered:
.L_overlay_start_0:
0x88: {  	s2 =	sld [smem:$0x3FD9]  }
0x89: {  	s3 =	sld [smem:$0x3FFE];
	_ =	sdelay $0x1  }
0x8a: {  	s1 =	srdreg.scid  }
0x8b: {  	s0 =	sand.u32 $0x1, s1  }
0x8c: {  	s15 =	sshll.u32 s0, $0xA;
	s2 =	sadd.s32 s3, s2  }
0x8d: {  	s2 =	sadd.s32 s2, s15  }
0x8e: {  	[smem:$0x3FAB] =	sst s2  }
0x8f: {  	_ = 	snop  }
0x90: {  	s2 =	sld [smem:$0x3FD0];
	_ =	sdelay $0x2  }
0x91: {  	s16 =	simm.s32 $0xB;
	s4 =	simm.s32 $0x10  }
0x92: {  	[smem:s4], [sflag:s16] =	dma.local [hbm:s2], $0x1  }
0x93: {  	_ =	swait.eq [sflag:s16], $0x1  }
0x94: {  	[sflag:s16] =	ssyncset.done $0x0  }
0x95: {  	[sflag:s16] =	ssyncadd.s32 $0xFFFFFFFF  }
0x96: {  	s17 =	sld [smem:$0x14];
	(tm) =	ssettm $0x1  }
0x97: {  	s18 =	sld [smem:$0x3FFB];
	_ =	sdelay $0x3  }
0x98: {  	_ =	strace s18  }
0x99: {  	s2 =	sld [smem:$0x3FFC];
	_ =	sdelay $0x3  }
0x9a: {  	_ =	strace s2  }
0x9b: {  	s2 =	sld [smem:$0x3FFD];
	_ =	sdelay $0x3  }
0x9c: {  	_ =	strace s2  }
0x9d: {  	_ =	strace $0x8FFFFFFF  }
0x9e: {  	s19 =	sld [smem:$0x3FDB];
	_ =	sdelay $0x1  }
0x9f: {  	s20 =	simm.s32 $_scs_section_size  }
0xa0: {  	s5 =	simm.s32 $_size__tile_overlayer_lowered;
	s6 =	simm.s32 $_tile_overlayer_lowered  }
0xa1: {  	s7 =	simm.s32 $0x1BFF;
	s21 =	sshll.u32 s6, $0x1;
	s4 =	sadd.s32 s20, s19  }
0xa2: {  	s22 =	simm.s32 $0x0;
	s5 =	sshll.u32 s5, $0x1;
	s6 =	sadd.s32 s21, s4  }
0xa3: {  	[timem:s22], [sflag:s7] =	dma.local [hbm:s6], s5  }
0xa4: {  	_ =	swait.ge [sflag:s7], s5  }
0xa5: {  	s5 =	ssub.s32 $0x0, s5;
	[sflag:s7] =	ssyncset.done $0x0  }
0xa6: {  	[sflag:s7] =	ssyncadd.s32 s5;
	_ =	sdelay $0x1  }
0xa7: {  	s23 =	simm.s32 $0x1B8B  }
0xa8: {  	_ =	swait.ge [sflag:s23], $0x1  }
0xa9: {  	[sflag:s23] =	ssyncset.done $0x0  }
0xaa: {  	[sflag:s23] =	ssyncadd.s32 $0xFFFFFFFF  }
0xab: {  	s5 =	sld [smem:$0x0]  }
0xac: {  	s6 =	sand.u32 $0xFFFFFFFE, s1  }
0xad: {  	p0 =	sne.s32 s1, s6  }
0xae: {  	s6 =	sshll.u32 @p0 s6, $0xE  }
0xaf: {  	s6 =	sadd.s32 @p0 $0x11B8D, s6;
	s7 =	sshll.u32 @p0 s5, $0x11  }
0xb0: {  	s6 =	sor.u32 @p0 s7, s6  }
0xb1: {  	[sflag:s6] =	ssyncadd.remote.s32 @p0 $0x1;
	_ =	sdelay $0x1  }
0xb2: {  	s6 =	simm.s32 @p0 $0x1B8D  }
0xb3: {  	_ =	swait.eq @p0 [sflag:s6], $0x1  }
0xb4: {  	[sflag:s6] =	ssyncadd.s32 @p0 $0xFFFFFFFF  }
0xb5: {  	s7 =	sshll.u32 @!p0 s1, $0xE  }
0xb6: {  	s7 =	sor.u32 @!p0 $0x4000, s7;
	s6 =	simm.s32 @!p0 $0x1B8D  }
0xb7: {  	s5 =	sshll.u32 @!p0 s5, $0x11;
	s7 =	sadd.s32 @!p0 $0x11B8D, s7;
	_ =	swait.eq @!p0 [sflag:s6], $0x1  }
0xb8: {  	s5 =	sor.u32 @!p0 s5, s7;
	[sflag:s6] =	ssyncadd.s32 @!p0 $0xFFFFFFFF  }
0xb9: {  	s25 =	simm.s32 $0x1B8E;
	s24 =	sld [smem:$0x3FFE];
	[sflag:s5] =	ssyncadd.remote.s32 @!p0 $0x1  }
0xba: {  	s26 =	simm.s32 $execute0_lowered;
	[smem:$0x3FD2] =	sst s25  }
0xbb: {  	s6 =	sshll.u32 s26, $0x1;
	_ =	strace $0x80000049;
	[dreg:$0x1] =	wrdreg $0xFFFFFFFF  }
0xbc: {  	s28 =	simm.s32 $_size_execute0_lowered;
	s4 =	sadd.s32 s4, s6;
	[dreg:$0x0] =	wrdreg $0x0  }
0xbd: {  	s6 =	sshll.u32 s28, $0x1;
	[dreg:$0x2] =	wrdreg s4  }
0xbe: {  	[dreg:$0x3] =	wrdreg s6  }
0xbf: {  	[dreg:$0x4] =	wrdreg $0xC0  }
0xc0: {  	_ =	task [dreg:s22], $0x5FFFF  }
0xc1: {  	[dreg:$0x1] =	wrdreg $0xFFFFFFFF  }
0xc2: {  	[dreg:$0x0] =	wrdreg $0x60  }
0xc3: {  	[dreg:$0x2] =	wrdreg s17  }
0xc4: {  	[dreg:$0x3] =	wrdreg s24  }
0xc5: {  	[dreg:$0x4] =	wrdreg $0x44000  }
0xc6: {  	[dreg:$0x5] =	wrdreg $0x9  }
0xc7: {  	_ =	task.clear_ibuf [dreg:s22], $0x6FFFF;
	_ =	strace $0x90000049  }
0xc8: {  	s29 =	simm.s32 $0x9;
	_ =	strace $0x8000004B  }
0xc9: {  	_ =	swait.ge [sflag:s29], $0x1  }
0xca: {  	[sflag:s29] =	ssyncadd.s32 $0xFFFFFFFF  }
0xcb: {  	_ =	strace $0x9000004B  }
0xcc: {  	_ =	sfence  }
0xcd: {  	s30 =	sld [smem:$0x0];
	_ =	sdelay $0x2  }
0xce: {  	s31 =	sshll.u32 s1, $0xD;
	s1 =	sshrl.u32 s1, $0x2  }
0xcf: {  	s4 =	sand.u32 $0x4000, s31;
	s1 =	sadd.s32 s1, s30  }
0xd0: {  	s0 =	sor.u32 s4, s0;
	s1 =	sshll.u32 s1, $0x11  }
0xd1: {  	s0 =	sor.u32 s1, s0  }
0xd2: {  	s0 =	sadd.s32 $0x8F2B, s0  }
0xd3: {  	[sflag:s0] =	ssyncadd.remote.s32 $0x1  }
0xd4: {  	_ =	sfence.sel $0xFFFF  }
0xd5: {  	[dreg:$0x0] =	wrdreg $0xFFFFFFFF;
	(pc) =	sbr.abs _section_cstart, $3  }
0xd6: {  	[dreg:$0x1] =	wrdreg $0xFFFFFFFF  }
0xd7: {  	_ =	task.clear_ibuf [dreg:s22], $0x2FFFF;
	_ =	strace $0x9FFFFFFF  }
0xd8: {  	(tm) =	ssettm $0x7FFFFFFF  }
0xd9: {  	_ =	shalt  }
tec
execute0_lowered:
.L_overlay_start_1:
0x0: {  	(tag) =	ssettag $0x1  }
0x1: {  	s1 =	rddreg [dreg:$0x0]  }
0x2: {  	s5 =	rddreg [dreg:$0x1]  }
0x3: {  	s3 =	rddreg [dreg:$0x2]  }
0x4: {  	s0 =	srdreg.scid;
	s2 =	rddreg [dreg:$0x3];
	s4 =	simm.s32 $0x0  }
0x5: {  	s10 =	simm.s32 $0x400;
	s11 =	simm.s32 $0x2;
	s12 =	simm.s32 $0x200  }
0x6: {  	s13 =	simm.s32 $0x280;
	s14 =	simm.s32 $0x300;
	s6 =	sand.u32 $0x1, s0  }
0x7: {  	s15 =	simm.s32 $0x380;
	s0 =	stileid.u32;
	s7 =	smul.u32 $0x140000, s6  }
0x8: {  	s16 =	simm.s32 $0x1;
	s17 =	simm.s32 $0x0;
	s8 =	smul.u32 $0x14000, s0  }
0x9: {  	[smem:$0x7FF] =	sst s4;
	s29 =	ssub.s32 $0x2, s6;
	s6 =	sshll.u32 s6, $0x4  }
0xa: {  	_ =	strace $0x8000004A;
	s6 =	sor.u32 s0, s6;
	s7 =	sadd.s32 s8, s7  }
0xb: {  	s30 =	sshrl.u32 s29, $0x1;
	s6 =	smul.u32 $0x2800, s6;
	s7 =	sshrl.u32 s7, $0x3  }
0xc: {  	s31 =	ssub.s32 s29, s30;
	s9 =	sadd.s32 s7, s5;
	s5 =	smul.u32 $0x280, s0  }
0xd: {  	v0 =	vimm.f32 $0.0e+00;
	v1 =	vlaneseq.u32;
	v2 =	vimm.f32 $1.000000000e+00;
	s7 =	smax.u32 s31, $0x1;
	s8 =	sadd.s32 $0x9BA00, s9;
	s9 =	simm.s32 $0x80  }
.LBB2_1:
0xe: {  	s18 =	simm.s32 $0x0;
	s19 =	simm.s32 $0x200  }
.LBB2_2:
0xf: {  	p0 =	sne.s32 s19, $0xFE00;
	[tilespmem:s18+$0x470] =	vst v0  }
0x10: {  	[tilespmem:s18+$0x400] =	vst v0  }
0x11: {  	[tilespmem:s18+$0x410] =	vst v0  }
.Ltmp0:
0x12: {  	[tilespmem:s18+$0x420] =	vst v0;
	(pc) =	sbr.rel @p0 .LBB2_2-.Ltmp0, $4  }
0x13: {  	[tilespmem:s18+$0x430] =	vst v0  }
0x14: {  	[tilespmem:s18+$0x440] =	vst v0  }
0x15: {  	[tilespmem:s18+$0x450] =	vst v0  }
0x16: {  	[tilespmem:s18+$0x460] =	vst v0;
	s18 =	sshra.s32 s19, $0x2;
	s19 =	sadd.s32 $0x200, s19  }
0x17: {  	[tilespmem:s18+$0x470] =	vst v0  }
0x18: {  	[tilespmem:s18+$0x400] =	vst v0  }
0x19: {  	[tilespmem:s18+$0x410] =	vst v0  }
0x1a: {  	[tilespmem:s18+$0x420] =	vst v0  }
0x1b: {  	[tilespmem:s18+$0x430] =	vst v0  }
0x1c: {  	[tilespmem:s18+$0x440] =	vst v0  }
0x1d: {  	[tilespmem:s18+$0x450] =	vst v0;
	s19 =	sadd.s32 $0x0, s5  }
0x1e: {  	[tilespmem:s18+$0x460] =	vst v0;
	v3 =	vor.u32 s19, v1;
	s28 =	sadd.s32 $0x70, s19  }
0x1f: {  	s20 =	sadd.s32 $0x60, s19;
	[tilespmem:$0x0] =	vst v3;
	v3 =	vor.u32 s28, v1  }
0x20: {  	s31 =	sadd.s32 $0x30, s19;
	v4 =	vor.u32 s20, v1;
	[tilespmem:$0x70] =	vst v3  }
0x21: {  	s29 =	sadd.s32 $0x50, s19;
	v5 =	vor.u32 s31, v1;
	[tilespmem:$0x60] =	vst v4  }
0x22: {  	s30 =	sadd.s32 $0x40, s19;
	v3 =	vor.u32 s29, v1;
	[tilespmem:$0x30] =	vst v5  }
0x23: {  	s21 =	sadd.s32 $0x20, s19;
	v4 =	vor.u32 s30, v1;
	[tilespmem:$0x50] =	vst v3  }
0x24: {  	s18 =	simm.s32 $0x0;
	s20 =	sadd.s32 $0x10, s19;
	s19 =	simm.s32 $0x80;
	[tilespmem:$0x40] =	vst v4;
	v3 =	vor.u32 s21, v1  }
.LBB2_4:
0x25: {  	p0 =	sne.s32 s19, $0x200;
	v4 =	vor.u32 s20, v1;
	[tilespmem:$0x20] =	vst v3  }
0x26: {  	[tilespmem:$0x10] =	vst v4;
	[spmem:s3] =	stream.indirect.scatter [tilespmem:s10], [sflag:$0x2], $0x80, s18, s9, $0xb8  }
0x27: {  	_ =	swait.ge [sflag:s11], $0x4000  }
0x28: {  	s20 =	sadd.s32 s19, s5;
	[sflag:s11] =	ssyncset.done $0x0  }
0x29: {  	v3 =	vor.u32 s20, v1;
	s21 =	sadd.s32 $0x70, s20;
	[sflag:s11] =	ssyncadd.s32 $0xFFFFC000  }
0x2a: {  	s22 =	sadd.s32 $0x60, s20;
	[tilespmem:$0x0] =	vst v3;
	v3 =	vor.u32 s21, v1  }
.Ltmp1:
0x2b: {  	v4 =	vor.u32 s22, v1;
	s21 =	sadd.s32 $0x50, s20;
	[tilespmem:$0x70] =	vst v3;
	(pc) =	sbr.rel @p0 .LBB2_4-.Ltmp1, $4  }
0x2c: {  	s22 =	sadd.s32 $0x40, s20;
	v3 =	vor.u32 s21, v1;
	[tilespmem:$0x60] =	vst v4  }
0x2d: {  	s21 =	sadd.s32 $0x30, s20;
	v4 =	vor.u32 s22, v1;
	[tilespmem:$0x50] =	vst v3  }
0x2e: {  	s22 =	sadd.s32 $0x20, s20;
	v5 =	vor.u32 s21, v1;
	[tilespmem:$0x40] =	vst v4  }
0x2f: {  	s19 =	sadd.s32 $0x80, s19;
	s20 =	sadd.s32 $0x10, s20;
	v3 =	vor.u32 s22, v1;
	[tilespmem:$0x30] =	vst v5  }
0x30: {  	v4 =	vor.u32 s20, v1;
	[tilespmem:$0x20] =	vst v3  }
0x31: {  	[tilespmem:$0x10] =	vst v4  }
0x32: {  	[spmem:s3] =	stream.indirect.scatter [tilespmem:s10], [sflag:$0x2], $0x80, s18, s9, $0xb8;
	[tilespmem:$0x18400] =	vst v63  }
0x33: {  	_ =	swait.ge [sflag:s11], $0x4000  }
0x34: {  	[sflag:s11] =	ssyncset.done $0x0  }
0x35: {  	s19 =	simm.s32 $0x200;
	s18 =	simm.s32 $0x0;
	[sflag:s11] =	ssyncadd.s32 $0xFFFFC000  }
.LBB2_6:
0x36: {  	p0 =	sne.s32 s19, $0xFE00;
	[tilespmem:s18+$0x470] =	vst v2  }
0x37: {  	[tilespmem:s18+$0x400] =	vst v2  }
0x38: {  	[tilespmem:s18+$0x410] =	vst v2  }
.Ltmp2:
0x39: {  	[tilespmem:s18+$0x420] =	vst v2;
	(pc) =	sbr.rel @p0 .LBB2_6-.Ltmp2, $4  }
0x3a: {  	[tilespmem:s18+$0x430] =	vst v2  }
0x3b: {  	[tilespmem:s18+$0x440] =	vst v2  }
0x3c: {  	[tilespmem:s18+$0x450] =	vst v2  }
0x3d: {  	[tilespmem:s18+$0x460] =	vst v2;
	s18 =	sshra.s32 s19, $0x2;
	s19 =	sadd.s32 $0x200, s19  }
0x3e: {  	[tilespmem:s18+$0x470] =	vst v2  }
0x3f: {  	[tilespmem:s18+$0x400] =	vst v2  }
0x40: {  	[tilespmem:s18+$0x410] =	vst v2  }
0x41: {  	[tilespmem:s18+$0x420] =	vst v2;
	s19 =	simm.s32 $0x0  }
0x42: {  	[tilespmem:s18+$0x430] =	vst v2;
	s20 =	sand.u32 $0x3C00, s19  }
0x43: {  	[tilespmem:s18+$0x440] =	vst v2;
	s19 =	sand.u32 $0x200, s19;
	s20 =	sadd.s32 s6, s20  }
0x44: {  	[tilespmem:s18+$0x450] =	vst v2;
	s19 =	sor.u32 s19, s20  }
0x45: {  	[tilespmem:s18+$0x460] =	vst v2;
	s28 =	sshrl.u32 s19, $0x3  }
0x46: {  	[bflag:$0x0] =	sbarrier.arrive $0xFFFF;
	s18 =	sadd.s32 s1, s28  }
0x47: {  	[tilespmem:s12], [sflag:$0x2] =	stream.linear.gather [hbm4b:s18+s4], $0x200, $0x38;
	[tilespmem:$0x18400] =	vst v63  }
0x48: {  	_ =	swait.ge [sflag:s11], $0x200  }
0x49: {  	[sflag:s11] =	ssyncset.done $0x0  }
0x4a: {  	[sflag:s11] =	ssyncadd.s32 $0xFFFFFE00  }
0x4b: {  	[spmem:s3] =	stream.indirect.scatter.add.f32 [tilespmem:s10], [sflag:$0x2], $0x80, s12, s9, $0xb8;
	[tilespmem:$0x18400] =	vst v63  }
0x4c: {  	_ =	swait.ge [sflag:s11], $0x4000  }
0x4d: {  	[sflag:s11] =	ssyncset.done $0x0  }
0x4e: {  	[sflag:s11] =	ssyncadd.s32 $0xFFFFC000  }
0x4f: {  	[spmem:s3] =	stream.indirect.scatter.add.f32 [tilespmem:s10], [sflag:$0x2], $0x80, s13, s9, $0xb8;
	[tilespmem:$0x18400] =	vst v63  }
0x50: {  	_ =	swait.ge [sflag:s11], $0x4000  }
0x51: {  	[sflag:s11] =	ssyncset.done $0x0  }
0x52: {  	[sflag:s11] =	ssyncadd.s32 $0xFFFFC000  }
0x53: {  	[spmem:s3] =	stream.indirect.scatter.add.f32 [tilespmem:s10], [sflag:$0x2], $0x80, s14, s9, $0xb8;
	[tilespmem:$0x18400] =	vst v63  }
0x54: {  	_ =	swait.ge [sflag:s11], $0x4000  }
0x55: {  	s29 =	simm.s32 $0x200;
	[sflag:s11] =	ssyncset.done $0x0  }
0x56: {  	s30 =	sand.u32 $0x3C00, s29;
	[sflag:s11] =	ssyncadd.s32 $0xFFFFC000  }
0x57: {  	[spmem:s3] =	stream.indirect.scatter.add.f32 [tilespmem:s10], [sflag:$0x2], $0x80, s15, s9, $0xb8;
	[tilespmem:$0x18400] =	vst v63  }
0x58: {  	s31 =	sand.u32 $0x200, s29;
	s19 =	sadd.s32 s6, s30;
	_ =	swait.ge [sflag:s11], $0x4000  }
0x59: {  	s19 =	sor.u32 s31, s19;
	s18 =	simm.s32 $0x400;
	[sflag:s11] =	ssyncset.done $0x0  }
.LBB2_8:
0x5a: {  	s19 =	sshrl.u32 s19, $0x3  }
0x5b: {  	[sflag:s11] =	ssyncadd.s32 $0xFFFFC000;
	s20 =	smov.u32 s18;
	s21 =	sadd.s32 $0x200, s18  }
0x5c: {  	p0 =	sne.s32 s18, $0x2600;
	s18 =	sadd.s32 s1, s19  }
0x5d: {  	[tilespmem:s12], [sflag:$0x2] =	stream.linear.gather [hbm4b:s18+s4], $0x200, $0x38;
	[tilespmem:$0x18400] =	vst v63  }
0x5e: {  	_ =	swait.ge [sflag:s11], $0x200  }
0x5f: {  	[sflag:s11] =	ssyncset.done $0x0  }
0x60: {  	[sflag:s11] =	ssyncadd.s32 $0xFFFFFE00  }
0x61: {  	[spmem:s3] =	stream.indirect.scatter.add.f32 [tilespmem:s10], [sflag:$0x2], $0x80, s12, s9, $0xb8;
	[tilespmem:$0x18400] =	vst v63  }
0x62: {  	_ =	swait.ge [sflag:s11], $0x4000  }
0x63: {  	[sflag:s11] =	ssyncset.done $0x0  }
0x64: {  	[sflag:s11] =	ssyncadd.s32 $0xFFFFC000  }
0x65: {  	[spmem:s3] =	stream.indirect.scatter.add.f32 [tilespmem:s10], [sflag:$0x2], $0x80, s13, s9, $0xb8;
	[tilespmem:$0x18400] =	vst v63  }
0x66: {  	_ =	swait.ge [sflag:s11], $0x4000  }
0x67: {  	[sflag:s11] =	ssyncset.done $0x0  }
0x68: {  	[sflag:s11] =	ssyncadd.s32 $0xFFFFC000  }
0x69: {  	[spmem:s3] =	stream.indirect.scatter.add.f32 [tilespmem:s10], [sflag:$0x2], $0x80, s14, s9, $0xb8;
	[tilespmem:$0x18400] =	vst v63  }
0x6a: {  	_ =	swait.ge [sflag:s11], $0x4000  }
.Ltmp3:
0x6b: {  	[sflag:s11] =	ssyncset.done $0x0;
	(pc) =	sbr.rel @p0 .LBB2_8-.Ltmp3, $4  }
0x6c: {  	s18 =	sand.u32 $0x3C00, s20;
	[sflag:s11] =	ssyncadd.s32 $0xFFFFC000  }
0x6d: {  	[spmem:s3] =	stream.indirect.scatter.add.f32 [tilespmem:s10], [sflag:$0x2], $0x80, s15, s9, $0xb8;
	[tilespmem:$0x18400] =	vst v63  }
0x6e: {  	s19 =	sand.u32 $0x200, s20;
	s18 =	sadd.s32 s6, s18;
	_ =	swait.ge [sflag:s11], $0x4000  }
0x6f: {  	s19 =	sor.u32 s19, s18;
	s18 =	smov.u32 s21;
	[sflag:s11] =	ssyncset.done $0x0  }
0x70: {  	s18 =	sshrl.u32 s19, $0x3  }
0x71: {  	[sflag:s11] =	ssyncadd.s32 $0xFFFFC000;
	s18 =	sadd.s32 s1, s18  }
0x72: {  	[tilespmem:s12], [sflag:$0x2] =	stream.linear.gather [hbm4b:s18+s4], $0x200, $0x38;
	[tilespmem:$0x18400] =	vst v63  }
0x73: {  	_ =	swait.ge [sflag:s11], $0x200  }
0x74: {  	[sflag:s11] =	ssyncset.done $0x0  }
0x75: {  	[sflag:s11] =	ssyncadd.s32 $0xFFFFFE00  }
0x76: {  	[spmem:s3] =	stream.indirect.scatter.add.f32 [tilespmem:s10], [sflag:$0x2], $0x80, s12, s9, $0xb8;
	[tilespmem:$0x18400] =	vst v63  }
0x77: {  	_ =	swait.ge [sflag:s11], $0x4000  }
0x78: {  	[sflag:s11] =	ssyncset.done $0x0  }
0x79: {  	[sflag:s11] =	ssyncadd.s32 $0xFFFFC000  }
0x7a: {  	[spmem:s3] =	stream.indirect.scatter.add.f32 [tilespmem:s10], [sflag:$0x2], $0x80, s13, s9, $0xb8;
	[tilespmem:$0x18400] =	vst v63  }
0x7b: {  	_ =	swait.ge [sflag:s11], $0x4000  }
0x7c: {  	[sflag:s11] =	ssyncset.done $0x0  }
0x7d: {  	[sflag:s11] =	ssyncadd.s32 $0xFFFFC000  }
0x7e: {  	[spmem:s3] =	stream.indirect.scatter.add.f32 [tilespmem:s10], [sflag:$0x2], $0x80, s14, s9, $0xb8;
	[tilespmem:$0x18400] =	vst v63  }
0x7f: {  	_ =	swait.ge [sflag:s11], $0x4000  }
0x80: {  	[sflag:s11] =	ssyncset.done $0x0  }
0x81: {  	[sflag:s11] =	ssyncadd.s32 $0xFFFFC000  }
0x82: {  	[spmem:s3] =	stream.indirect.scatter.add.f32 [tilespmem:s10], [sflag:$0x2], $0x80, s15, s9, $0xb8;
	[tilespmem:$0x18400] =	vst v63  }
0x83: {  	_ =	swait.ge [sflag:s11], $0x4000  }
0x84: {  	[sflag:s11] =	ssyncset.done $0x0  }
0x85: {  	s25 =	sadd.s32 $0x0, s5;
	[sflag:s11] =	ssyncadd.s32 $0xFFFFC000  }
0x86: {  	v3 =	vor.u32 s25, v1;
	s20 =	sadd.s32 $0x20, s25;
	[bflag:$0x0] =	sbarrier.arrive $0xFFFF  }
0x87: {  	s30 =	sadd.s32 $0x40, s25;
	v4 =	vor.u32 s20, v1;
	[tilespmem:$0x0] =	vst v3  }
0x88: {  	v62 =	vor.u32 s30, v1;
	s18 =	sadd.s32 $0x30, s25;
	[tilespmem:$0x20] =	vst v4  }
0x89: {  	s26 =	sadd.s32 $0x10, s25;
	v63 =	vor.u32 s18, v1;
	[tilespmem:$0x40] =	vst v62  }
0x8a: {  	s28 =	sadd.s32 $0x70, s25;
	v3 =	vor.u32 s26, v1;
	[tilespmem:$0x30] =	vst v63  }
0x8b: {  	s29 =	sadd.s32 $0x50, s25;
	[tilespmem:$0x10] =	vst v3;
	v3 =	vor.u32 s28, v1  }
0x8c: {  	s31 =	sadd.s32 $0x60, s25;
	[tilespmem:$0x70] =	vst v3;
	v3 =	vor.u32 s29, v1  }
0x8d: {  	[tilespmem:$0x50] =	vst v3;
	v3 =	vor.u32 s31, v1  }
0x8e: {  	s19 =	smov.u32 s8;
	s20 =	smov.u32 s8;
	s18 =	simm.s32 $0x80;
	[tilespmem:$0x60] =	vst v3  }
0x8f: {  	[tilespmem:s10], [sflag:$0x1] =	stream.indirect.gather [spmem:s3], $0x80, s4, s9, $0xb8;
	[tilespmem:$0x18400] =	vst v63  }
.LBB2_10:
0x90: {  	p0 =	sne.s32 s18, $0x200;
	_ =	swait.ge [sflag:s16], $0x4000;
	s20 =	sadd.s32 $0x800, s20  }
0x91: {  	s21 =	smov.u32 s18;
	s18 =	sadd.s32 $0x80, s18;
	[sflag:s16] =	ssyncset.done $0x0  }
0x92: {  	[sflag:s16] =	ssyncadd.s32 $0xFFFFC000  }
0x93: {  	[hbm4b:s19+s4] =	stream.linear.scatter [tilespmem:s10], [sflag:$0x2], $0x4000, $0x38;
	[tilespmem:$0x18400] =	vst v63  }
0x94: {  	s19 =	smov.u32 s20;
	_ =	swait.ge [sflag:s11], $0x4000  }
0x95: {  	s21 =	sadd.s32 s21, s5;
	[sflag:s11] =	ssyncset.done $0x0  }
0x96: {  	v3 =	vor.u32 s21, v1;
	s22 =	sadd.s32 $0x10, s21;
	s23 =	sadd.s32 $0x20, s21;
	[sflag:s11] =	ssyncadd.s32 $0xFFFFC000  }
0x97: {  	s24 =	sadd.s32 $0x70, s21;
	v4 =	vor.u32 s23, v1;
	s23 =	sadd.s32 $0x50, s21;
	[tilespmem:$0x0] =	vst v3;
	v3 =	vor.u32 s22, v1;
	s22 =	sadd.s32 $0x40, s21  }
0x98: {  	s25 =	sadd.s32 $0x30, s21;
	v6 =	vor.u32 s24, v1;
	v5 =	vor.u32 s23, v1;
	s21 =	sadd.s32 $0x60, s21;
	[tilespmem:$0x10] =	vst v3;
	v3 =	vor.u32 s22, v1  }
0x99: {  	v7 =	vor.u32 s25, v1;
	v8 =	vor.u32 s21, v1;
	[tilespmem:$0x70] =	vst v6  }
0x9a: {  	[tilespmem:$0x20] =	vst v4  }
.Ltmp4:
0x9b: {  	[tilespmem:$0x50] =	vst v5;
	(pc) =	sbr.rel @p0 .LBB2_10-.Ltmp4, $4  }
0x9c: {  	[tilespmem:$0x40] =	vst v3  }
0x9d: {  	[tilespmem:$0x60] =	vst v8  }
0x9e: {  	[tilespmem:$0x30] =	vst v7  }
0x9f: {  	[tilespmem:s10], [sflag:$0x1] =	stream.indirect.gather [spmem:s3], $0x80, s4, s9, $0xb8;
	[tilespmem:$0x18400] =	vst v63  }
0xa0: {  	_ =	swait.ge [sflag:s16], $0x4000;
	s17 =	sadd.s32 $0x1, s17  }
0xa1: {  	[sflag:s16] =	ssyncset.done $0x0;
	p0 =	sne.s32 s17, s7  }
.Ltmp5:
0xa2: {  	[sflag:s16] =	ssyncadd.s32 $0xFFFFC000;
	(pc) =	sbr.rel @p0 .LBB2_1-.Ltmp5, $4  }
0xa3: {  	[hbm4b:s19+s4] =	stream.linear.scatter [tilespmem:s10], [sflag:$0x2], $0x4000, $0x38;
	[tilespmem:$0x18400] =	vst v63  }
0xa4: {  	_ =	swait.ge [sflag:s11], $0x4000  }
0xa5: {  	[sflag:s11] =	ssyncset.done $0x0  }
0xa6: {  	[sflag:s11] =	ssyncadd.s32 $0xFFFFC000  }
0xa7: {  	_ =	sfence.sel $0x180000  }
0xa8: {  	[bflag:$0x0] =	sbarrier.arrive $0xFFFF  }
0xa9: {  	p0 =	sne.s32 s0, $0x0;
	_ =	strace $0x9000004A  }
0xaa: {  	s0 =	sadd.s32 @!p0 $0x100000, s2;
	[bflag:$0x2] =	sbarrier.arrive $0xFFFF  }
0xab: {  	[sflag:s0] =	ssyncadd.tile.s32 @!p0 $0x1;
	_ =	shalt  }
.Lfunc_end2:
_tile_overlayer_lowered:
.L_overlay_start_2:
0xac: {  	(tag) =	ssettag $0x2  }
0xad: {  	s0 =	rddreg [dreg:$0x0];
	s2 =	stileid.u32  }
0xae: {  	s1 =	rddreg [dreg:$0x1];
	p0 =	sne.s32 s2, $0x0  }
0xaf: {  	s3 =	rddreg [dreg:$0x2];
	[bflag:$0x3] =	sbarrier.arrive $0xFFFF;
	s2 =	simm.s32 @!p0 $0x1C02  }
0xb0: {  	[timem:s3], [sflag:s2] =	dma.local @!p0 [hbm:s0], s1  }
0xb1: {  	s0 =	simm.s32 @!p0 $0x2  }
0xb2: {  	_ =	swait.ge @!p0 [sflag:s0], s1  }
0xb3: {  	s1 =	ssub.s32 @!p0 $0x0, s1;
	[sflag:s0] =	ssyncset.done @!p0 $0x0  }
0xb4: {  	[sflag:s0] =	ssyncadd.s32 @!p0 s1  }
0xb5: {  	[bflag:$0x3] =	sbarrier.arrive $0xFFFF  }
0xb6: {  	_ =	shalt  }

</sc_bundles>
